<compile_context>
chip_gen: v7x
topology: tpu7x:2x2x1
jax: 0.10.2.dev20260603
libtpu: 0.0.44.dev20260713+nightly
codegen_flags: <defaults>
</compile_context>

<pallas_src>
import functools
import jax
import jax.numpy as jnp
from jax import lax
from jax.experimental import pallas as pl
from jax.experimental.pallas import tpu as pltpu
from jax.experimental.pallas import tpu_sc as plsc

N_NODES = 100000
LANES = 128
ROWS = 800
N_PAD = ROWS * LANES
NC = 2
NS = 16
NW = NC * NS
CHUNK1 = 8192
NBUF = 2
RPS = N_PAD // NS


def _m8(v):
    return pl.multiple_of(v, 8)


def _sc_mesh():
    return plsc.VectorSubcoreMesh(core_axis_name="c", subcore_axis_name="s")


def _deg_body(n_full, tail, dst_hbm, padidx_hbm, ones_hbm, zeros_hbm,
              out_hbm, idx_v, ones_v, stage_v, deg_sh, sem):
    c = lax.axis_index("c")
    s = lax.axis_index("s")
    wid = c * NS + s
    pltpu.sync_copy(zeros_hbm.at[pl.ds(_m8(s * RPS), RPS)], stage_v)
    pltpu.sync_copy(stage_v, deg_sh.at[pl.ds(_m8(s * RPS), RPS)])
    pltpu.sync_copy(ones_hbm, ones_v)
    plsc.subcore_barrier()

    def body(k, carry):
        g = wid + NW * k

        @pl.when(g < n_full)
        def _():
            off = _m8(g * CHUNK1)
            pltpu.sync_copy(dst_hbm.at[pl.ds(off, CHUNK1)], idx_v)
            pltpu.sync_copy(ones_v, deg_sh.at[idx_v], add=True)

        return carry

    lax.fori_loop(0, (n_full + NW - 1) // NW, body, 0)
    if tail:
        @pl.when(wid == NW - 1)
        def _():
            pltpu.sync_copy(padidx_hbm, idx_v)
            pltpu.sync_copy(dst_hbm.at[pl.ds(_m8(n_full * CHUNK1), tail)],
                            idx_v.at[pl.ds(0, tail)])
            pltpu.sync_copy(ones_v, deg_sh.at[idx_v], add=True)
    plsc.subcore_barrier()
    pltpu.sync_copy(deg_sh.at[pl.ds(_m8(s * RPS), RPS)], stage_v)
    pltpu.sync_copy(stage_v,
                    out_hbm.at[pl.ds(_m8(c * N_PAD + s * RPS), RPS)])


def _edge_body(nch, n_full, tail, *refs):
    src_hbm, dst_hbm, padidx_hbm = refs[0], refs[1], refs[2]
    tabs_hbm = refs[3:3 + nch]
    zeros_hbm = refs[3 + nch]
    outs_hbm = refs[4 + nch:4 + 2 * nch]
    sc = refs[4 + 2 * nch:]
    isrc = sc[0:NBUF]
    idst = sc[NBUF:2 * NBUF]
    stage_v = sc[2 * NBUF]
    b0 = 2 * NBUF + 1
    vals = [sc[b0 + b * nch:b0 + (b + 1) * nch] for b in range(NBUF)]
    t0 = b0 + NBUF * nch
    tabs_sh = sc[t0:t0 + nch]
    aggs_sh = sc[t0 + nch:t0 + 2 * nch]
    sems = sc[t0 + 2 * nch:t0 + 2 * nch + NBUF + 1]

    c = lax.axis_index("c")
    s = lax.axis_index("s")
    wid = c * NS + s
    sl = pl.ds(_m8(s * RPS), RPS)
    for k in range(nch):
        pltpu.sync_copy(tabs_hbm[k].at[sl], stage_v)
        pltpu.sync_copy(stage_v, tabs_sh[k].at[sl])
    pltpu.sync_copy(zeros_hbm.at[sl], stage_v)
    for k in range(nch):
        pltpu.sync_copy(stage_v, aggs_sh[k].at[sl])
    plsc.subcore_barrier()

    def load_and_fire(g, buf):
        off = _m8(g * CHUNK1)
        pltpu.sync_copy(src_hbm.at[pl.ds(off, CHUNK1)], isrc[buf])
        pltpu.sync_copy(dst_hbm.at[pl.ds(off, CHUNK1)], idst[buf])
        for k in range(nch):
            pltpu.async_copy(tabs_sh[k].at[isrc[buf]], vals[buf][k], sems[buf])

    def drain_and_scatter(buf):
        for k in range(nch):
            pltpu.make_async_copy(tabs_sh[k].at[isrc[buf]], vals[buf][k],
                                  sems[buf]).wait()
        cps = [pltpu.async_copy(vals[buf][k], aggs_sh[k].at[idst[buf]],
                                sems[NBUF], add=True) for k in range(nch)]
        for cp in cps:
            cp.wait()

    for b in range(NBUF - 1):
        g0 = wid + NW * b

        @pl.when(g0 < n_full)
        def _(g0=g0, b=b):
            load_and_fire(g0, b)

    kmax = (n_full + NW - 1) // NW

    def body(i, carry):
        for j in range(NBUF):
            g_new = wid + NW * (NBUF * i + NBUF - 1 + j)
            g_old = wid + NW * (NBUF * i + j)
            fire_buf = (NBUF - 1 + j) % NBUF
            drain_buf = j

            @pl.when(g_new < n_full)
            def _(g_new=g_new, fire_buf=fire_buf):
                load_and_fire(g_new, fire_buf)

            @pl.when(g_old < n_full)
            def _(g_old=g_old, drain_buf=drain_buf):
                drain_and_scatter(drain_buf)

        return carry

    lax.fori_loop(0, (kmax + NBUF - 1) // NBUF, body, 0)
    if tail:
        @pl.when(wid == NW - 1)
        def _():
            pltpu.sync_copy(padidx_hbm, isrc[0])
            pltpu.sync_copy(padidx_hbm, idst[0])
            toff = _m8(n_full * CHUNK1)
            pltpu.sync_copy(src_hbm.at[pl.ds(toff, tail)],
                            isrc[0].at[pl.ds(0, tail)])
            pltpu.sync_copy(dst_hbm.at[pl.ds(toff, tail)],
                            idst[0].at[pl.ds(0, tail)])
            for k in range(nch):
                pltpu.async_copy(tabs_sh[k].at[isrc[0]], vals[0][k],
                                 sems[0]).wait()
            for k in range(nch):
                pltpu.sync_copy(vals[0][k], aggs_sh[k].at[idst[0]], add=True)
    plsc.subcore_barrier()
    osl = pl.ds(_m8(c * N_PAD + s * RPS), RPS)
    for k in range(nch):
        pltpu.sync_copy(aggs_sh[k].at[sl], stage_v)
        pltpu.sync_copy(stage_v, outs_hbm[k].at[osl])


def _edge_pass(nch, n_full, tail, src, dst, padidx, tabs, zeros):
    fn = pl.kernel(
        functools.partial(_edge_body, nch, n_full, tail),
        out_type=tuple(jax.ShapeDtypeStruct((NC * N_PAD,), jnp.float32)
                       for _ in range(nch)),
        mesh=_sc_mesh(),
        scratch_types=(
            [pltpu.VMEM((CHUNK1,), jnp.int32)] * (2 * NBUF)
            + [pltpu.VMEM((RPS,), jnp.float32)]
            + [pltpu.VMEM((CHUNK1,), jnp.float32)] * (NBUF * nch)
            + [pltpu.VMEM_SHARED((N_PAD,), jnp.float32)] * (2 * nch)
            + [pltpu.SemaphoreType.DMA] * (NBUF + 1)
        ),
    )
    return fn(src, dst, padidx, *tabs, zeros)


def _tc_a(degp_ref, xt_ref, dis_ref, y0_ref, y1_ref, y2_ref):
    deg = degp_ref[0] + degp_ref[1] + 1.0
    dis = lax.rsqrt(deg)
    dis_ref[...] = dis
    for ch, yref in enumerate((y0_ref, y1_ref, y2_ref)):
        yref[...] = xt_ref[ch] * dis


def _tc_b(a0_ref, a1_ref, a2_ref, xt_ref, dis_ref, w1_ref, b1_ref, w2_ref,
          z_ref, q_ref):
    dis = dis_ref[...]
    w1 = w1_ref[...]
    b1 = b1_ref[...]
    w2 = w2_ref[...]
    aggs = [a0_ref, a1_ref, a2_ref]
    svec = []
    for ch in range(3):
        agg = aggs[ch][0] + aggs[ch][1]
        svec.append(dis * (agg + dis * xt_ref[ch]))
    q = jnp.zeros_like(dis)
    for j in range(16):
        h = svec[0] * w1[0, j] + svec[1] * w1[1, j] + svec[2] * w1[2, j] + b1[j]
        h = jnp.where(h > 0, h, jnp.exp(h) - 1.0)
        q = q + h * w2[j, 0]
    q_ref[...] = q
    z_ref[...] = q * dis


def _tc_c(aggp_ref, dis_ref, q_ref, b2_ref, out_ref):
    dis = dis_ref[...]
    agg = aggp_ref[0] + aggp_ref[1]
    o = dis * (agg + dis * q_ref[...]) + b2_ref[0]
    out_ref[...] = jnp.where(o > 0, o, jnp.exp(o) - 1.0)


def kernel(x, edge_index, W1, b1, W2, b2):
    E = edge_index.shape[1]
    src = edge_index[0].astype(jnp.int32)
    dst = edge_index[1].astype(jnp.int32)
    n_full = E // CHUNK1
    tail = E - n_full * CHUNK1
    if tail % 8 != 0 or n_full < NW:
        pad = (n_full + 1) * CHUNK1 - E if tail else 0
        pad += max(0, NW - (n_full + (1 if tail else 0))) * CHUNK1
        npadrows = N_PAD - N_NODES
        padv = N_NODES + jnp.arange(pad, dtype=jnp.int32) % npadrows
        src = jnp.concatenate([src, padv])
        dst = jnp.concatenate([dst, padv])
        n_full = (E + pad) // CHUNK1
        tail = 0

    npadrows = N_PAD - N_NODES
    padidx = (N_NODES
              + jnp.arange(CHUNK1, dtype=jnp.int32) % npadrows)
    zeros1 = jnp.zeros((N_PAD,), jnp.float32)
    ones_c = jnp.ones((CHUNK1,), jnp.float32)
    xt = jnp.pad(x.T, ((0, 0), (0, N_PAD - N_NODES))).reshape(3, ROWS, LANES)

    deg_fn = pl.kernel(
        functools.partial(_deg_body, n_full, tail),
        out_type=jax.ShapeDtypeStruct((NC * N_PAD,), jnp.float32),
        mesh=_sc_mesh(),
        scratch_types=[
            pltpu.VMEM((CHUNK1,), jnp.int32),
            pltpu.VMEM((CHUNK1,), jnp.float32),
            pltpu.VMEM((RPS,), jnp.float32),
            pltpu.VMEM_SHARED((N_PAD,), jnp.float32),
            pltpu.SemaphoreType.DMA,
        ],
    )
    degp = deg_fn(dst, padidx, ones_c, zeros1)

    dis_pl, y0, y1, y2 = pl.pallas_call(
        _tc_a,
        out_shape=tuple(jax.ShapeDtypeStruct((ROWS, LANES), jnp.float32)
                        for _ in range(4)),
    )(degp.reshape(NC, ROWS, LANES), xt)

    ytabs = [y0.reshape(N_PAD), y1.reshape(N_PAD), y2.reshape(N_PAD)]

    agg1 = _edge_pass(3, n_full, tail, src, dst, padidx, ytabs, zeros1)
    agg1_pl = [a.reshape(NC, ROWS, LANES) for a in agg1]

    z_pl, q_pl = pl.pallas_call(
        _tc_b,
        out_shape=(jax.ShapeDtypeStruct((ROWS, LANES), jnp.float32),
                   jax.ShapeDtypeStruct((ROWS, LANES), jnp.float32)),
    )(agg1_pl[0], agg1_pl[1], agg1_pl[2], xt, dis_pl, W1, b1, W2)

    (agg2,) = _edge_pass(1, n_full, tail, src, dst, padidx,
                         [z_pl.reshape(N_PAD)], zeros1)

    out_pl = pl.pallas_call(
        _tc_c,
        out_shape=jax.ShapeDtypeStruct((ROWS, LANES), jnp.float32),
    )(agg2.reshape(NC, ROWS, LANES), dis_pl, q_pl, b2)

    return out_pl.reshape(N_PAD)[:N_NODES].reshape(N_NODES, 1)

# --- scband reference (transcript-rebuilt; emitter-appended) ---
"""Pipeline reference for scband-gcn-74869869904461 (READ-ONLY COPY).

The authoritative reference and input builder live on the scoring server;
editing this copy changes nothing except your own understanding.
"""

import jax, jax.numpy as jnp
import numpy as np

N = 100000

def setup_inputs(seed: int = 0) -> dict:
    key = jax.random.key(seed)
    k1, k2, k3, k4, k5, k6 = jax.random.split(key, 6)
    x = jax.random.normal(k1, (N, 3), dtype=jnp.float32)
    edge_index = jax.random.randint(k2, (2, 6400000), 0, N, dtype=jnp.int64)
    # GCNConv(3,16): glorot weight [in,out], zero bias
    W1 = jax.random.normal(k3, (3, 16), dtype=jnp.float32) * (2.0 / (3 + 16)) ** 0.5
    b1 = jnp.zeros((16,), dtype=jnp.float32)
    W2 = jax.random.normal(k4, (16, 1), dtype=jnp.float32) * (2.0 / (16 + 1)) ** 0.5
    b2 = jnp.zeros((1,), dtype=jnp.float32)
    return {"x": x, "edge_index": edge_index, "W1": W1, "b1": b1, "W2": W2, "b2": b2}


def _gcn_conv(x, src, dst, W, b, num_nodes):
    # x already includes self-loop edges appended in src/dst
    deg = jnp.zeros((num_nodes,), dtype=x.dtype).at[dst].add(1.0)
    deg_inv_sqrt = jnp.where(deg > 0, deg ** -0.5, 0.0)
    norm = deg_inv_sqrt[src] * deg_inv_sqrt[dst]
    h = x @ W
    msg = h[src] * norm[:, None]
    out = jnp.zeros((num_nodes, W.shape[1]), dtype=x.dtype).at[dst].add(msg)
    return out + b


def reference(x, edge_index, W1, b1, W2, b2):
    num_nodes = x.shape[0]
    loop = jnp.arange(num_nodes, dtype=edge_index.dtype)
    src = jnp.concatenate([edge_index[0], loop])
    dst = jnp.concatenate([edge_index[1], loop])
    h = _gcn_conv(x, src, dst, W1, b1, num_nodes)
    h = jax.nn.elu(h)
    # dropout treated as identity (inference-mode determinism)
    h = _gcn_conv(h, src, dst, W2, b2, num_nodes)
    return jax.nn.elu(h)

if __name__ == "__main__":
    import jax
    _d = setup_inputs()
    print(jax.jit(kernel)(*tuple(_d.values())))

</pallas_src>

<mosaic_0001>
#map = affine_map<(d0, d1) -> (0)>
module attributes {stable_mosaic.version = 14 : i64} {
  func.func @_deg_body(%arg0: i32, %arg1: i32, %arg2: memref<6400000xi32, #tpu.memory_space<hbm>>, %arg3: memref<8192xi32, #tpu.memory_space<hbm>>, %arg4: memref<8192xf32, #tpu.memory_space<hbm>>, %arg5: memref<102400xf32, #tpu.memory_space<hbm>>, %arg6: memref<204800xf32, #tpu.memory_space<hbm>>, %arg7: memref<8192xi32, #tpu.memory_space<vmem>>, %arg8: memref<8192xf32, #tpu.memory_space<vmem>>, %arg9: memref<6400xf32, #tpu.memory_space<vmem>>, %arg10: memref<102400xf32, #tpu.memory_space<vmem_shared>>, %arg11: memref<!tpu.dma_semaphore, #tpu.memory_space<semaphore_mem>>) attributes {dimension_semantics = [#tpu.dimension_semantics<core_parallel>, #tpu.dimension_semantics<subcore_parallel>], iteration_bounds = array<i64: 2, 16>, scalar_prefetch = 0 : i64, scratch_operands = 5 : i64, tpu.core_type = #tpu.core_type<sc_vector_subcore>, window_params = [{transform_indices = #map}, {transform_indices = #map}, {transform_indices = #map}, {transform_indices = #map}, {transform_indices = #map}]} {
    %mul3A = arith.constant 16 : i32
    %mul3A_0 = arith.muli %arg0, %mul3A : i32
    %add3A = arith.addi %mul3A_0, %arg1 : i32
    %mul3A_1 = arith.constant 6400 : i32
    %mul3A_2 = arith.muli %arg1, %mul3A_1 : i32
    %multiple_of3A = tpu.assume_multiple %mul3A_2, 8 : i32
    "tpu.region"() ({
      %run_scoped3A = tpu.sem_alloc : memref<!tpu.dma_semaphore, #tpu.memory_space<semaphore_mem>>
      %dma_start3A = tpu.memref_slice %arg5[%multiple_of3A] : memref<102400xf32, #tpu.memory_space<hbm>> -> memref<6400xf32, #tpu.memory_space<hbm>>
      %dma_start3A_23 = tpu.memref_slice %arg5[%multiple_of3A] : memref<102400xf32, #tpu.memory_space<hbm>> -> memref<6400xf32, #tpu.memory_space<hbm>>
      tpu.enqueue_dma source(%dma_start3A_23 : memref<6400xf32, #tpu.memory_space<hbm>>) target(%arg9 : memref<6400xf32, #tpu.memory_space<vmem>>) target_semaphore(%run_scoped3A : memref<!tpu.dma_semaphore, #tpu.memory_space<semaphore_mem>>)
      %dma_wait3A = tpu.memref_slice %arg5[%multiple_of3A] : memref<102400xf32, #tpu.memory_space<hbm>> -> memref<6400xf32, #tpu.memory_space<hbm>>
      %dma_wait3A_24 = tpu.memref_slice %arg5[%multiple_of3A] : memref<102400xf32, #tpu.memory_space<hbm>> -> memref<6400xf32, #tpu.memory_space<hbm>>
      tpu.wait_dma2 semaphore(%run_scoped3A : memref<!tpu.dma_semaphore, #tpu.memory_space<semaphore_mem>>) src(%dma_wait3A_24 : memref<6400xf32, #tpu.memory_space<hbm>>) dst(%arg9 : memref<6400xf32, #tpu.memory_space<vmem>>)
      tpu.yield
    }) : () -> ()
    %mul3A_3 = arith.constant 6400 : i32
    %mul3A_4 = arith.muli %arg1, %mul3A_3 : i32
    %multiple_of3A_5 = tpu.assume_multiple %mul3A_4, 8 : i32
    "tpu.region"() ({
      %run_scoped3A = tpu.sem_alloc : memref<!tpu.dma_semaphore, #tpu.memory_space<semaphore_mem>>
      %dma_start3A = tpu.memref_slice %arg10[%multiple_of3A_5] : memref<102400xf32, #tpu.memory_space<vmem_shared>> -> memref<6400xf32, #tpu.memory_space<vmem_shared>>
      %dma_start3A_23 = tpu.memref_slice %arg10[%multiple_of3A_5] : memref<102400xf32, #tpu.memory_space<vmem_shared>> -> memref<6400xf32, #tpu.memory_space<vmem_shared>>
      tpu.enqueue_dma source(%arg9 : memref<6400xf32, #tpu.memory_space<vmem>>) target(%dma_start3A_23 : memref<6400xf32, #tpu.memory_space<vmem_shared>>) target_semaphore(%run_scoped3A : memref<!tpu.dma_semaphore, #tpu.memory_space<semaphore_mem>>)
      %dma_wait3A = tpu.memref_slice %arg10[%multiple_of3A_5] : memref<102400xf32, #tpu.memory_space<vmem_shared>> -> memref<6400xf32, #tpu.memory_space<vmem_shared>>
      %dma_wait3A_24 = tpu.memref_slice %arg10[%multiple_of3A_5] : memref<102400xf32, #tpu.memory_space<vmem_shared>> -> memref<6400xf32, #tpu.memory_space<vmem_shared>>
      tpu.wait_dma2 semaphore(%run_scoped3A : memref<!tpu.dma_semaphore, #tpu.memory_space<semaphore_mem>>) src(%arg9 : memref<6400xf32, #tpu.memory_space<vmem>>) dst(%dma_wait3A_24 : memref<6400xf32, #tpu.memory_space<vmem_shared>>)
      tpu.yield
    }) : () -> ()
    "tpu.region"() ({
      %run_scoped3A = tpu.sem_alloc : memref<!tpu.dma_semaphore, #tpu.memory_space<semaphore_mem>>
      tpu.enqueue_dma source(%arg4 : memref<8192xf32, #tpu.memory_space<hbm>>) target(%arg8 : memref<8192xf32, #tpu.memory_space<vmem>>) target_semaphore(%run_scoped3A : memref<!tpu.dma_semaphore, #tpu.memory_space<semaphore_mem>>)
      tpu.wait_dma2 semaphore(%run_scoped3A : memref<!tpu.dma_semaphore, #tpu.memory_space<semaphore_mem>>) src(%arg4 : memref<8192xf32, #tpu.memory_space<hbm>>) dst(%arg8 : memref<8192xf32, #tpu.memory_space<vmem>>)
      tpu.yield
    }) : () -> ()
    %barrier3A = arith.constant 0 : index
    tpu.barrier barrier_id(%barrier3A)
    %scan3A = arith.constant 0 : i32
    %scan3A_6 = arith.constant 0 : i32
    %scan3A_7 = arith.constant 25 : i32
    %scan3A_8 = arith.addi %scan3A_6, %scan3A_7 : i32
    %scan3A_9 = arith.constant 1 : i32
    scf.for %scan3A_23 = %scan3A_6 to %scan3A_8 step %scan3A_9  : i32 {
      %mul3A_24 = arith.constant 32 : i32
      %mul3A_25 = arith.muli %mul3A_24, %scan3A_23 : i32
      %add3A_26 = arith.addi %add3A, %mul3A_25 : i32
      %lt3A = arith.constant 781 : i32
      %lt3A_27 = arith.cmpi slt, %add3A_26, %lt3A : i32
      %convert_element_type3A_28 = arith.extui %lt3A_27 : i1 to i32
      %cond3A_29 = arith.constant 0 : i32
      %cond3A_30 = arith.cmpi ne, %convert_element_type3A_28, %cond3A_29 : i32
      scf.if %cond3A_30 {
        %mul3A_31 = arith.constant 8192 : i32
        %mul3A_32 = arith.muli %add3A_26, %mul3A_31 : i32
        %multiple_of3A_33 = tpu.assume_multiple %mul3A_32, 8 : i32
        "tpu.region"() ({
          %run_scoped3A = tpu.sem_alloc : memref<!tpu.dma_semaphore, #tpu.memory_space<semaphore_mem>>
          %dma_start3A = tpu.memref_slice %arg2[%multiple_of3A_33] : memref<6400000xi32, #tpu.memory_space<hbm>> -> memref<8192xi32, #tpu.memory_space<hbm>>
          %dma_start3A_34 = tpu.memref_slice %arg2[%multiple_of3A_33] : memref<6400000xi32, #tpu.memory_space<hbm>> -> memref<8192xi32, #tpu.memory_space<hbm>>
          tpu.enqueue_dma source(%dma_start3A_34 : memref<8192xi32, #tpu.memory_space<hbm>>) target(%arg7 : memref<8192xi32, #tpu.memory_space<vmem>>) target_semaphore(%run_scoped3A : memref<!tpu.dma_semaphore, #tpu.memory_space<semaphore_mem>>)
          %dma_wait3A = tpu.memref_slice %arg2[%multiple_of3A_33] : memref<6400000xi32, #tpu.memory_space<hbm>> -> memref<8192xi32, #tpu.memory_space<hbm>>
          %dma_wait3A_35 = tpu.memref_slice %arg2[%multiple_of3A_33] : memref<6400000xi32, #tpu.memory_space<hbm>> -> memref<8192xi32, #tpu.memory_space<hbm>>
          tpu.wait_dma2 semaphore(%run_scoped3A : memref<!tpu.dma_semaphore, #tpu.memory_space<semaphore_mem>>) src(%dma_wait3A_35 : memref<8192xi32, #tpu.memory_space<hbm>>) dst(%arg7 : memref<8192xi32, #tpu.memory_space<vmem>>)
          tpu.yield
        }) : () -> ()
        "tpu.region"() ({
          %run_scoped3A = tpu.sem_alloc : memref<!tpu.dma_semaphore, #tpu.memory_space<semaphore_mem>>
          %dma_start3A = arith.constant 0 : i32
          %dma_start3A_34 = tpu.memref_slice %arg10[%dma_start3A] : memref<102400xf32, #tpu.memory_space<vmem_shared>> -> memref<102400xf32, #tpu.memory_space<vmem_shared>>
          tpu.enqueue_indirect_dma source(%arg8 : memref<8192xf32, #tpu.memory_space<vmem>>) target(%dma_start3A_34 : memref<102400xf32, #tpu.memory_space<vmem_shared>>) offsets(%arg7 : memref<8192xi32, #tpu.memory_space<vmem>>) semaphore(%run_scoped3A : memref<!tpu.dma_semaphore, #tpu.memory_space<semaphore_mem>>) {add = true}
          %dma_wait3A = arith.constant 0 : i32
          %dma_wait3A_35 = tpu.memref_slice %arg10[%dma_wait3A] : memref<102400xf32, #tpu.memory_space<vmem_shared>> -> memref<102400xf32, #tpu.memory_space<vmem_shared>>
          tpu.wait_indirect_dma semaphore(%run_scoped3A : memref<!tpu.dma_semaphore, #tpu.memory_space<semaphore_mem>>) src(%arg8 : memref<8192xf32, #tpu.memory_space<vmem>>) dst(%dma_wait3A_35 : memref<102400xf32, #tpu.memory_space<vmem_shared>>)
          tpu.yield
        }) : () -> ()
      } else {
      }
    }
    %scan3A_10 = arith.constant 25 : i32
    %eq3A = arith.constant 31 : i32
    %eq3A_11 = arith.cmpi eq, %add3A, %eq3A : i32
    %convert_element_type3A = arith.extui %eq3A_11 : i1 to i32
    %cond3A = arith.constant 0 : i32
    %cond3A_12 = arith.cmpi ne, %convert_element_type3A, %cond3A : i32
    scf.if %cond3A_12 {
      "tpu.region"() ({
        %run_scoped3A = tpu.sem_alloc : memref<!tpu.dma_semaphore, #tpu.memory_space<semaphore_mem>>
        tpu.enqueue_dma source(%arg3 : memref<8192xi32, #tpu.memory_space<hbm>>) target(%arg7 : memref<8192xi32, #tpu.memory_space<vmem>>) target_semaphore(%run_scoped3A : memref<!tpu.dma_semaphore, #tpu.memory_space<semaphore_mem>>)
        tpu.wait_dma2 semaphore(%run_scoped3A : memref<!tpu.dma_semaphore, #tpu.memory_space<semaphore_mem>>) src(%arg3 : memref<8192xi32, #tpu.memory_space<hbm>>) dst(%arg7 : memref<8192xi32, #tpu.memory_space<vmem>>)
        tpu.yield
      }) : () -> ()
      %multiple_of3A_23 = arith.constant 6397952 : i32
      %multiple_of3A_24 = tpu.assume_multiple %multiple_of3A_23, 8 : i32
      "tpu.region"() ({
        %run_scoped3A = tpu.sem_alloc : memref<!tpu.dma_semaphore, #tpu.memory_space<semaphore_mem>>
        %dma_start3A = arith.constant 0 : i32
        %dma_start3A_25 = tpu.memref_slice %arg7[%dma_start3A] : memref<8192xi32, #tpu.memory_space<vmem>> -> memref<2048xi32, #tpu.memory_space<vmem>>
        %dma_start3A_26 = tpu.memref_slice %arg2[%multiple_of3A_24] : memref<6400000xi32, #tpu.memory_space<hbm>> -> memref<2048xi32, #tpu.memory_space<hbm>>
        %dma_start3A_27 = arith.constant 0 : i32
        %dma_start3A_28 = tpu.memref_slice %arg7[%dma_start3A_27] : memref<8192xi32, #tpu.memory_space<vmem>> -> memref<2048xi32, #tpu.memory_space<vmem>>
        %dma_start3A_29 = tpu.memref_slice %arg2[%multiple_of3A_24] : memref<6400000xi32, #tpu.memory_space<hbm>> -> memref<2048xi32, #tpu.memory_space<hbm>>
        tpu.enqueue_dma source(%dma_start3A_29 : memref<2048xi32, #tpu.memory_space<hbm>>) target(%dma_start3A_28 : memref<2048xi32, #tpu.memory_space<vmem>>) target_semaphore(%run_scoped3A : memref<!tpu.dma_semaphore, #tpu.memory_space<semaphore_mem>>)
        %dma_wait3A = arith.constant 0 : i32
        %dma_wait3A_30 = tpu.memref_slice %arg7[%dma_wait3A] : memref<8192xi32, #tpu.memory_space<vmem>> -> memref<2048xi32, #tpu.memory_space<vmem>>
        %dma_wait3A_31 = tpu.memref_slice %arg2[%multiple_of3A_24] : memref<6400000xi32, #tpu.memory_space<hbm>> -> memref<2048xi32, #tpu.memory_space<hbm>>
        %dma_wait3A_32 = arith.constant 0 : i32
        %dma_wait3A_33 = tpu.memref_slice %arg7[%dma_wait3A_32] : memref<8192xi32, #tpu.memory_space<vmem>> -> memref<2048xi32, #tpu.memory_space<vmem>>
        %dma_wait3A_34 = tpu.memref_slice %arg2[%multiple_of3A_24] : memref<6400000xi32, #tpu.memory_space<hbm>> -> memref<2048xi32, #tpu.memory_space<hbm>>
        tpu.wait_dma2 semaphore(%run_scoped3A : memref<!tpu.dma_semaphore, #tpu.memory_space<semaphore_mem>>) src(%dma_wait3A_34 : memref<2048xi32, #tpu.memory_space<hbm>>) dst(%dma_wait3A_33 : memref<2048xi32, #tpu.memory_space<vmem>>)
        tpu.yield
      }) : () -> ()
      "tpu.region"() ({
        %run_scoped3A = tpu.sem_alloc : memref<!tpu.dma_semaphore, #tpu.memory_space<semaphore_mem>>
        %dma_start3A = arith.constant 0 : i32
        %dma_start3A_25 = tpu.memref_slice %arg10[%dma_start3A] : memref<102400xf32, #tpu.memory_space<vmem_shared>> -> memref<102400xf32, #tpu.memory_space<vmem_shared>>
        tpu.enqueue_indirect_dma source(%arg8 : memref<8192xf32, #tpu.memory_space<vmem>>) target(%dma_start3A_25 : memref<102400xf32, #tpu.memory_space<vmem_shared>>) offsets(%arg7 : memref<8192xi32, #tpu.memory_space<vmem>>) semaphore(%run_scoped3A : memref<!tpu.dma_semaphore, #tpu.memory_space<semaphore_mem>>) {add = true}
        %dma_wait3A = arith.constant 0 : i32
        %dma_wait3A_26 = tpu.memref_slice %arg10[%dma_wait3A] : memref<102400xf32, #tpu.memory_space<vmem_shared>> -> memref<102400xf32, #tpu.memory_space<vmem_shared>>
        tpu.wait_indirect_dma semaphore(%run_scoped3A : memref<!tpu.dma_semaphore, #tpu.memory_space<semaphore_mem>>) src(%arg8 : memref<8192xf32, #tpu.memory_space<vmem>>) dst(%dma_wait3A_26 : memref<102400xf32, #tpu.memory_space<vmem_shared>>)
        tpu.yield
      }) : () -> ()
    } else {
    }
    %barrier3A_13 = arith.constant 0 : index
    tpu.barrier barrier_id(%barrier3A_13)
    %mul3A_14 = arith.constant 6400 : i32
    %mul3A_15 = arith.muli %arg1, %mul3A_14 : i32
    %multiple_of3A_16 = tpu.assume_multiple %mul3A_15, 8 : i32
    "tpu.region"() ({
      %run_scoped3A = tpu.sem_alloc : memref<!tpu.dma_semaphore, #tpu.memory_space<semaphore_mem>>
      %dma_start3A = tpu.memref_slice %arg10[%multiple_of3A_16] : memref<102400xf32, #tpu.memory_space<vmem_shared>> -> memref<6400xf32, #tpu.memory_space<vmem_shared>>
      %dma_start3A_23 = tpu.memref_slice %arg10[%multiple_of3A_16] : memref<102400xf32, #tpu.memory_space<vmem_shared>> -> memref<6400xf32, #tpu.memory_space<vmem_shared>>
      tpu.enqueue_dma source(%dma_start3A_23 : memref<6400xf32, #tpu.memory_space<vmem_shared>>) target(%arg9 : memref<6400xf32, #tpu.memory_space<vmem>>) target_semaphore(%run_scoped3A : memref<!tpu.dma_semaphore, #tpu.memory_space<semaphore_mem>>)
      %dma_wait3A = tpu.memref_slice %arg10[%multiple_of3A_16] : memref<102400xf32, #tpu.memory_space<vmem_shared>> -> memref<6400xf32, #tpu.memory_space<vmem_shared>>
      %dma_wait3A_24 = tpu.memref_slice %arg10[%multiple_of3A_16] : memref<102400xf32, #tpu.memory_space<vmem_shared>> -> memref<6400xf32, #tpu.memory_space<vmem_shared>>
      tpu.wait_dma2 semaphore(%run_scoped3A : memref<!tpu.dma_semaphore, #tpu.memory_space<semaphore_mem>>) src(%dma_wait3A_24 : memref<6400xf32, #tpu.memory_space<vmem_shared>>) dst(%arg9 : memref<6400xf32, #tpu.memory_space<vmem>>)
      tpu.yield
    }) : () -> ()
    %mul3A_17 = arith.constant 102400 : i32
    %mul3A_18 = arith.muli %arg0, %mul3A_17 : i32
    %mul3A_19 = arith.constant 6400 : i32
    %mul3A_20 = arith.muli %arg1, %mul3A_19 : i32
    %add3A_21 = arith.addi %mul3A_18, %mul3A_20 : i32
    %multiple_of3A_22 = tpu.assume_multiple %add3A_21, 8 : i32
    "tpu.region"() ({
      %run_scoped3A = tpu.sem_alloc : memref<!tpu.dma_semaphore, #tpu.memory_space<semaphore_mem>>
      %dma_start3A = tpu.memref_slice %arg6[%multiple_of3A_22] : memref<204800xf32, #tpu.memory_space<hbm>> -> memref<6400xf32, #tpu.memory_space<hbm>>
      %dma_start3A_23 = tpu.memref_slice %arg6[%multiple_of3A_22] : memref<204800xf32, #tpu.memory_space<hbm>> -> memref<6400xf32, #tpu.memory_space<hbm>>
      tpu.enqueue_dma source(%arg9 : memref<6400xf32, #tpu.memory_space<vmem>>) target(%dma_start3A_23 : memref<6400xf32, #tpu.memory_space<hbm>>) target_semaphore(%run_scoped3A : memref<!tpu.dma_semaphore, #tpu.memory_space<semaphore_mem>>)
      %dma_wait3A = tpu.memref_slice %arg6[%multiple_of3A_22] : memref<204800xf32, #tpu.memory_space<hbm>> -> memref<6400xf32, #tpu.memory_space<hbm>>
      %dma_wait3A_24 = tpu.memref_slice %arg6[%multiple_of3A_22] : memref<204800xf32, #tpu.memory_space<hbm>> -> memref<6400xf32, #tpu.memory_space<hbm>>
      tpu.wait_dma2 semaphore(%run_scoped3A : memref<!tpu.dma_semaphore, #tpu.memory_space<semaphore_mem>>) src(%arg9 : memref<6400xf32, #tpu.memory_space<vmem>>) dst(%dma_wait3A_24 : memref<6400xf32, #tpu.memory_space<hbm>>)
      tpu.yield
    }) : () -> ()
    return
  }
}

#map = affine_map<(d0, d1) -> (0)>
module attributes {stable_mosaic.version = 14 : i64} {
  func.func @_edge_body(%arg0: i32, %arg1: i32, %arg2: memref<6400000xi32, #tpu.memory_space<hbm>>, %arg3: memref<6400000xi32, #tpu.memory_space<hbm>>, %arg4: memref<8192xi32, #tpu.memory_space<hbm>>, %arg5: memref<102400xf32, #tpu.memory_space<hbm>>, %arg6: memref<102400xf32, #tpu.memory_space<hbm>>, %arg7: memref<204800xf32, #tpu.memory_space<hbm>>, %arg8: memref<8192xi32, #tpu.memory_space<vmem>>, %arg9: memref<8192xi32, #tpu.memory_space<vmem>>, %arg10: memref<8192xi32, #tpu.memory_space<vmem>>, %arg11: memref<8192xi32, #tpu.memory_space<vmem>>, %arg12: memref<6400xf32, #tpu.memory_space<vmem>>, %arg13: memref<8192xf32, #tpu.memory_space<vmem>>, %arg14: memref<8192xf32, #tpu.memory_space<vmem>>, %arg15: memref<102400xf32, #tpu.memory_space<vmem_shared>>, %arg16: memref<102400xf32, #tpu.memory_space<vmem_shared>>, %arg17: memref<!tpu.dma_semaphore, #tpu.memory_space<semaphore_mem>>, %arg18: memref<!tpu.dma_semaphore, #tpu.memory_space<semaphore_mem>>, %arg19: memref<!tpu.dma_semaphore, #tpu.memory_space<semaphore_mem>>) attributes {dimension_semantics = [#tpu.dimension_semantics<core_parallel>, #tpu.dimension_semantics<subcore_parallel>], iteration_bounds = array<i64: 2, 16>, scalar_prefetch = 0 : i64, scratch_operands = 12 : i64, tpu.core_type = #tpu.core_type<sc_vector_subcore>, window_params = [{transform_indices = #map}, {transform_indices = #map}, {transform_indices = #map}, {transform_indices = #map}, {transform_indices = #map}, {transform_indices = #map}]} {
    %mul3A = arith.constant 16 : i32
    %mul3A_0 = arith.muli %arg0, %mul3A : i32
    %add3A = arith.addi %mul3A_0, %arg1 : i32
    %mul3A_1 = arith.constant 6400 : i32
    %mul3A_2 = arith.muli %arg1, %mul3A_1 : i32
    %multiple_of3A = tpu.assume_multiple %mul3A_2, 8 : i32
    "tpu.region"() ({
      %run_scoped3A = tpu.sem_alloc : memref<!tpu.dma_semaphore, #tpu.memory_space<semaphore_mem>>
      %dma_start3A = tpu.memref_slice %arg5[%multiple_of3A] : memref<102400xf32, #tpu.memory_space<hbm>> -> memref<6400xf32, #tpu.memory_space<hbm>>
      %dma_start3A_23 = tpu.memref_slice %arg5[%multiple_of3A] : memref<102400xf32, #tpu.memory_space<hbm>> -> memref<6400xf32, #tpu.memory_space<hbm>>
      tpu.enqueue_dma source(%dma_start3A_23 : memref<6400xf32, #tpu.memory_space<hbm>>) target(%arg12 : memref<6400xf32, #tpu.memory_space<vmem>>) target_semaphore(%run_scoped3A : memref<!tpu.dma_semaphore, #tpu.memory_space<semaphore_mem>>)
      %dma_wait3A = tpu.memref_slice %arg5[%multiple_of3A] : memref<102400xf32, #tpu.memory_space<hbm>> -> memref<6400xf32, #tpu.memory_space<hbm>>
      %dma_wait3A_24 = tpu.memref_slice %arg5[%multiple_of3A] : memref<102400xf32, #tpu.memory_space<hbm>> -> memref<6400xf32, #tpu.memory_space<hbm>>
      tpu.wait_dma2 semaphore(%run_scoped3A : memref<!tpu.dma_semaphore, #tpu.memory_space<semaphore_mem>>) src(%dma_wait3A_24 : memref<6400xf32, #tpu.memory_space<hbm>>) dst(%arg12 : memref<6400xf32, #tpu.memory_space<vmem>>)
      tpu.yield
    }) : () -> ()
    "tpu.region"() ({
      %run_scoped3A = tpu.sem_alloc : memref<!tpu.dma_semaphore, #tpu.memory_space<semaphore_mem>>
      %dma_start3A = tpu.memref_slice %arg15[%multiple_of3A] : memref<102400xf32, #tpu.memory_space<vmem_shared>> -> memref<6400xf32, #tpu.memory_space<vmem_shared>>
      %dma_start3A_23 = tpu.memref_slice %arg15[%multiple_of3A] : memref<102400xf32, #tpu.memory_space<vmem_shared>> -> memref<6400xf32, #tpu.memory_space<vmem_shared>>
      tpu.enqueue_dma source(%arg12 : memref<6400xf32, #tpu.memory_space<vmem>>) target(%dma_start3A_23 : memref<6400xf32, #tpu.memory_space<vmem_shared>>) target_semaphore(%run_scoped3A : memref<!tpu.dma_semaphore, #tpu.memory_space<semaphore_mem>>)
      %dma_wait3A = tpu.memref_slice %arg15[%multiple_of3A] : memref<102400xf32, #tpu.memory_space<vmem_shared>> -> memref<6400xf32, #tpu.memory_space<vmem_shared>>
      %dma_wait3A_24 = tpu.memref_slice %arg15[%multiple_of3A] : memref<102400xf32, #tpu.memory_space<vmem_shared>> -> memref<6400xf32, #tpu.memory_space<vmem_shared>>
      tpu.wait_dma2 semaphore(%run_scoped3A : memref<!tpu.dma_semaphore, #tpu.memory_space<semaphore_mem>>) src(%arg12 : memref<6400xf32, #tpu.memory_space<vmem>>) dst(%dma_wait3A_24 : memref<6400xf32, #tpu.memory_space<vmem_shared>>)
      tpu.yield
    }) : () -> ()
    "tpu.region"() ({
      %run_scoped3A = tpu.sem_alloc : memref<!tpu.dma_semaphore, #tpu.memory_space<semaphore_mem>>
      %dma_start3A = tpu.memref_slice %arg6[%multiple_of3A] : memref<102400xf32, #tpu.memory_space<hbm>> -> memref<6400xf32, #tpu.memory_space<hbm>>
      %dma_start3A_23 = tpu.memref_slice %arg6[%multiple_of3A] : memref<102400xf32, #tpu.memory_space<hbm>> -> memref<6400xf32, #tpu.memory_space<hbm>>
      tpu.enqueue_dma source(%dma_start3A_23 : memref<6400xf32, #tpu.memory_space<hbm>>) target(%arg12 : memref<6400xf32, #tpu.memory_space<vmem>>) target_semaphore(%run_scoped3A : memref<!tpu.dma_semaphore, #tpu.memory_space<semaphore_mem>>)
      %dma_wait3A = tpu.memref_slice %arg6[%multiple_of3A] : memref<102400xf32, #tpu.memory_space<hbm>> -> memref<6400xf32, #tpu.memory_space<hbm>>
      %dma_wait3A_24 = tpu.memref_slice %arg6[%multiple_of3A] : memref<102400xf32, #tpu.memory_space<hbm>> -> memref<6400xf32, #tpu.memory_space<hbm>>
      tpu.wait_dma2 semaphore(%run_scoped3A : memref<!tpu.dma_semaphore, #tpu.memory_space<semaphore_mem>>) src(%dma_wait3A_24 : memref<6400xf32, #tpu.memory_space<hbm>>) dst(%arg12 : memref<6400xf32, #tpu.memory_space<vmem>>)
      tpu.yield
    }) : () -> ()
    "tpu.region"() ({
      %run_scoped3A = tpu.sem_alloc : memref<!tpu.dma_semaphore, #tpu.memory_space<semaphore_mem>>
      %dma_start3A = tpu.memref_slice %arg16[%multiple_of3A] : memref<102400xf32, #tpu.memory_space<vmem_shared>> -> memref<6400xf32, #tpu.memory_space<vmem_shared>>
      %dma_start3A_23 = tpu.memref_slice %arg16[%multiple_of3A] : memref<102400xf32, #tpu.memory_space<vmem_shared>> -> memref<6400xf32, #tpu.memory_space<vmem_shared>>
      tpu.enqueue_dma source(%arg12 : memref<6400xf32, #tpu.memory_space<vmem>>) target(%dma_start3A_23 : memref<6400xf32, #tpu.memory_space<vmem_shared>>) target_semaphore(%run_scoped3A : memref<!tpu.dma_semaphore, #tpu.memory_space<semaphore_mem>>)
      %dma_wait3A = tpu.memref_slice %arg16[%multiple_of3A] : memref<102400xf32, #tpu.memory_space<vmem_shared>> -> memref<6400xf32, #tpu.memory_space<vmem_shared>>
      %dma_wait3A_24 = tpu.memref_slice %arg16[%multiple_of3A] : memref<102400xf32, #tpu.memory_space<vmem_shared>> -> memref<6400xf32, #tpu.memory_space<vmem_shared>>
      tpu.wait_dma2 semaphore(%run_scoped3A : memref<!tpu.dma_semaphore, #tpu.memory_space<semaphore_mem>>) src(%arg12 : memref<6400xf32, #tpu.memory_space<vmem>>) dst(%dma_wait3A_24 : memref<6400xf32, #tpu.memory_space<vmem_shared>>)
      tpu.yield
    }) : () -> ()
    %barrier3A = arith.constant 0 : index
    tpu.barrier barrier_id(%barrier3A)
    %add3A_3 = arith.constant 0 : i32
    %add3A_4 = arith.addi %add3A, %add3A_3 : i32
    %lt3A = arith.constant 781 : i32
    %lt3A_5 = arith.cmpi slt, %add3A_4, %lt3A : i32
    %convert_element_type3A = arith.extui %lt3A_5 : i1 to i32
    %cond3A = arith.constant 0 : i32
    %cond3A_6 = arith.cmpi ne, %convert_element_type3A, %cond3A : i32
    scf.if %cond3A_6 {
      %mul3A_23 = arith.constant 8192 : i32
      %mul3A_24 = arith.muli %add3A_4, %mul3A_23 : i32
      %multiple_of3A_25 = tpu.assume_multiple %mul3A_24, 8 : i32
      "tpu.region"() ({
        %run_scoped3A = tpu.sem_alloc : memref<!tpu.dma_semaphore, #tpu.memory_space<semaphore_mem>>
        %dma_start3A_27 = tpu.memref_slice %arg2[%multiple_of3A_25] : memref<6400000xi32, #tpu.memory_space<hbm>> -> memref<8192xi32, #tpu.memory_space<hbm>>
        %dma_start3A_28 = tpu.memref_slice %arg2[%multiple_of3A_25] : memref<6400000xi32, #tpu.memory_space<hbm>> -> memref<8192xi32, #tpu.memory_space<hbm>>
        tpu.enqueue_dma source(%dma_start3A_28 : memref<8192xi32, #tpu.memory_space<hbm>>) target(%arg8 : memref<8192xi32, #tpu.memory_space<vmem>>) target_semaphore(%run_scoped3A : memref<!tpu.dma_semaphore, #tpu.memory_space<semaphore_mem>>)
        %dma_wait3A = tpu.memref_slice %arg2[%multiple_of3A_25] : memref<6400000xi32, #tpu.memory_space<hbm>> -> memref<8192xi32, #tpu.memory_space<hbm>>
        %dma_wait3A_29 = tpu.memref_slice %arg2[%multiple_of3A_25] : memref<6400000xi32, #tpu.memory_space<hbm>> -> memref<8192xi32, #tpu.memory_space<hbm>>
        tpu.wait_dma2 semaphore(%run_scoped3A : memref<!tpu.dma_semaphore, #tpu.memory_space<semaphore_mem>>) src(%dma_wait3A_29 : memref<8192xi32, #tpu.memory_space<hbm>>) dst(%arg8 : memref<8192xi32, #tpu.memory_space<vmem>>)
        tpu.yield
      }) : () -> ()
      "tpu.region"() ({
        %run_scoped3A = tpu.sem_alloc : memref<!tpu.dma_semaphore, #tpu.memory_space<semaphore_mem>>
        %dma_start3A_27 = tpu.memref_slice %arg3[%multiple_of3A_25] : memref<6400000xi32, #tpu.memory_space<hbm>> -> memref<8192xi32, #tpu.memory_space<hbm>>
        %dma_start3A_28 = tpu.memref_slice %arg3[%multiple_of3A_25] : memref<6400000xi32, #tpu.memory_space<hbm>> -> memref<8192xi32, #tpu.memory_space<hbm>>
        tpu.enqueue_dma source(%dma_start3A_28 : memref<8192xi32, #tpu.memory_space<hbm>>) target(%arg10 : memref<8192xi32, #tpu.memory_space<vmem>>) target_semaphore(%run_scoped3A : memref<!tpu.dma_semaphore, #tpu.memory_space<semaphore_mem>>)
        %dma_wait3A = tpu.memref_slice %arg3[%multiple_of3A_25] : memref<6400000xi32, #tpu.memory_space<hbm>> -> memref<8192xi32, #tpu.memory_space<hbm>>
        %dma_wait3A_29 = tpu.memref_slice %arg3[%multiple_of3A_25] : memref<6400000xi32, #tpu.memory_space<hbm>> -> memref<8192xi32, #tpu.memory_space<hbm>>
        tpu.wait_dma2 semaphore(%run_scoped3A : memref<!tpu.dma_semaphore, #tpu.memory_space<semaphore_mem>>) src(%dma_wait3A_29 : memref<8192xi32, #tpu.memory_space<hbm>>) dst(%arg10 : memref<8192xi32, #tpu.memory_space<vmem>>)
        tpu.yield
      }) : () -> ()
      %dma_start3A = arith.constant 0 : i32
      %dma_start3A_26 = tpu.memref_slice %arg15[%dma_start3A] : memref<102400xf32, #tpu.memory_space<vmem_shared>> -> memref<102400xf32, #tpu.memory_space<vmem_shared>>
      tpu.enqueue_indirect_dma source(%dma_start3A_26 : memref<102400xf32, #tpu.memory_space<vmem_shared>>) target(%arg13 : memref<8192xf32, #tpu.memory_space<vmem>>) offsets(%arg8 : memref<8192xi32, #tpu.memory_space<vmem>>) semaphore(%arg17 : memref<!tpu.dma_semaphore, #tpu.memory_space<semaphore_mem>>)
    } else {
    }
    %scan3A = arith.constant 0 : i32
    %scan3A_7 = arith.constant 0 : i32
    %scan3A_8 = arith.constant 13 : i32
    %scan3A_9 = arith.addi %scan3A_7, %scan3A_8 : i32
    %scan3A_10 = arith.constant 1 : i32
    scf.for %scan3A_23 = %scan3A_7 to %scan3A_9 step %scan3A_10  : i32 {
      %mul3A_24 = arith.constant 2 : i32
      %mul3A_25 = arith.muli %mul3A_24, %scan3A_23 : i32
      %add3A_26 = arith.constant 2 : i32
      %add3A_27 = arith.addi %mul3A_25, %add3A_26 : i32
      %sub3A = arith.constant 1 : i32
      %sub3A_28 = arith.subi %add3A_27, %sub3A : i32
      %add3A_29 = arith.constant 0 : i32
      %add3A_30 = arith.addi %sub3A_28, %add3A_29 : i32
      %mul3A_31 = arith.constant 32 : i32
      %mul3A_32 = arith.muli %mul3A_31, %add3A_30 : i32
      %add3A_33 = arith.addi %add3A, %mul3A_32 : i32
      %mul3A_34 = arith.constant 2 : i32
      %mul3A_35 = arith.muli %mul3A_34, %scan3A_23 : i32
      %add3A_36 = arith.constant 0 : i32
      %add3A_37 = arith.addi %mul3A_35, %add3A_36 : i32
      %mul3A_38 = arith.constant 32 : i32
      %mul3A_39 = arith.muli %mul3A_38, %add3A_37 : i32
      %add3A_40 = arith.addi %add3A, %mul3A_39 : i32
      %lt3A_41 = arith.constant 781 : i32
      %lt3A_42 = arith.cmpi slt, %add3A_33, %lt3A_41 : i32
      %convert_element_type3A_43 = arith.extui %lt3A_42 : i1 to i32
      %cond3A_44 = arith.constant 0 : i32
      %cond3A_45 = arith.cmpi ne, %convert_element_type3A_43, %cond3A_44 : i32
      scf.if %cond3A_45 {
        %mul3A_79 = arith.constant 8192 : i32
        %mul3A_80 = arith.muli %add3A_33, %mul3A_79 : i32
        %multiple_of3A_81 = tpu.assume_multiple %mul3A_80, 8 : i32
        "tpu.region"() ({
          %run_scoped3A = tpu.sem_alloc : memref<!tpu.dma_semaphore, #tpu.memory_space<semaphore_mem>>
          %dma_start3A_83 = tpu.memref_slice %arg2[%multiple_of3A_81] : memref<6400000xi32, #tpu.memory_space<hbm>> -> memref<8192xi32, #tpu.memory_space<hbm>>
          %dma_start3A_84 = tpu.memref_slice %arg2[%multiple_of3A_81] : memref<6400000xi32, #tpu.memory_space<hbm>> -> memref<8192xi32, #tpu.memory_space<hbm>>
          tpu.enqueue_dma source(%dma_start3A_84 : memref<8192xi32, #tpu.memory_space<hbm>>) target(%arg9 : memref<8192xi32, #tpu.memory_space<vmem>>) target_semaphore(%run_scoped3A : memref<!tpu.dma_semaphore, #tpu.memory_space<semaphore_mem>>)
          %dma_wait3A = tpu.memref_slice %arg2[%multiple_of3A_81] : memref<6400000xi32, #tpu.memory_space<hbm>> -> memref<8192xi32, #tpu.memory_space<hbm>>
          %dma_wait3A_85 = tpu.memref_slice %arg2[%multiple_of3A_81] : memref<6400000xi32, #tpu.memory_space<hbm>> -> memref<8192xi32, #tpu.memory_space<hbm>>
          tpu.wait_dma2 semaphore(%run_scoped3A : memref<!tpu.dma_semaphore, #tpu.memory_space<semaphore_mem>>) src(%dma_wait3A_85 : memref<8192xi32, #tpu.memory_space<hbm>>) dst(%arg9 : memref<8192xi32, #tpu.memory_space<vmem>>)
          tpu.yield
        }) : () -> ()
        "tpu.region"() ({
          %run_scoped3A = tpu.sem_alloc : memref<!tpu.dma_semaphore, #tpu.memory_space<semaphore_mem>>
          %dma_start3A_83 = tpu.memref_slice %arg3[%multiple_of3A_81] : memref<6400000xi32, #tpu.memory_space<hbm>> -> memref<8192xi32, #tpu.memory_space<hbm>>
          %dma_start3A_84 = tpu.memref_slice %arg3[%multiple_of3A_81] : memref<6400000xi32, #tpu.memory_space<hbm>> -> memref<8192xi32, #tpu.memory_space<hbm>>
          tpu.enqueue_dma source(%dma_start3A_84 : memref<8192xi32, #tpu.memory_space<hbm>>) target(%arg11 : memref<8192xi32, #tpu.memory_space<vmem>>) target_semaphore(%run_scoped3A : memref<!tpu.dma_semaphore, #tpu.memory_space<semaphore_mem>>)
          %dma_wait3A = tpu.memref_slice %arg3[%multiple_of3A_81] : memref<6400000xi32, #tpu.memory_space<hbm>> -> memref<8192xi32, #tpu.memory_space<hbm>>
          %dma_wait3A_85 = tpu.memref_slice %arg3[%multiple_of3A_81] : memref<6400000xi32, #tpu.memory_space<hbm>> -> memref<8192xi32, #tpu.memory_space<hbm>>
          tpu.wait_dma2 semaphore(%run_scoped3A : memref<!tpu.dma_semaphore, #tpu.memory_space<semaphore_mem>>) src(%dma_wait3A_85 : memref<8192xi32, #tpu.memory_space<hbm>>) dst(%arg11 : memref<8192xi32, #tpu.memory_space<vmem>>)
          tpu.yield
        }) : () -> ()
        %dma_start3A = arith.constant 0 : i32
        %dma_start3A_82 = tpu.memref_slice %arg15[%dma_start3A] : memref<102400xf32, #tpu.memory_space<vmem_shared>> -> memref<102400xf32, #tpu.memory_space<vmem_shared>>
        tpu.enqueue_indirect_dma source(%dma_start3A_82 : memref<102400xf32, #tpu.memory_space<vmem_shared>>) target(%arg14 : memref<8192xf32, #tpu.memory_space<vmem>>) offsets(%arg9 : memref<8192xi32, #tpu.memory_space<vmem>>) semaphore(%arg18 : memref<!tpu.dma_semaphore, #tpu.memory_space<semaphore_mem>>)
      } else {
      }
      %lt3A_46 = arith.constant 781 : i32
      %lt3A_47 = arith.cmpi slt, %add3A_40, %lt3A_46 : i32
      %convert_element_type3A_48 = arith.extui %lt3A_47 : i1 to i32
      %cond3A_49 = arith.constant 0 : i32
      %cond3A_50 = arith.cmpi ne, %convert_element_type3A_48, %cond3A_49 : i32
      scf.if %cond3A_50 {
        %dma_wait3A = arith.constant 0 : i32
        %dma_wait3A_79 = tpu.memref_slice %arg15[%dma_wait3A] : memref<102400xf32, #tpu.memory_space<vmem_shared>> -> memref<102400xf32, #tpu.memory_space<vmem_shared>>
        tpu.wait_indirect_dma semaphore(%arg17 : memref<!tpu.dma_semaphore, #tpu.memory_space<semaphore_mem>>) src(%dma_wait3A_79 : memref<102400xf32, #tpu.memory_space<vmem_shared>>) dst(%arg13 : memref<8192xf32, #tpu.memory_space<vmem>>)
        %dma_start3A = arith.constant 0 : i32
        %dma_start3A_80 = tpu.memref_slice %arg16[%dma_start3A] : memref<102400xf32, #tpu.memory_space<vmem_shared>> -> memref<102400xf32, #tpu.memory_space<vmem_shared>>
        tpu.enqueue_indirect_dma source(%arg13 : memref<8192xf32, #tpu.memory_space<vmem>>) target(%dma_start3A_80 : memref<102400xf32, #tpu.memory_space<vmem_shared>>) offsets(%arg10 : memref<8192xi32, #tpu.memory_space<vmem>>) semaphore(%arg19 : memref<!tpu.dma_semaphore, #tpu.memory_space<semaphore_mem>>) {add = true}
        %dma_wait3A_81 = arith.constant 0 : i32
        %dma_wait3A_82 = tpu.memref_slice %arg16[%dma_wait3A_81] : memref<102400xf32, #tpu.memory_space<vmem_shared>> -> memref<102400xf32, #tpu.memory_space<vmem_shared>>
        tpu.wait_indirect_dma semaphore(%arg19 : memref<!tpu.dma_semaphore, #tpu.memory_space<semaphore_mem>>) src(%arg13 : memref<8192xf32, #tpu.memory_space<vmem>>) dst(%dma_wait3A_82 : memref<102400xf32, #tpu.memory_space<vmem_shared>>)
      } else {
      }
      %mul3A_51 = arith.constant 2 : i32
      %mul3A_52 = arith.muli %mul3A_51, %scan3A_23 : i32
      %add3A_53 = arith.constant 2 : i32
      %add3A_54 = arith.addi %mul3A_52, %add3A_53 : i32
      %sub3A_55 = arith.constant 1 : i32
      %sub3A_56 = arith.subi %add3A_54, %sub3A_55 : i32
      %add3A_57 = arith.constant 1 : i32
      %add3A_58 = arith.addi %sub3A_56, %add3A_57 : i32
      %mul3A_59 = arith.constant 32 : i32
      %mul3A_60 = arith.muli %mul3A_59, %add3A_58 : i32
      %add3A_61 = arith.addi %add3A, %mul3A_60 : i32
      %mul3A_62 = arith.constant 2 : i32
      %mul3A_63 = arith.muli %mul3A_62, %scan3A_23 : i32
      %add3A_64 = arith.constant 1 : i32
      %add3A_65 = arith.addi %mul3A_63, %add3A_64 : i32
      %mul3A_66 = arith.constant 32 : i32
      %mul3A_67 = arith.muli %mul3A_66, %add3A_65 : i32
      %add3A_68 = arith.addi %add3A, %mul3A_67 : i32
      %lt3A_69 = arith.constant 781 : i32
      %lt3A_70 = arith.cmpi slt, %add3A_61, %lt3A_69 : i32
      %convert_element_type3A_71 = arith.extui %lt3A_70 : i1 to i32
      %cond3A_72 = arith.constant 0 : i32
      %cond3A_73 = arith.cmpi ne, %convert_element_type3A_71, %cond3A_72 : i32
      scf.if %cond3A_73 {
        %mul3A_79 = arith.constant 8192 : i32
        %mul3A_80 = arith.muli %add3A_61, %mul3A_79 : i32
        %multiple_of3A_81 = tpu.assume_multiple %mul3A_80, 8 : i32
        "tpu.region"() ({
          %run_scoped3A = tpu.sem_alloc : memref<!tpu.dma_semaphore, #tpu.memory_space<semaphore_mem>>
          %dma_start3A_83 = tpu.memref_slice %arg2[%multiple_of3A_81] : memref<6400000xi32, #tpu.memory_space<hbm>> -> memref<8192xi32, #tpu.memory_space<hbm>>
          %dma_start3A_84 = tpu.memref_slice %arg2[%multiple_of3A_81] : memref<6400000xi32, #tpu.memory_space<hbm>> -> memref<8192xi32, #tpu.memory_space<hbm>>
          tpu.enqueue_dma source(%dma_start3A_84 : memref<8192xi32, #tpu.memory_space<hbm>>) target(%arg8 : memref<8192xi32, #tpu.memory_space<vmem>>) target_semaphore(%run_scoped3A : memref<!tpu.dma_semaphore, #tpu.memory_space<semaphore_mem>>)
          %dma_wait3A = tpu.memref_slice %arg2[%multiple_of3A_81] : memref<6400000xi32, #tpu.memory_space<hbm>> -> memref<8192xi32, #tpu.memory_space<hbm>>
          %dma_wait3A_85 = tpu.memref_slice %arg2[%multiple_of3A_81] : memref<6400000xi32, #tpu.memory_space<hbm>> -> memref<8192xi32, #tpu.memory_space<hbm>>
          tpu.wait_dma2 semaphore(%run_scoped3A : memref<!tpu.dma_semaphore, #tpu.memory_space<semaphore_mem>>) src(%dma_wait3A_85 : memref<8192xi32, #tpu.memory_space<hbm>>) dst(%arg8 : memref<8192xi32, #tpu.memory_space<vmem>>)
          tpu.yield
        }) : () -> ()
        "tpu.region"() ({
          %run_scoped3A = tpu.sem_alloc : memref<!tpu.dma_semaphore, #tpu.memory_space<semaphore_mem>>
          %dma_start3A_83 = tpu.memref_slice %arg3[%multiple_of3A_81] : memref<6400000xi32, #tpu.memory_space<hbm>> -> memref<8192xi32, #tpu.memory_space<hbm>>
          %dma_start3A_84 = tpu.memref_slice %arg3[%multiple_of3A_81] : memref<6400000xi32, #tpu.memory_space<hbm>> -> memref<8192xi32, #tpu.memory_space<hbm>>
          tpu.enqueue_dma source(%dma_start3A_84 : memref<8192xi32, #tpu.memory_space<hbm>>) target(%arg10 : memref<8192xi32, #tpu.memory_space<vmem>>) target_semaphore(%run_scoped3A : memref<!tpu.dma_semaphore, #tpu.memory_space<semaphore_mem>>)
          %dma_wait3A = tpu.memref_slice %arg3[%multiple_of3A_81] : memref<6400000xi32, #tpu.memory_space<hbm>> -> memref<8192xi32, #tpu.memory_space<hbm>>
          %dma_wait3A_85 = tpu.memref_slice %arg3[%multiple_of3A_81] : memref<6400000xi32, #tpu.memory_space<hbm>> -> memref<8192xi32, #tpu.memory_space<hbm>>
          tpu.wait_dma2 semaphore(%run_scoped3A : memref<!tpu.dma_semaphore, #tpu.memory_space<semaphore_mem>>) src(%dma_wait3A_85 : memref<8192xi32, #tpu.memory_space<hbm>>) dst(%arg10 : memref<8192xi32, #tpu.memory_space<vmem>>)
          tpu.yield
        }) : () -> ()
        %dma_start3A = arith.constant 0 : i32
        %dma_start3A_82 = tpu.memref_slice %arg15[%dma_start3A] : memref<102400xf32, #tpu.memory_space<vmem_shared>> -> memref<102400xf32, #tpu.memory_space<vmem_shared>>
        tpu.enqueue_indirect_dma source(%dma_start3A_82 : memref<102400xf32, #tpu.memory_space<vmem_shared>>) target(%arg13 : memref<8192xf32, #tpu.memory_space<vmem>>) offsets(%arg8 : memref<8192xi32, #tpu.memory_space<vmem>>) semaphore(%arg17 : memref<!tpu.dma_semaphore, #tpu.memory_space<semaphore_mem>>)
      } else {
      }
      %lt3A_74 = arith.constant 781 : i32
      %lt3A_75 = arith.cmpi slt, %add3A_68, %lt3A_74 : i32
      %convert_element_type3A_76 = arith.extui %lt3A_75 : i1 to i32
      %cond3A_77 = arith.constant 0 : i32
      %cond3A_78 = arith.cmpi ne, %convert_element_type3A_76, %cond3A_77 : i32
      scf.if %cond3A_78 {
        %dma_wait3A = arith.constant 0 : i32
        %dma_wait3A_79 = tpu.memref_slice %arg15[%dma_wait3A] : memref<102400xf32, #tpu.memory_space<vmem_shared>> -> memref<102400xf32, #tpu.memory_space<vmem_shared>>
        tpu.wait_indirect_dma semaphore(%arg18 : memref<!tpu.dma_semaphore, #tpu.memory_space<semaphore_mem>>) src(%dma_wait3A_79 : memref<102400xf32, #tpu.memory_space<vmem_shared>>) dst(%arg14 : memref<8192xf32, #tpu.memory_space<vmem>>)
        %dma_start3A = arith.constant 0 : i32
        %dma_start3A_80 = tpu.memref_slice %arg16[%dma_start3A] : memref<102400xf32, #tpu.memory_space<vmem_shared>> -> memref<102400xf32, #tpu.memory_space<vmem_shared>>
        tpu.enqueue_indirect_dma source(%arg14 : memref<8192xf32, #tpu.memory_space<vmem>>) target(%dma_start3A_80 : memref<102400xf32, #tpu.memory_space<vmem_shared>>) offsets(%arg11 : memref<8192xi32, #tpu.memory_space<vmem>>) semaphore(%arg19 : memref<!tpu.dma_semaphore, #tpu.memory_space<semaphore_mem>>) {add = true}
        %dma_wait3A_81 = arith.constant 0 : i32
        %dma_wait3A_82 = tpu.memref_slice %arg16[%dma_wait3A_81] : memref<102400xf32, #tpu.memory_space<vmem_shared>> -> memref<102400xf32, #tpu.memory_space<vmem_shared>>
        tpu.wait_indirect_dma semaphore(%arg19 : memref<!tpu.dma_semaphore, #tpu.memory_space<semaphore_mem>>) src(%arg14 : memref<8192xf32, #tpu.memory_space<vmem>>) dst(%dma_wait3A_82 : memref<102400xf32, #tpu.memory_space<vmem_shared>>)
      } else {
      }
    }
    %scan3A_11 = arith.constant 13 : i32
    %eq3A = arith.constant 31 : i32
    %eq3A_12 = arith.cmpi eq, %add3A, %eq3A : i32
    %convert_element_type3A_13 = arith.extui %eq3A_12 : i1 to i32
    %cond3A_14 = arith.constant 0 : i32
    %cond3A_15 = arith.cmpi ne, %convert_element_type3A_13, %cond3A_14 : i32
    scf.if %cond3A_15 {
      "tpu.region"() ({
        %run_scoped3A = tpu.sem_alloc : memref<!tpu.dma_semaphore, #tpu.memory_space<semaphore_mem>>
        tpu.enqueue_dma source(%arg4 : memref<8192xi32, #tpu.memory_space<hbm>>) target(%arg8 : memref<8192xi32, #tpu.memory_space<vmem>>) target_semaphore(%run_scoped3A : memref<!tpu.dma_semaphore, #tpu.memory_space<semaphore_mem>>)
        tpu.wait_dma2 semaphore(%run_scoped3A : memref<!tpu.dma_semaphore, #tpu.memory_space<semaphore_mem>>) src(%arg4 : memref<8192xi32, #tpu.memory_space<hbm>>) dst(%arg8 : memref<8192xi32, #tpu.memory_space<vmem>>)
        tpu.yield
      }) : () -> ()
      "tpu.region"() ({
        %run_scoped3A = tpu.sem_alloc : memref<!tpu.dma_semaphore, #tpu.memory_space<semaphore_mem>>
        tpu.enqueue_dma source(%arg4 : memref<8192xi32, #tpu.memory_space<hbm>>) target(%arg10 : memref<8192xi32, #tpu.memory_space<vmem>>) target_semaphore(%run_scoped3A : memref<!tpu.dma_semaphore, #tpu.memory_space<semaphore_mem>>)
        tpu.wait_dma2 semaphore(%run_scoped3A : memref<!tpu.dma_semaphore, #tpu.memory_space<semaphore_mem>>) src(%arg4 : memref<8192xi32, #tpu.memory_space<hbm>>) dst(%arg10 : memref<8192xi32, #tpu.memory_space<vmem>>)
        tpu.yield
      }) : () -> ()
      %multiple_of3A_23 = arith.constant 6397952 : i32
      %multiple_of3A_24 = tpu.assume_multiple %multiple_of3A_23, 8 : i32
      "tpu.region"() ({
        %run_scoped3A = tpu.sem_alloc : memref<!tpu.dma_semaphore, #tpu.memory_space<semaphore_mem>>
        %dma_start3A_27 = arith.constant 0 : i32
        %dma_start3A_28 = tpu.memref_slice %arg8[%dma_start3A_27] : memref<8192xi32, #tpu.memory_space<vmem>> -> memref<2048xi32, #tpu.memory_space<vmem>>
        %dma_start3A_29 = tpu.memref_slice %arg2[%multiple_of3A_24] : memref<6400000xi32, #tpu.memory_space<hbm>> -> memref<2048xi32, #tpu.memory_space<hbm>>
        %dma_start3A_30 = arith.constant 0 : i32
        %dma_start3A_31 = tpu.memref_slice %arg8[%dma_start3A_30] : memref<8192xi32, #tpu.memory_space<vmem>> -> memref<2048xi32, #tpu.memory_space<vmem>>
        %dma_start3A_32 = tpu.memref_slice %arg2[%multiple_of3A_24] : memref<6400000xi32, #tpu.memory_space<hbm>> -> memref<2048xi32, #tpu.memory_space<hbm>>
        tpu.enqueue_dma source(%dma_start3A_32 : memref<2048xi32, #tpu.memory_space<hbm>>) target(%dma_start3A_31 : memref<2048xi32, #tpu.memory_space<vmem>>) target_semaphore(%run_scoped3A : memref<!tpu.dma_semaphore, #tpu.memory_space<semaphore_mem>>)
        %dma_wait3A_33 = arith.constant 0 : i32
        %dma_wait3A_34 = tpu.memref_slice %arg8[%dma_wait3A_33] : memref<8192xi32, #tpu.memory_space<vmem>> -> memref<2048xi32, #tpu.memory_space<vmem>>
        %dma_wait3A_35 = tpu.memref_slice %arg2[%multiple_of3A_24] : memref<6400000xi32, #tpu.memory_space<hbm>> -> memref<2048xi32, #tpu.memory_space<hbm>>
        %dma_wait3A_36 = arith.constant 0 : i32
        %dma_wait3A_37 = tpu.memref_slice %arg8[%dma_wait3A_36] : memref<8192xi32, #tpu.memory_space<vmem>> -> memref<2048xi32, #tpu.memory_space<vmem>>
        %dma_wait3A_38 = tpu.memref_slice %arg2[%multiple_of3A_24] : memref<6400000xi32, #tpu.memory_space<hbm>> -> memref<2048xi32, #tpu.memory_space<hbm>>
        tpu.wait_dma2 semaphore(%run_scoped3A : memref<!tpu.dma_semaphore, #tpu.memory_space<semaphore_mem>>) src(%dma_wait3A_38 : memref<2048xi32, #tpu.memory_space<hbm>>) dst(%dma_wait3A_37 : memref<2048xi32, #tpu.memory_space<vmem>>)
        tpu.yield
      }) : () -> ()
      "tpu.region"() ({
        %run_scoped3A = tpu.sem_alloc : memref<!tpu.dma_semaphore, #tpu.memory_space<semaphore_mem>>
        %dma_start3A_27 = arith.constant 0 : i32
        %dma_start3A_28 = tpu.memref_slice %arg10[%dma_start3A_27] : memref<8192xi32, #tpu.memory_space<vmem>> -> memref<2048xi32, #tpu.memory_space<vmem>>
        %dma_start3A_29 = tpu.memref_slice %arg3[%multiple_of3A_24] : memref<6400000xi32, #tpu.memory_space<hbm>> -> memref<2048xi32, #tpu.memory_space<hbm>>
        %dma_start3A_30 = arith.constant 0 : i32
        %dma_start3A_31 = tpu.memref_slice %arg10[%dma_start3A_30] : memref<8192xi32, #tpu.memory_space<vmem>> -> memref<2048xi32, #tpu.memory_space<vmem>>
        %dma_start3A_32 = tpu.memref_slice %arg3[%multiple_of3A_24] : memref<6400000xi32, #tpu.memory_space<hbm>> -> memref<2048xi32, #tpu.memory_space<hbm>>
        tpu.enqueue_dma source(%dma_start3A_32 : memref<2048xi32, #tpu.memory_space<hbm>>) target(%dma_start3A_31 : memref<2048xi32, #tpu.memory_space<vmem>>) target_semaphore(%run_scoped3A : memref<!tpu.dma_semaphore, #tpu.memory_space<semaphore_mem>>)
        %dma_wait3A_33 = arith.constant 0 : i32
        %dma_wait3A_34 = tpu.memref_slice %arg10[%dma_wait3A_33] : memref<8192xi32, #tpu.memory_space<vmem>> -> memref<2048xi32, #tpu.memory_space<vmem>>
        %dma_wait3A_35 = tpu.memref_slice %arg3[%multiple_of3A_24] : memref<6400000xi32, #tpu.memory_space<hbm>> -> memref<2048xi32, #tpu.memory_space<hbm>>
        %dma_wait3A_36 = arith.constant 0 : i32
        %dma_wait3A_37 = tpu.memref_slice %arg10[%dma_wait3A_36] : memref<8192xi32, #tpu.memory_space<vmem>> -> memref<2048xi32, #tpu.memory_space<vmem>>
        %dma_wait3A_38 = tpu.memref_slice %arg3[%multiple_of3A_24] : memref<6400000xi32, #tpu.memory_space<hbm>> -> memref<2048xi32, #tpu.memory_space<hbm>>
        tpu.wait_dma2 semaphore(%run_scoped3A : memref<!tpu.dma_semaphore, #tpu.memory_space<semaphore_mem>>) src(%dma_wait3A_38 : memref<2048xi32, #tpu.memory_space<hbm>>) dst(%dma_wait3A_37 : memref<2048xi32, #tpu.memory_space<vmem>>)
        tpu.yield
      }) : () -> ()
      %dma_start3A = arith.constant 0 : i32
      %dma_start3A_25 = tpu.memref_slice %arg15[%dma_start3A] : memref<102400xf32, #tpu.memory_space<vmem_shared>> -> memref<102400xf32, #tpu.memory_space<vmem_shared>>
      tpu.enqueue_indirect_dma source(%dma_start3A_25 : memref<102400xf32, #tpu.memory_space<vmem_shared>>) target(%arg13 : memref<8192xf32, #tpu.memory_space<vmem>>) offsets(%arg8 : memref<8192xi32, #tpu.memory_space<vmem>>) semaphore(%arg17 : memref<!tpu.dma_semaphore, #tpu.memory_space<semaphore_mem>>)
      %dma_wait3A = arith.constant 0 : i32
      %dma_wait3A_26 = tpu.memref_slice %arg15[%dma_wait3A] : memref<102400xf32, #tpu.memory_space<vmem_shared>> -> memref<102400xf32, #tpu.memory_space<vmem_shared>>
      tpu.wait_indirect_dma semaphore(%arg17 : memref<!tpu.dma_semaphore, #tpu.memory_space<semaphore_mem>>) src(%dma_wait3A_26 : memref<102400xf32, #tpu.memory_space<vmem_shared>>) dst(%arg13 : memref<8192xf32, #tpu.memory_space<vmem>>)
      "tpu.region"() ({
        %run_scoped3A = tpu.sem_alloc : memref<!tpu.dma_semaphore, #tpu.memory_space<semaphore_mem>>
        %dma_start3A_27 = arith.constant 0 : i32
        %dma_start3A_28 = tpu.memref_slice %arg16[%dma_start3A_27] : memref<102400xf32, #tpu.memory_space<vmem_shared>> -> memref<102400xf32, #tpu.memory_space<vmem_shared>>
        tpu.enqueue_indirect_dma source(%arg13 : memref<8192xf32, #tpu.memory_space<vmem>>) target(%dma_start3A_28 : memref<102400xf32, #tpu.memory_space<vmem_shared>>) offsets(%arg10 : memref<8192xi32, #tpu.memory_space<vmem>>) semaphore(%run_scoped3A : memref<!tpu.dma_semaphore, #tpu.memory_space<semaphore_mem>>) {add = true}
        %dma_wait3A_29 = arith.constant 0 : i32
        %dma_wait3A_30 = tpu.memref_slice %arg16[%dma_wait3A_29] : memref<102400xf32, #tpu.memory_space<vmem_shared>> -> memref<102400xf32, #tpu.memory_space<vmem_shared>>
        tpu.wait_indirect_dma semaphore(%run_scoped3A : memref<!tpu.dma_semaphore, #tpu.memory_space<semaphore_mem>>) src(%arg13 : memref<8192xf32, #tpu.memory_space<vmem>>) dst(%dma_wait3A_30 : memref<102400xf32, #tpu.memory_space<vmem_shared>>)
        tpu.yield
      }) : () -> ()
    } else {
    }
    %barrier3A_16 = arith.constant 0 : index
    tpu.barrier barrier_id(%barrier3A_16)
    %mul3A_17 = arith.constant 102400 : i32
    %mul3A_18 = arith.muli %arg0, %mul3A_17 : i32
    %mul3A_19 = arith.constant 6400 : i32
    %mul3A_20 = arith.muli %arg1, %mul3A_19 : i32
    %add3A_21 = arith.addi %mul3A_18, %mul3A_20 : i32
    %multiple_of3A_22 = tpu.assume_multiple %add3A_21, 8 : i32
    "tpu.region"() ({
      %run_scoped3A = tpu.sem_alloc : memref<!tpu.dma_semaphore, #tpu.memory_space<semaphore_mem>>
      %dma_start3A = tpu.memref_slice %arg16[%multiple_of3A] : memref<102400xf32, #tpu.memory_space<vmem_shared>> -> memref<6400xf32, #tpu.memory_space<vmem_shared>>
      %dma_start3A_23 = tpu.memref_slice %arg16[%multiple_of3A] : memref<102400xf32, #tpu.memory_space<vmem_shared>> -> memref<6400xf32, #tpu.memory_space<vmem_shared>>
      tpu.enqueue_dma source(%dma_start3A_23 : memref<6400xf32, #tpu.memory_space<vmem_shared>>) target(%arg12 : memref<6400xf32, #tpu.memory_space<vmem>>) target_semaphore(%run_scoped3A : memref<!tpu.dma_semaphore, #tpu.memory_space<semaphore_mem>>)
      %dma_wait3A = tpu.memref_slice %arg16[%multiple_of3A] : memref<102400xf32, #tpu.memory_space<vmem_shared>> -> memref<6400xf32, #tpu.memory_space<vmem_shared>>
      %dma_wait3A_24 = tpu.memref_slice %arg16[%multiple_of3A] : memref<102400xf32, #tpu.memory_space<vmem_shared>> -> memref<6400xf32, #tpu.memory_space<vmem_shared>>
      tpu.wait_dma2 semaphore(%run_scoped3A : memref<!tpu.dma_semaphore, #tpu.memory_space<semaphore_mem>>) src(%dma_wait3A_24 : memref<6400xf32, #tpu.memory_space<vmem_shared>>) dst(%arg12 : memref<6400xf32, #tpu.memory_space<vmem>>)
      tpu.yield
    }) : () -> ()
    "tpu.region"() ({
      %run_scoped3A = tpu.sem_alloc : memref<!tpu.dma_semaphore, #tpu.memory_space<semaphore_mem>>
      %dma_start3A = tpu.memref_slice %arg7[%multiple_of3A_22] : memref<204800xf32, #tpu.memory_space<hbm>> -> memref<6400xf32, #tpu.memory_space<hbm>>
      %dma_start3A_23 = tpu.memref_slice %arg7[%multiple_of3A_22] : memref<204800xf32, #tpu.memory_space<hbm>> -> memref<6400xf32, #tpu.memory_space<hbm>>
      tpu.enqueue_dma source(%arg12 : memref<6400xf32, #tpu.memory_space<vmem>>) target(%dma_start3A_23 : memref<6400xf32, #tpu.memory_space<hbm>>) target_semaphore(%run_scoped3A : memref<!tpu.dma_semaphore, #tpu.memory_space<semaphore_mem>>)
      %dma_wait3A = tpu.memref_slice %arg7[%multiple_of3A_22] : memref<204800xf32, #tpu.memory_space<hbm>> -> memref<6400xf32, #tpu.memory_space<hbm>>
      %dma_wait3A_24 = tpu.memref_slice %arg7[%multiple_of3A_22] : memref<204800xf32, #tpu.memory_space<hbm>> -> memref<6400xf32, #tpu.memory_space<hbm>>
      tpu.wait_dma2 semaphore(%run_scoped3A : memref<!tpu.dma_semaphore, #tpu.memory_space<semaphore_mem>>) src(%arg12 : memref<6400xf32, #tpu.memory_space<vmem>>) dst(%dma_wait3A_24 : memref<6400xf32, #tpu.memory_space<hbm>>)
      tpu.yield
    }) : () -> ()
    return
  }
}

#map = affine_map<(d0, d1) -> (0)>
module attributes {stable_mosaic.version = 14 : i64} {
  func.func @_edge_body(%arg0: i32, %arg1: i32, %arg2: memref<6400000xi32, #tpu.memory_space<hbm>>, %arg3: memref<6400000xi32, #tpu.memory_space<hbm>>, %arg4: memref<8192xi32, #tpu.memory_space<hbm>>, %arg5: memref<102400xf32, #tpu.memory_space<hbm>>, %arg6: memref<102400xf32, #tpu.memory_space<hbm>>, %arg7: memref<102400xf32, #tpu.memory_space<hbm>>, %arg8: memref<102400xf32, #tpu.memory_space<hbm>>, %arg9: memref<204800xf32, #tpu.memory_space<hbm>>, %arg10: memref<204800xf32, #tpu.memory_space<hbm>>, %arg11: memref<204800xf32, #tpu.memory_space<hbm>>, %arg12: memref<8192xi32, #tpu.memory_space<vmem>>, %arg13: memref<8192xi32, #tpu.memory_space<vmem>>, %arg14: memref<8192xi32, #tpu.memory_space<vmem>>, %arg15: memref<8192xi32, #tpu.memory_space<vmem>>, %arg16: memref<6400xf32, #tpu.memory_space<vmem>>, %arg17: memref<8192xf32, #tpu.memory_space<vmem>>, %arg18: memref<8192xf32, #tpu.memory_space<vmem>>, %arg19: memref<8192xf32, #tpu.memory_space<vmem>>, %arg20: memref<8192xf32, #tpu.memory_space<vmem>>, %arg21: memref<8192xf32, #tpu.memory_space<vmem>>, %arg22: memref<8192xf32, #tpu.memory_space<vmem>>, %arg23: memref<102400xf32, #tpu.memory_space<vmem_shared>>, %arg24: memref<102400xf32, #tpu.memory_space<vmem_shared>>, %arg25: memref<102400xf32, #tpu.memory_space<vmem_shared>>, %arg26: memref<102400xf32, #tpu.memory_space<vmem_shared>>, %arg27: memref<102400xf32, #tpu.memory_space<vmem_shared>>, %arg28: memref<102400xf32, #tpu.memory_space<vmem_shared>>, %arg29: memref<!tpu.dma_semaphore, #tpu.memory_space<semaphore_mem>>, %arg30: memref<!tpu.dma_semaphore, #tpu.memory_space<semaphore_mem>>, %arg31: memref<!tpu.dma_semaphore, #tpu.memory_space<semaphore_mem>>) attributes {dimension_semantics = [#tpu.dimension_semantics<core_parallel>, #tpu.dimension_semantics<subcore_parallel>], iteration_bounds = array<i64: 2, 16>, scalar_prefetch = 0 : i64, scratch_operands = 20 : i64, tpu.core_type = #tpu.core_type<sc_vector_subcore>, window_params = [{transform_indices = #map}, {transform_indices = #map}, {transform_indices = #map}, {transform_indices = #map}, {transform_indices = #map}, {transform_indices = #map}, {transform_indices = #map}, {transform_indices = #map}, {transform_indices = #map}, {transform_indices = #map}]} {
    %mul3A = arith.constant 16 : i32
    %mul3A_0 = arith.muli %arg0, %mul3A : i32
    %add3A = arith.addi %mul3A_0, %arg1 : i32
    %mul3A_1 = arith.constant 6400 : i32
    %mul3A_2 = arith.muli %arg1, %mul3A_1 : i32
    %multiple_of3A = tpu.assume_multiple %mul3A_2, 8 : i32
    "tpu.region"() ({
      %run_scoped3A = tpu.sem_alloc : memref<!tpu.dma_semaphore, #tpu.memory_space<semaphore_mem>>
      %dma_start3A = tpu.memref_slice %arg5[%multiple_of3A] : memref<102400xf32, #tpu.memory_space<hbm>> -> memref<6400xf32, #tpu.memory_space<hbm>>
      %dma_start3A_23 = tpu.memref_slice %arg5[%multiple_of3A] : memref<102400xf32, #tpu.memory_space<hbm>> -> memref<6400xf32, #tpu.memory_space<hbm>>
      tpu.enqueue_dma source(%dma_start3A_23 : memref<6400xf32, #tpu.memory_space<hbm>>) target(%arg16 : memref<6400xf32, #tpu.memory_space<vmem>>) target_semaphore(%run_scoped3A : memref<!tpu.dma_semaphore, #tpu.memory_space<semaphore_mem>>)
      %dma_wait3A = tpu.memref_slice %arg5[%multiple_of3A] : memref<102400xf32, #tpu.memory_space<hbm>> -> memref<6400xf32, #tpu.memory_space<hbm>>
      %dma_wait3A_24 = tpu.memref_slice %arg5[%multiple_of3A] : memref<102400xf32, #tpu.memory_space<hbm>> -> memref<6400xf32, #tpu.memory_space<hbm>>
      tpu.wait_dma2 semaphore(%run_scoped3A : memref<!tpu.dma_semaphore, #tpu.memory_space<semaphore_mem>>) src(%dma_wait3A_24 : memref<6400xf32, #tpu.memory_space<hbm>>) dst(%arg16 : memref<6400xf32, #tpu.memory_space<vmem>>)
      tpu.yield
    }) : () -> ()
    "tpu.region"() ({
      %run_scoped3A = tpu.sem_alloc : memref<!tpu.dma_semaphore, #tpu.memory_space<semaphore_mem>>
      %dma_start3A = tpu.memref_slice %arg23[%multiple_of3A] : memref<102400xf32, #tpu.memory_space<vmem_shared>> -> memref<6400xf32, #tpu.memory_space<vmem_shared>>
      %dma_start3A_23 = tpu.memref_slice %arg23[%multiple_of3A] : memref<102400xf32, #tpu.memory_space<vmem_shared>> -> memref<6400xf32, #tpu.memory_space<vmem_shared>>
      tpu.enqueue_dma source(%arg16 : memref<6400xf32, #tpu.memory_space<vmem>>) target(%dma_start3A_23 : memref<6400xf32, #tpu.memory_space<vmem_shared>>) target_semaphore(%run_scoped3A : memref<!tpu.dma_semaphore, #tpu.memory_space<semaphore_mem>>)
      %dma_wait3A = tpu.memref_slice %arg23[%multiple_of3A] : memref<102400xf32, #tpu.memory_space<vmem_shared>> -> memref<6400xf32, #tpu.memory_space<vmem_shared>>
      %dma_wait3A_24 = tpu.memref_slice %arg23[%multiple_of3A] : memref<102400xf32, #tpu.memory_space<vmem_shared>> -> memref<6400xf32, #tpu.memory_space<vmem_shared>>
      tpu.wait_dma2 semaphore(%run_scoped3A : memref<!tpu.dma_semaphore, #tpu.memory_space<semaphore_mem>>) src(%arg16 : memref<6400xf32, #tpu.memory_space<vmem>>) dst(%dma_wait3A_24 : memref<6400xf32, #tpu.memory_space<vmem_shared>>)
      tpu.yield
    }) : () -> ()
    "tpu.region"() ({
      %run_scoped3A = tpu.sem_alloc : memref<!tpu.dma_semaphore, #tpu.memory_space<semaphore_mem>>
      %dma_start3A = tpu.memref_slice %arg6[%multiple_of3A] : memref<102400xf32, #tpu.memory_space<hbm>> -> memref<6400xf32, #tpu.memory_space<hbm>>
      %dma_start3A_23 = tpu.memref_slice %arg6[%multiple_of3A] : memref<102400xf32, #tpu.memory_space<hbm>> -> memref<6400xf32, #tpu.memory_space<hbm>>
      tpu.enqueue_dma source(%dma_start3A_23 : memref<6400xf32, #tpu.memory_space<hbm>>) target(%arg16 : memref<6400xf32, #tpu.memory_space<vmem>>) target_semaphore(%run_scoped3A : memref<!tpu.dma_semaphore, #tpu.memory_space<semaphore_mem>>)
      %dma_wait3A = tpu.memref_slice %arg6[%multiple_of3A] : memref<102400xf32, #tpu.memory_space<hbm>> -> memref<6400xf32, #tpu.memory_space<hbm>>
      %dma_wait3A_24 = tpu.memref_slice %arg6[%multiple_of3A] : memref<102400xf32, #tpu.memory_space<hbm>> -> memref<6400xf32, #tpu.memory_space<hbm>>
      tpu.wait_dma2 semaphore(%run_scoped3A : memref<!tpu.dma_semaphore, #tpu.memory_space<semaphore_mem>>) src(%dma_wait3A_24 : memref<6400xf32, #tpu.memory_space<hbm>>) dst(%arg16 : memref<6400xf32, #tpu.memory_space<vmem>>)
      tpu.yield
    }) : () -> ()
    "tpu.region"() ({
      %run_scoped3A = tpu.sem_alloc : memref<!tpu.dma_semaphore, #tpu.memory_space<semaphore_mem>>
      %dma_start3A = tpu.memref_slice %arg24[%multiple_of3A] : memref<102400xf32, #tpu.memory_space<vmem_shared>> -> memref<6400xf32, #tpu.memory_space<vmem_shared>>
      %dma_start3A_23 = tpu.memref_slice %arg24[%multiple_of3A] : memref<102400xf32, #tpu.memory_space<vmem_shared>> -> memref<6400xf32, #tpu.memory_space<vmem_shared>>
      tpu.enqueue_dma source(%arg16 : memref<6400xf32, #tpu.memory_space<vmem>>) target(%dma_start3A_23 : memref<6400xf32, #tpu.memory_space<vmem_shared>>) target_semaphore(%run_scoped3A : memref<!tpu.dma_semaphore, #tpu.memory_space<semaphore_mem>>)
      %dma_wait3A = tpu.memref_slice %arg24[%multiple_of3A] : memref<102400xf32, #tpu.memory_space<vmem_shared>> -> memref<6400xf32, #tpu.memory_space<vmem_shared>>
      %dma_wait3A_24 = tpu.memref_slice %arg24[%multiple_of3A] : memref<102400xf32, #tpu.memory_space<vmem_shared>> -> memref<6400xf32, #tpu.memory_space<vmem_shared>>
      tpu.wait_dma2 semaphore(%run_scoped3A : memref<!tpu.dma_semaphore, #tpu.memory_space<semaphore_mem>>) src(%arg16 : memref<6400xf32, #tpu.memory_space<vmem>>) dst(%dma_wait3A_24 : memref<6400xf32, #tpu.memory_space<vmem_shared>>)
      tpu.yield
    }) : () -> ()
    "tpu.region"() ({
      %run_scoped3A = tpu.sem_alloc : memref<!tpu.dma_semaphore, #tpu.memory_space<semaphore_mem>>
      %dma_start3A = tpu.memref_slice %arg7[%multiple_of3A] : memref<102400xf32, #tpu.memory_space<hbm>> -> memref<6400xf32, #tpu.memory_space<hbm>>
      %dma_start3A_23 = tpu.memref_slice %arg7[%multiple_of3A] : memref<102400xf32, #tpu.memory_space<hbm>> -> memref<6400xf32, #tpu.memory_space<hbm>>
      tpu.enqueue_dma source(%dma_start3A_23 : memref<6400xf32, #tpu.memory_space<hbm>>) target(%arg16 : memref<6400xf32, #tpu.memory_space<vmem>>) target_semaphore(%run_scoped3A : memref<!tpu.dma_semaphore, #tpu.memory_space<semaphore_mem>>)
      %dma_wait3A = tpu.memref_slice %arg7[%multiple_of3A] : memref<102400xf32, #tpu.memory_space<hbm>> -> memref<6400xf32, #tpu.memory_space<hbm>>
      %dma_wait3A_24 = tpu.memref_slice %arg7[%multiple_of3A] : memref<102400xf32, #tpu.memory_space<hbm>> -> memref<6400xf32, #tpu.memory_space<hbm>>
      tpu.wait_dma2 semaphore(%run_scoped3A : memref<!tpu.dma_semaphore, #tpu.memory_space<semaphore_mem>>) src(%dma_wait3A_24 : memref<6400xf32, #tpu.memory_space<hbm>>) dst(%arg16 : memref<6400xf32, #tpu.memory_space<vmem>>)
      tpu.yield
    }) : () -> ()
    "tpu.region"() ({
      %run_scoped3A = tpu.sem_alloc : memref<!tpu.dma_semaphore, #tpu.memory_space<semaphore_mem>>
      %dma_start3A = tpu.memref_slice %arg25[%multiple_of3A] : memref<102400xf32, #tpu.memory_space<vmem_shared>> -> memref<6400xf32, #tpu.memory_space<vmem_shared>>
      %dma_start3A_23 = tpu.memref_slice %arg25[%multiple_of3A] : memref<102400xf32, #tpu.memory_space<vmem_shared>> -> memref<6400xf32, #tpu.memory_space<vmem_shared>>
      tpu.enqueue_dma source(%arg16 : memref<6400xf32, #tpu.memory_space<vmem>>) target(%dma_start3A_23 : memref<6400xf32, #tpu.memory_space<vmem_shared>>) target_semaphore(%run_scoped3A : memref<!tpu.dma_semaphore, #tpu.memory_space<semaphore_mem>>)
      %dma_wait3A = tpu.memref_slice %arg25[%multiple_of3A] : memref<102400xf32, #tpu.memory_space<vmem_shared>> -> memref<6400xf32, #tpu.memory_space<vmem_shared>>
      %dma_wait3A_24 = tpu.memref_slice %arg25[%multiple_of3A] : memref<102400xf32, #tpu.memory_space<vmem_shared>> -> memref<6400xf32, #tpu.memory_space<vmem_shared>>
      tpu.wait_dma2 semaphore(%run_scoped3A : memref<!tpu.dma_semaphore, #tpu.memory_space<semaphore_mem>>) src(%arg16 : memref<6400xf32, #tpu.memory_space<vmem>>) dst(%dma_wait3A_24 : memref<6400xf32, #tpu.memory_space<vmem_shared>>)
      tpu.yield
    }) : () -> ()
    "tpu.region"() ({
      %run_scoped3A = tpu.sem_alloc : memref<!tpu.dma_semaphore, #tpu.memory_space<semaphore_mem>>
      %dma_start3A = tpu.memref_slice %arg8[%multiple_of3A] : memref<102400xf32, #tpu.memory_space<hbm>> -> memref<6400xf32, #tpu.memory_space<hbm>>
      %dma_start3A_23 = tpu.memref_slice %arg8[%multiple_of3A] : memref<102400xf32, #tpu.memory_space<hbm>> -> memref<6400xf32, #tpu.memory_space<hbm>>
      tpu.enqueue_dma source(%dma_start3A_23 : memref<6400xf32, #tpu.memory_space<hbm>>) target(%arg16 : memref<6400xf32, #tpu.memory_space<vmem>>) target_semaphore(%run_scoped3A : memref<!tpu.dma_semaphore, #tpu.memory_space<semaphore_mem>>)
      %dma_wait3A = tpu.memref_slice %arg8[%multiple_of3A] : memref<102400xf32, #tpu.memory_space<hbm>> -> memref<6400xf32, #tpu.memory_space<hbm>>
      %dma_wait3A_24 = tpu.memref_slice %arg8[%multiple_of3A] : memref<102400xf32, #tpu.memory_space<hbm>> -> memref<6400xf32, #tpu.memory_space<hbm>>
      tpu.wait_dma2 semaphore(%run_scoped3A : memref<!tpu.dma_semaphore, #tpu.memory_space<semaphore_mem>>) src(%dma_wait3A_24 : memref<6400xf32, #tpu.memory_space<hbm>>) dst(%arg16 : memref<6400xf32, #tpu.memory_space<vmem>>)
      tpu.yield
    }) : () -> ()
    "tpu.region"() ({
      %run_scoped3A = tpu.sem_alloc : memref<!tpu.dma_semaphore, #tpu.memory_space<semaphore_mem>>
      %dma_start3A = tpu.memref_slice %arg26[%multiple_of3A] : memref<102400xf32, #tpu.memory_space<vmem_shared>> -> memref<6400xf32, #tpu.memory_space<vmem_shared>>
      %dma_start3A_23 = tpu.memref_slice %arg26[%multiple_of3A] : memref<102400xf32, #tpu.memory_space<vmem_shared>> -> memref<6400xf32, #tpu.memory_space<vmem_shared>>
      tpu.enqueue_dma source(%arg16 : memref<6400xf32, #tpu.memory_space<vmem>>) target(%dma_start3A_23 : memref<6400xf32, #tpu.memory_space<vmem_shared>>) target_semaphore(%run_scoped3A : memref<!tpu.dma_semaphore, #tpu.memory_space<semaphore_mem>>)
      %dma_wait3A = tpu.memref_slice %arg26[%multiple_of3A] : memref<102400xf32, #tpu.memory_space<vmem_shared>> -> memref<6400xf32, #tpu.memory_space<vmem_shared>>
      %dma_wait3A_24 = tpu.memref_slice %arg26[%multiple_of3A] : memref<102400xf32, #tpu.memory_space<vmem_shared>> -> memref<6400xf32, #tpu.memory_space<vmem_shared>>
      tpu.wait_dma2 semaphore(%run_scoped3A : memref<!tpu.dma_semaphore, #tpu.memory_space<semaphore_mem>>) src(%arg16 : memref<6400xf32, #tpu.memory_space<vmem>>) dst(%dma_wait3A_24 : memref<6400xf32, #tpu.memory_space<vmem_shared>>)
      tpu.yield
    }) : () -> ()
    "tpu.region"() ({
      %run_scoped3A = tpu.sem_alloc : memref<!tpu.dma_semaphore, #tpu.memory_space<semaphore_mem>>
      %dma_start3A = tpu.memref_slice %arg27[%multiple_of3A] : memref<102400xf32, #tpu.memory_space<vmem_shared>> -> memref<6400xf32, #tpu.memory_space<vmem_shared>>
      %dma_start3A_23 = tpu.memref_slice %arg27[%multiple_of3A] : memref<102400xf32, #tpu.memory_space<vmem_shared>> -> memref<6400xf32, #tpu.memory_space<vmem_shared>>
      tpu.enqueue_dma source(%arg16 : memref<6400xf32, #tpu.memory_space<vmem>>) target(%dma_start3A_23 : memref<6400xf32, #tpu.memory_space<vmem_shared>>) target_semaphore(%run_scoped3A : memref<!tpu.dma_semaphore, #tpu.memory_space<semaphore_mem>>)
      %dma_wait3A = tpu.memref_slice %arg27[%multiple_of3A] : memref<102400xf32, #tpu.memory_space<vmem_shared>> -> memref<6400xf32, #tpu.memory_space<vmem_shared>>
      %dma_wait3A_24 = tpu.memref_slice %arg27[%multiple_of3A] : memref<102400xf32, #tpu.memory_space<vmem_shared>> -> memref<6400xf32, #tpu.memory_space<vmem_shared>>
      tpu.wait_dma2 semaphore(%run_scoped3A : memref<!tpu.dma_semaphore, #tpu.memory_space<semaphore_mem>>) src(%arg16 : memref<6400xf32, #tpu.memory_space<vmem>>) dst(%dma_wait3A_24 : memref<6400xf32, #tpu.memory_space<vmem_shared>>)
      tpu.yield
    }) : () -> ()
    "tpu.region"() ({
      %run_scoped3A = tpu.sem_alloc : memref<!tpu.dma_semaphore, #tpu.memory_space<semaphore_mem>>
      %dma_start3A = tpu.memref_slice %arg28[%multiple_of3A] : memref<102400xf32, #tpu.memory_space<vmem_shared>> -> memref<6400xf32, #tpu.memory_space<vmem_shared>>
      %dma_start3A_23 = tpu.memref_slice %arg28[%multiple_of3A] : memref<102400xf32, #tpu.memory_space<vmem_shared>> -> memref<6400xf32, #tpu.memory_space<vmem_shared>>
      tpu.enqueue_dma source(%arg16 : memref<6400xf32, #tpu.memory_space<vmem>>) target(%dma_start3A_23 : memref<6400xf32, #tpu.memory_space<vmem_shared>>) target_semaphore(%run_scoped3A : memref<!tpu.dma_semaphore, #tpu.memory_space<semaphore_mem>>)
      %dma_wait3A = tpu.memref_slice %arg28[%multiple_of3A] : memref<102400xf32, #tpu.memory_space<vmem_shared>> -> memref<6400xf32, #tpu.memory_space<vmem_shared>>
      %dma_wait3A_24 = tpu.memref_slice %arg28[%multiple_of3A] : memref<102400xf32, #tpu.memory_space<vmem_shared>> -> memref<6400xf32, #tpu.memory_space<vmem_shared>>
      tpu.wait_dma2 semaphore(%run_scoped3A : memref<!tpu.dma_semaphore, #tpu.memory_space<semaphore_mem>>) src(%arg16 : memref<6400xf32, #tpu.memory_space<vmem>>) dst(%dma_wait3A_24 : memref<6400xf32, #tpu.memory_space<vmem_shared>>)
      tpu.yield
    }) : () -> ()
    %barrier3A = arith.constant 0 : index
    tpu.barrier barrier_id(%barrier3A)
    %add3A_3 = arith.constant 0 : i32
    %add3A_4 = arith.addi %add3A, %add3A_3 : i32
    %lt3A = arith.constant 781 : i32
    %lt3A_5 = arith.cmpi slt, %add3A_4, %lt3A : i32
    %convert_element_type3A = arith.extui %lt3A_5 : i1 to i32
    %cond3A = arith.constant 0 : i32
    %cond3A_6 = arith.cmpi ne, %convert_element_type3A, %cond3A : i32
    scf.if %cond3A_6 {
      %mul3A_23 = arith.constant 8192 : i32
      %mul3A_24 = arith.muli %add3A_4, %mul3A_23 : i32
      %multiple_of3A_25 = tpu.assume_multiple %mul3A_24, 8 : i32
      "tpu.region"() ({
        %run_scoped3A = tpu.sem_alloc : memref<!tpu.dma_semaphore, #tpu.memory_space<semaphore_mem>>
        %dma_start3A_31 = tpu.memref_slice %arg2[%multiple_of3A_25] : memref<6400000xi32, #tpu.memory_space<hbm>> -> memref<8192xi32, #tpu.memory_space<hbm>>
        %dma_start3A_32 = tpu.memref_slice %arg2[%multiple_of3A_25] : memref<6400000xi32, #tpu.memory_space<hbm>> -> memref<8192xi32, #tpu.memory_space<hbm>>
        tpu.enqueue_dma source(%dma_start3A_32 : memref<8192xi32, #tpu.memory_space<hbm>>) target(%arg12 : memref<8192xi32, #tpu.memory_space<vmem>>) target_semaphore(%run_scoped3A : memref<!tpu.dma_semaphore, #tpu.memory_space<semaphore_mem>>)
        %dma_wait3A = tpu.memref_slice %arg2[%multiple_of3A_25] : memref<6400000xi32, #tpu.memory_space<hbm>> -> memref<8192xi32, #tpu.memory_space<hbm>>
        %dma_wait3A_33 = tpu.memref_slice %arg2[%multiple_of3A_25] : memref<6400000xi32, #tpu.memory_space<hbm>> -> memref<8192xi32, #tpu.memory_space<hbm>>
        tpu.wait_dma2 semaphore(%run_scoped3A : memref<!tpu.dma_semaphore, #tpu.memory_space<semaphore_mem>>) src(%dma_wait3A_33 : memref<8192xi32, #tpu.memory_space<hbm>>) dst(%arg12 : memref<8192xi32, #tpu.memory_space<vmem>>)
        tpu.yield
      }) : () -> ()
      "tpu.region"() ({
        %run_scoped3A = tpu.sem_alloc : memref<!tpu.dma_semaphore, #tpu.memory_space<semaphore_mem>>
        %dma_start3A_31 = tpu.memref_slice %arg3[%multiple_of3A_25] : memref<6400000xi32, #tpu.memory_space<hbm>> -> memref<8192xi32, #tpu.memory_space<hbm>>
        %dma_start3A_32 = tpu.memref_slice %arg3[%multiple_of3A_25] : memref<6400000xi32, #tpu.memory_space<hbm>> -> memref<8192xi32, #tpu.memory_space<hbm>>
        tpu.enqueue_dma source(%dma_start3A_32 : memref<8192xi32, #tpu.memory_space<hbm>>) target(%arg14 : memref<8192xi32, #tpu.memory_space<vmem>>) target_semaphore(%run_scoped3A : memref<!tpu.dma_semaphore, #tpu.memory_space<semaphore_mem>>)
        %dma_wait3A = tpu.memref_slice %arg3[%multiple_of3A_25] : memref<6400000xi32, #tpu.memory_space<hbm>> -> memref<8192xi32, #tpu.memory_space<hbm>>
        %dma_wait3A_33 = tpu.memref_slice %arg3[%multiple_of3A_25] : memref<6400000xi32, #tpu.memory_space<hbm>> -> memref<8192xi32, #tpu.memory_space<hbm>>
        tpu.wait_dma2 semaphore(%run_scoped3A : memref<!tpu.dma_semaphore, #tpu.memory_space<semaphore_mem>>) src(%dma_wait3A_33 : memref<8192xi32, #tpu.memory_space<hbm>>) dst(%arg14 : memref<8192xi32, #tpu.memory_space<vmem>>)
        tpu.yield
      }) : () -> ()
      %dma_start3A = arith.constant 0 : i32
      %dma_start3A_26 = tpu.memref_slice %arg23[%dma_start3A] : memref<102400xf32, #tpu.memory_space<vmem_shared>> -> memref<102400xf32, #tpu.memory_space<vmem_shared>>
      tpu.enqueue_indirect_dma source(%dma_start3A_26 : memref<102400xf32, #tpu.memory_space<vmem_shared>>) target(%arg17 : memref<8192xf32, #tpu.memory_space<vmem>>) offsets(%arg12 : memref<8192xi32, #tpu.memory_space<vmem>>) semaphore(%arg29 : memref<!tpu.dma_semaphore, #tpu.memory_space<semaphore_mem>>)
      %dma_start3A_27 = arith.constant 0 : i32
      %dma_start3A_28 = tpu.memref_slice %arg24[%dma_start3A_27] : memref<102400xf32, #tpu.memory_space<vmem_shared>> -> memref<102400xf32, #tpu.memory_space<vmem_shared>>
      tpu.enqueue_indirect_dma source(%dma_start3A_28 : memref<102400xf32, #tpu.memory_space<vmem_shared>>) target(%arg18 : memref<8192xf32, #tpu.memory_space<vmem>>) offsets(%arg12 : memref<8192xi32, #tpu.memory_space<vmem>>) semaphore(%arg29 : memref<!tpu.dma_semaphore, #tpu.memory_space<semaphore_mem>>)
      %dma_start3A_29 = arith.constant 0 : i32
      %dma_start3A_30 = tpu.memref_slice %arg25[%dma_start3A_29] : memref<102400xf32, #tpu.memory_space<vmem_shared>> -> memref<102400xf32, #tpu.memory_space<vmem_shared>>
      tpu.enqueue_indirect_dma source(%dma_start3A_30 : memref<102400xf32, #tpu.memory_space<vmem_shared>>) target(%arg19 : memref<8192xf32, #tpu.memory_space<vmem>>) offsets(%arg12 : memref<8192xi32, #tpu.memory_space<vmem>>) semaphore(%arg29 : memref<!tpu.dma_semaphore, #tpu.memory_space<semaphore_mem>>)
    } else {
    }
    %scan3A = arith.constant 0 : i32
    %scan3A_7 = arith.constant 0 : i32
    %scan3A_8 = arith.constant 13 : i32
    %scan3A_9 = arith.addi %scan3A_7, %scan3A_8 : i32
    %scan3A_10 = arith.constant 1 : i32
    scf.for %scan3A_23 = %scan3A_7 to %scan3A_9 step %scan3A_10  : i32 {
      %mul3A_24 = arith.constant 2 : i32
      %mul3A_25 = arith.muli %mul3A_24, %scan3A_23 : i32
      %add3A_26 = arith.constant 2 : i32
      %add3A_27 = arith.addi %mul3A_25, %add3A_26 : i32
      %sub3A = arith.constant 1 : i32
      %sub3A_28 = arith.subi %add3A_27, %sub3A : i32
      %add3A_29 = arith.constant 0 : i32
      %add3A_30 = arith.addi %sub3A_28, %add3A_29 : i32
      %mul3A_31 = arith.constant 32 : i32
      %mul3A_32 = arith.muli %mul3A_31, %add3A_30 : i32
      %add3A_33 = arith.addi %add3A, %mul3A_32 : i32
      %mul3A_34 = arith.constant 2 : i32
      %mul3A_35 = arith.muli %mul3A_34, %scan3A_23 : i32
      %add3A_36 = arith.constant 0 : i32
      %add3A_37 = arith.addi %mul3A_35, %add3A_36 : i32
      %mul3A_38 = arith.constant 32 : i32
      %mul3A_39 = arith.muli %mul3A_38, %add3A_37 : i32
      %add3A_40 = arith.addi %add3A, %mul3A_39 : i32
      %lt3A_41 = arith.constant 781 : i32
      %lt3A_42 = arith.cmpi slt, %add3A_33, %lt3A_41 : i32
      %convert_element_type3A_43 = arith.extui %lt3A_42 : i1 to i32
      %cond3A_44 = arith.constant 0 : i32
      %cond3A_45 = arith.cmpi ne, %convert_element_type3A_43, %cond3A_44 : i32
      scf.if %cond3A_45 {
        %mul3A_79 = arith.constant 8192 : i32
        %mul3A_80 = arith.muli %add3A_33, %mul3A_79 : i32
        %multiple_of3A_81 = tpu.assume_multiple %mul3A_80, 8 : i32
        "tpu.region"() ({
          %run_scoped3A = tpu.sem_alloc : memref<!tpu.dma_semaphore, #tpu.memory_space<semaphore_mem>>
          %dma_start3A_87 = tpu.memref_slice %arg2[%multiple_of3A_81] : memref<6400000xi32, #tpu.memory_space<hbm>> -> memref<8192xi32, #tpu.memory_space<hbm>>
          %dma_start3A_88 = tpu.memref_slice %arg2[%multiple_of3A_81] : memref<6400000xi32, #tpu.memory_space<hbm>> -> memref<8192xi32, #tpu.memory_space<hbm>>
          tpu.enqueue_dma source(%dma_start3A_88 : memref<8192xi32, #tpu.memory_space<hbm>>) target(%arg13 : memref<8192xi32, #tpu.memory_space<vmem>>) target_semaphore(%run_scoped3A : memref<!tpu.dma_semaphore, #tpu.memory_space<semaphore_mem>>)
          %dma_wait3A = tpu.memref_slice %arg2[%multiple_of3A_81] : memref<6400000xi32, #tpu.memory_space<hbm>> -> memref<8192xi32, #tpu.memory_space<hbm>>
          %dma_wait3A_89 = tpu.memref_slice %arg2[%multiple_of3A_81] : memref<6400000xi32, #tpu.memory_space<hbm>> -> memref<8192xi32, #tpu.memory_space<hbm>>
          tpu.wait_dma2 semaphore(%run_scoped3A : memref<!tpu.dma_semaphore, #tpu.memory_space<semaphore_mem>>) src(%dma_wait3A_89 : memref<8192xi32, #tpu.memory_space<hbm>>) dst(%arg13 : memref<8192xi32, #tpu.memory_space<vmem>>)
          tpu.yield
        }) : () -> ()
        "tpu.region"() ({
          %run_scoped3A = tpu.sem_alloc : memref<!tpu.dma_semaphore, #tpu.memory_space<semaphore_mem>>
          %dma_start3A_87 = tpu.memref_slice %arg3[%multiple_of3A_81] : memref<6400000xi32, #tpu.memory_space<hbm>> -> memref<8192xi32, #tpu.memory_space<hbm>>
          %dma_start3A_88 = tpu.memref_slice %arg3[%multiple_of3A_81] : memref<6400000xi32, #tpu.memory_space<hbm>> -> memref<8192xi32, #tpu.memory_space<hbm>>
          tpu.enqueue_dma source(%dma_start3A_88 : memref<8192xi32, #tpu.memory_space<hbm>>) target(%arg15 : memref<8192xi32, #tpu.memory_space<vmem>>) target_semaphore(%run_scoped3A : memref<!tpu.dma_semaphore, #tpu.memory_space<semaphore_mem>>)
          %dma_wait3A = tpu.memref_slice %arg3[%multiple_of3A_81] : memref<6400000xi32, #tpu.memory_space<hbm>> -> memref<8192xi32, #tpu.memory_space<hbm>>
          %dma_wait3A_89 = tpu.memref_slice %arg3[%multiple_of3A_81] : memref<6400000xi32, #tpu.memory_space<hbm>> -> memref<8192xi32, #tpu.memory_space<hbm>>
          tpu.wait_dma2 semaphore(%run_scoped3A : memref<!tpu.dma_semaphore, #tpu.memory_space<semaphore_mem>>) src(%dma_wait3A_89 : memref<8192xi32, #tpu.memory_space<hbm>>) dst(%arg15 : memref<8192xi32, #tpu.memory_space<vmem>>)
          tpu.yield
        }) : () -> ()
        %dma_start3A = arith.constant 0 : i32
        %dma_start3A_82 = tpu.memref_slice %arg23[%dma_start3A] : memref<102400xf32, #tpu.memory_space<vmem_shared>> -> memref<102400xf32, #tpu.memory_space<vmem_shared>>
        tpu.enqueue_indirect_dma source(%dma_start3A_82 : memref<102400xf32, #tpu.memory_space<vmem_shared>>) target(%arg20 : memref<8192xf32, #tpu.memory_space<vmem>>) offsets(%arg13 : memref<8192xi32, #tpu.memory_space<vmem>>) semaphore(%arg30 : memref<!tpu.dma_semaphore, #tpu.memory_space<semaphore_mem>>)
        %dma_start3A_83 = arith.constant 0 : i32
        %dma_start3A_84 = tpu.memref_slice %arg24[%dma_start3A_83] : memref<102400xf32, #tpu.memory_space<vmem_shared>> -> memref<102400xf32, #tpu.memory_space<vmem_shared>>
        tpu.enqueue_indirect_dma source(%dma_start3A_84 : memref<102400xf32, #tpu.memory_space<vmem_shared>>) target(%arg21 : memref<8192xf32, #tpu.memory_space<vmem>>) offsets(%arg13 : memref<8192xi32, #tpu.memory_space<vmem>>) semaphore(%arg30 : memref<!tpu.dma_semaphore, #tpu.memory_space<semaphore_mem>>)
        %dma_start3A_85 = arith.constant 0 : i32
        %dma_start3A_86 = tpu.memref_slice %arg25[%dma_start3A_85] : memref<102400xf32, #tpu.memory_space<vmem_shared>> -> memref<102400xf32, #tpu.memory_space<vmem_shared>>
        tpu.enqueue_indirect_dma source(%dma_start3A_86 : memref<102400xf32, #tpu.memory_space<vmem_shared>>) target(%arg22 : memref<8192xf32, #tpu.memory_space<vmem>>) offsets(%arg13 : memref<8192xi32, #tpu.memory_space<vmem>>) semaphore(%arg30 : memref<!tpu.dma_semaphore, #tpu.memory_space<semaphore_mem>>)
      } else {
      }
      %lt3A_46 = arith.constant 781 : i32
      %lt3A_47 = arith.cmpi slt, %add3A_40, %lt3A_46 : i32
      %convert_element_type3A_48 = arith.extui %lt3A_47 : i1 to i32
      %cond3A_49 = arith.constant 0 : i32
      %cond3A_50 = arith.cmpi ne, %convert_element_type3A_48, %cond3A_49 : i32
      scf.if %cond3A_50 {
        %dma_wait3A = arith.constant 0 : i32
        %dma_wait3A_79 = tpu.memref_slice %arg23[%dma_wait3A] : memref<102400xf32, #tpu.memory_space<vmem_shared>> -> memref<102400xf32, #tpu.memory_space<vmem_shared>>
        tpu.wait_indirect_dma semaphore(%arg29 : memref<!tpu.dma_semaphore, #tpu.memory_space<semaphore_mem>>) src(%dma_wait3A_79 : memref<102400xf32, #tpu.memory_space<vmem_shared>>) dst(%arg17 : memref<8192xf32, #tpu.memory_space<vmem>>)
        %dma_wait3A_80 = arith.constant 0 : i32
        %dma_wait3A_81 = tpu.memref_slice %arg24[%dma_wait3A_80] : memref<102400xf32, #tpu.memory_space<vmem_shared>> -> memref<102400xf32, #tpu.memory_space<vmem_shared>>
        tpu.wait_indirect_dma semaphore(%arg29 : memref<!tpu.dma_semaphore, #tpu.memory_space<semaphore_mem>>) src(%dma_wait3A_81 : memref<102400xf32, #tpu.memory_space<vmem_shared>>) dst(%arg18 : memref<8192xf32, #tpu.memory_space<vmem>>)
        %dma_wait3A_82 = arith.constant 0 : i32
        %dma_wait3A_83 = tpu.memref_slice %arg25[%dma_wait3A_82] : memref<102400xf32, #tpu.memory_space<vmem_shared>> -> memref<102400xf32, #tpu.memory_space<vmem_shared>>
        tpu.wait_indirect_dma semaphore(%arg29 : memref<!tpu.dma_semaphore, #tpu.memory_space<semaphore_mem>>) src(%dma_wait3A_83 : memref<102400xf32, #tpu.memory_space<vmem_shared>>) dst(%arg19 : memref<8192xf32, #tpu.memory_space<vmem>>)
        %dma_start3A = arith.constant 0 : i32
        %dma_start3A_84 = tpu.memref_slice %arg26[%dma_start3A] : memref<102400xf32, #tpu.memory_space<vmem_shared>> -> memref<102400xf32, #tpu.memory_space<vmem_shared>>
        tpu.enqueue_indirect_dma source(%arg17 : memref<8192xf32, #tpu.memory_space<vmem>>) target(%dma_start3A_84 : memref<102400xf32, #tpu.memory_space<vmem_shared>>) offsets(%arg14 : memref<8192xi32, #tpu.memory_space<vmem>>) semaphore(%arg31 : memref<!tpu.dma_semaphore, #tpu.memory_space<semaphore_mem>>) {add = true}
        %dma_start3A_85 = arith.constant 0 : i32
        %dma_start3A_86 = tpu.memref_slice %arg27[%dma_start3A_85] : memref<102400xf32, #tpu.memory_space<vmem_shared>> -> memref<102400xf32, #tpu.memory_space<vmem_shared>>
        tpu.enqueue_indirect_dma source(%arg18 : memref<8192xf32, #tpu.memory_space<vmem>>) target(%dma_start3A_86 : memref<102400xf32, #tpu.memory_space<vmem_shared>>) offsets(%arg14 : memref<8192xi32, #tpu.memory_space<vmem>>) semaphore(%arg31 : memref<!tpu.dma_semaphore, #tpu.memory_space<semaphore_mem>>) {add = true}
        %dma_start3A_87 = arith.constant 0 : i32
        %dma_start3A_88 = tpu.memref_slice %arg28[%dma_start3A_87] : memref<102400xf32, #tpu.memory_space<vmem_shared>> -> memref<102400xf32, #tpu.memory_space<vmem_shared>>
        tpu.enqueue_indirect_dma source(%arg19 : memref<8192xf32, #tpu.memory_space<vmem>>) target(%dma_start3A_88 : memref<102400xf32, #tpu.memory_space<vmem_shared>>) offsets(%arg14 : memref<8192xi32, #tpu.memory_space<vmem>>) semaphore(%arg31 : memref<!tpu.dma_semaphore, #tpu.memory_space<semaphore_mem>>) {add = true}
        %dma_wait3A_89 = arith.constant 0 : i32
        %dma_wait3A_90 = tpu.memref_slice %arg26[%dma_wait3A_89] : memref<102400xf32, #tpu.memory_space<vmem_shared>> -> memref<102400xf32, #tpu.memory_space<vmem_shared>>
        tpu.wait_indirect_dma semaphore(%arg31 : memref<!tpu.dma_semaphore, #tpu.memory_space<semaphore_mem>>) src(%arg17 : memref<8192xf32, #tpu.memory_space<vmem>>) dst(%dma_wait3A_90 : memref<102400xf32, #tpu.memory_space<vmem_shared>>)
        %dma_wait3A_91 = arith.constant 0 : i32
        %dma_wait3A_92 = tpu.memref_slice %arg27[%dma_wait3A_91] : memref<102400xf32, #tpu.memory_space<vmem_shared>> -> memref<102400xf32, #tpu.memory_space<vmem_shared>>
        tpu.wait_indirect_dma semaphore(%arg31 : memref<!tpu.dma_semaphore, #tpu.memory_space<semaphore_mem>>) src(%arg18 : memref<8192xf32, #tpu.memory_space<vmem>>) dst(%dma_wait3A_92 : memref<102400xf32, #tpu.memory_space<vmem_shared>>)
        %dma_wait3A_93 = arith.constant 0 : i32
        %dma_wait3A_94 = tpu.memref_slice %arg28[%dma_wait3A_93] : memref<102400xf32, #tpu.memory_space<vmem_shared>> -> memref<102400xf32, #tpu.memory_space<vmem_shared>>
        tpu.wait_indirect_dma semaphore(%arg31 : memref<!tpu.dma_semaphore, #tpu.memory_space<semaphore_mem>>) src(%arg19 : memref<8192xf32, #tpu.memory_space<vmem>>) dst(%dma_wait3A_94 : memref<102400xf32, #tpu.memory_space<vmem_shared>>)
      } else {
      }
      %mul3A_51 = arith.constant 2 : i32
      %mul3A_52 = arith.muli %mul3A_51, %scan3A_23 : i32
      %add3A_53 = arith.constant 2 : i32
      %add3A_54 = arith.addi %mul3A_52, %add3A_53 : i32
      %sub3A_55 = arith.constant 1 : i32
      %sub3A_56 = arith.subi %add3A_54, %sub3A_55 : i32
      %add3A_57 = arith.constant 1 : i32
      %add3A_58 = arith.addi %sub3A_56, %add3A_57 : i32
      %mul3A_59 = arith.constant 32 : i32
      %mul3A_60 = arith.muli %mul3A_59, %add3A_58 : i32
      %add3A_61 = arith.addi %add3A, %mul3A_60 : i32
      %mul3A_62 = arith.constant 2 : i32
      %mul3A_63 = arith.muli %mul3A_62, %scan3A_23 : i32
      %add3A_64 = arith.constant 1 : i32
      %add3A_65 = arith.addi %mul3A_63, %add3A_64 : i32
      %mul3A_66 = arith.constant 32 : i32
      %mul3A_67 = arith.muli %mul3A_66, %add3A_65 : i32
      %add3A_68 = arith.addi %add3A, %mul3A_67 : i32
      %lt3A_69 = arith.constant 781 : i32
      %lt3A_70 = arith.cmpi slt, %add3A_61, %lt3A_69 : i32
      %convert_element_type3A_71 = arith.extui %lt3A_70 : i1 to i32
      %cond3A_72 = arith.constant 0 : i32
      %cond3A_73 = arith.cmpi ne, %convert_element_type3A_71, %cond3A_72 : i32
      scf.if %cond3A_73 {
        %mul3A_79 = arith.constant 8192 : i32
        %mul3A_80 = arith.muli %add3A_61, %mul3A_79 : i32
        %multiple_of3A_81 = tpu.assume_multiple %mul3A_80, 8 : i32
        "tpu.region"() ({
          %run_scoped3A = tpu.sem_alloc : memref<!tpu.dma_semaphore, #tpu.memory_space<semaphore_mem>>
          %dma_start3A_87 = tpu.memref_slice %arg2[%multiple_of3A_81] : memref<6400000xi32, #tpu.memory_space<hbm>> -> memref<8192xi32, #tpu.memory_space<hbm>>
          %dma_start3A_88 = tpu.memref_slice %arg2[%multiple_of3A_81] : memref<6400000xi32, #tpu.memory_space<hbm>> -> memref<8192xi32, #tpu.memory_space<hbm>>
          tpu.enqueue_dma source(%dma_start3A_88 : memref<8192xi32, #tpu.memory_space<hbm>>) target(%arg12 : memref<8192xi32, #tpu.memory_space<vmem>>) target_semaphore(%run_scoped3A : memref<!tpu.dma_semaphore, #tpu.memory_space<semaphore_mem>>)
          %dma_wait3A = tpu.memref_slice %arg2[%multiple_of3A_81] : memref<6400000xi32, #tpu.memory_space<hbm>> -> memref<8192xi32, #tpu.memory_space<hbm>>
          %dma_wait3A_89 = tpu.memref_slice %arg2[%multiple_of3A_81] : memref<6400000xi32, #tpu.memory_space<hbm>> -> memref<8192xi32, #tpu.memory_space<hbm>>
          tpu.wait_dma2 semaphore(%run_scoped3A : memref<!tpu.dma_semaphore, #tpu.memory_space<semaphore_mem>>) src(%dma_wait3A_89 : memref<8192xi32, #tpu.memory_space<hbm>>) dst(%arg12 : memref<8192xi32, #tpu.memory_space<vmem>>)
          tpu.yield
        }) : () -> ()
        "tpu.region"() ({
          %run_scoped3A = tpu.sem_alloc : memref<!tpu.dma_semaphore, #tpu.memory_space<semaphore_mem>>
          %dma_start3A_87 = tpu.memref_slice %arg3[%multiple_of3A_81] : memref<6400000xi32, #tpu.memory_space<hbm>> -> memref<8192xi32, #tpu.memory_space<hbm>>
          %dma_start3A_88 = tpu.memref_slice %arg3[%multiple_of3A_81] : memref<6400000xi32, #tpu.memory_space<hbm>> -> memref<8192xi32, #tpu.memory_space<hbm>>
          tpu.enqueue_dma source(%dma_start3A_88 : memref<8192xi32, #tpu.memory_space<hbm>>) target(%arg14 : memref<8192xi32, #tpu.memory_space<vmem>>) target_semaphore(%run_scoped3A : memref<!tpu.dma_semaphore, #tpu.memory_space<semaphore_mem>>)
          %dma_wait3A = tpu.memref_slice %arg3[%multiple_of3A_81] : memref<6400000xi32, #tpu.memory_space<hbm>> -> memref<8192xi32, #tpu.memory_space<hbm>>
          %dma_wait3A_89 = tpu.memref_slice %arg3[%multiple_of3A_81] : memref<6400000xi32, #tpu.memory_space<hbm>> -> memref<8192xi32, #tpu.memory_space<hbm>>
          tpu.wait_dma2 semaphore(%run_scoped3A : memref<!tpu.dma_semaphore, #tpu.memory_space<semaphore_mem>>) src(%dma_wait3A_89 : memref<8192xi32, #tpu.memory_space<hbm>>) dst(%arg14 : memref<8192xi32, #tpu.memory_space<vmem>>)
          tpu.yield
        }) : () -> ()
        %dma_start3A = arith.constant 0 : i32
        %dma_start3A_82 = tpu.memref_slice %arg23[%dma_start3A] : memref<102400xf32, #tpu.memory_space<vmem_shared>> -> memref<102400xf32, #tpu.memory_space<vmem_shared>>
        tpu.enqueue_indirect_dma source(%dma_start3A_82 : memref<102400xf32, #tpu.memory_space<vmem_shared>>) target(%arg17 : memref<8192xf32, #tpu.memory_space<vmem>>) offsets(%arg12 : memref<8192xi32, #tpu.memory_space<vmem>>) semaphore(%arg29 : memref<!tpu.dma_semaphore, #tpu.memory_space<semaphore_mem>>)
        %dma_start3A_83 = arith.constant 0 : i32
        %dma_start3A_84 = tpu.memref_slice %arg24[%dma_start3A_83] : memref<102400xf32, #tpu.memory_space<vmem_shared>> -> memref<102400xf32, #tpu.memory_space<vmem_shared>>
        tpu.enqueue_indirect_dma source(%dma_start3A_84 : memref<102400xf32, #tpu.memory_space<vmem_shared>>) target(%arg18 : memref<8192xf32, #tpu.memory_space<vmem>>) offsets(%arg12 : memref<8192xi32, #tpu.memory_space<vmem>>) semaphore(%arg29 : memref<!tpu.dma_semaphore, #tpu.memory_space<semaphore_mem>>)
        %dma_start3A_85 = arith.constant 0 : i32
        %dma_start3A_86 = tpu.memref_slice %arg25[%dma_start3A_85] : memref<102400xf32, #tpu.memory_space<vmem_shared>> -> memref<102400xf32, #tpu.memory_space<vmem_shared>>
        tpu.enqueue_indirect_dma source(%dma_start3A_86 : memref<102400xf32, #tpu.memory_space<vmem_shared>>) target(%arg19 : memref<8192xf32, #tpu.memory_space<vmem>>) offsets(%arg12 : memref<8192xi32, #tpu.memory_space<vmem>>) semaphore(%arg29 : memref<!tpu.dma_semaphore, #tpu.memory_space<semaphore_mem>>)
      } else {
      }
      %lt3A_74 = arith.constant 781 : i32
      %lt3A_75 = arith.cmpi slt, %add3A_68, %lt3A_74 : i32
      %convert_element_type3A_76 = arith.extui %lt3A_75 : i1 to i32
      %cond3A_77 = arith.constant 0 : i32
      %cond3A_78 = arith.cmpi ne, %convert_element_type3A_76, %cond3A_77 : i32
      scf.if %cond3A_78 {
        %dma_wait3A = arith.constant 0 : i32
        %dma_wait3A_79 = tpu.memref_slice %arg23[%dma_wait3A] : memref<102400xf32, #tpu.memory_space<vmem_shared>> -> memref<102400xf32, #tpu.memory_space<vmem_shared>>
        tpu.wait_indirect_dma semaphore(%arg30 : memref<!tpu.dma_semaphore, #tpu.memory_space<semaphore_mem>>) src(%dma_wait3A_79 : memref<102400xf32, #tpu.memory_space<vmem_shared>>) dst(%arg20 : memref<8192xf32, #tpu.memory_space<vmem>>)
        %dma_wait3A_80 = arith.constant 0 : i32
        %dma_wait3A_81 = tpu.memref_slice %arg24[%dma_wait3A_80] : memref<102400xf32, #tpu.memory_space<vmem_shared>> -> memref<102400xf32, #tpu.memory_space<vmem_shared>>
        tpu.wait_indirect_dma semaphore(%arg30 : memref<!tpu.dma_semaphore, #tpu.memory_space<semaphore_mem>>) src(%dma_wait3A_81 : memref<102400xf32, #tpu.memory_space<vmem_shared>>) dst(%arg21 : memref<8192xf32, #tpu.memory_space<vmem>>)
        %dma_wait3A_82 = arith.constant 0 : i32
        %dma_wait3A_83 = tpu.memref_slice %arg25[%dma_wait3A_82] : memref<102400xf32, #tpu.memory_space<vmem_shared>> -> memref<102400xf32, #tpu.memory_space<vmem_shared>>
        tpu.wait_indirect_dma semaphore(%arg30 : memref<!tpu.dma_semaphore, #tpu.memory_space<semaphore_mem>>) src(%dma_wait3A_83 : memref<102400xf32, #tpu.memory_space<vmem_shared>>) dst(%arg22 : memref<8192xf32, #tpu.memory_space<vmem>>)
        %dma_start3A = arith.constant 0 : i32
        %dma_start3A_84 = tpu.memref_slice %arg26[%dma_start3A] : memref<102400xf32, #tpu.memory_space<vmem_shared>> -> memref<102400xf32, #tpu.memory_space<vmem_shared>>
        tpu.enqueue_indirect_dma source(%arg20 : memref<8192xf32, #tpu.memory_space<vmem>>) target(%dma_start3A_84 : memref<102400xf32, #tpu.memory_space<vmem_shared>>) offsets(%arg15 : memref<8192xi32, #tpu.memory_space<vmem>>) semaphore(%arg31 : memref<!tpu.dma_semaphore, #tpu.memory_space<semaphore_mem>>) {add = true}
        %dma_start3A_85 = arith.constant 0 : i32
        %dma_start3A_86 = tpu.memref_slice %arg27[%dma_start3A_85] : memref<102400xf32, #tpu.memory_space<vmem_shared>> -> memref<102400xf32, #tpu.memory_space<vmem_shared>>
        tpu.enqueue_indirect_dma source(%arg21 : memref<8192xf32, #tpu.memory_space<vmem>>) target(%dma_start3A_86 : memref<102400xf32, #tpu.memory_space<vmem_shared>>) offsets(%arg15 : memref<8192xi32, #tpu.memory_space<vmem>>) semaphore(%arg31 : memref<!tpu.dma_semaphore, #tpu.memory_space<semaphore_mem>>) {add = true}
        %dma_start3A_87 = arith.constant 0 : i32
        %dma_start3A_88 = tpu.memref_slice %arg28[%dma_start3A_87] : memref<102400xf32, #tpu.memory_space<vmem_shared>> -> memref<102400xf32, #tpu.memory_space<vmem_shared>>
        tpu.enqueue_indirect_dma source(%arg22 : memref<8192xf32, #tpu.memory_space<vmem>>) target(%dma_start3A_88 : memref<102400xf32, #tpu.memory_space<vmem_shared>>) offsets(%arg15 : memref<8192xi32, #tpu.memory_space<vmem>>) semaphore(%arg31 : memref<!tpu.dma_semaphore, #tpu.memory_space<semaphore_mem>>) {add = true}
        %dma_wait3A_89 = arith.constant 0 : i32
        %dma_wait3A_90 = tpu.memref_slice %arg26[%dma_wait3A_89] : memref<102400xf32, #tpu.memory_space<vmem_shared>> -> memref<102400xf32, #tpu.memory_space<vmem_shared>>
        tpu.wait_indirect_dma semaphore(%arg31 : memref<!tpu.dma_semaphore, #tpu.memory_space<semaphore_mem>>) src(%arg20 : memref<8192xf32, #tpu.memory_space<vmem>>) dst(%dma_wait3A_90 : memref<102400xf32, #tpu.memory_space<vmem_shared>>)
        %dma_wait3A_91 = arith.constant 0 : i32
        %dma_wait3A_92 = tpu.memref_slice %arg27[%dma_wait3A_91] : memref<102400xf32, #tpu.memory_space<vmem_shared>> -> memref<102400xf32, #tpu.memory_space<vmem_shared>>
        tpu.wait_indirect_dma semaphore(%arg31 : memref<!tpu.dma_semaphore, #tpu.memory_space<semaphore_mem>>) src(%arg21 : memref<8192xf32, #tpu.memory_space<vmem>>) dst(%dma_wait3A_92 : memref<102400xf32, #tpu.memory_space<vmem_shared>>)
        %dma_wait3A_93 = arith.constant 0 : i32
        %dma_wait3A_94 = tpu.memref_slice %arg28[%dma_wait3A_93] : memref<102400xf32, #tpu.memory_space<vmem_shared>> -> memref<102400xf32, #tpu.memory_space<vmem_shared>>
        tpu.wait_indirect_dma semaphore(%arg31 : memref<!tpu.dma_semaphore, #tpu.memory_space<semaphore_mem>>) src(%arg22 : memref<8192xf32, #tpu.memory_space<vmem>>) dst(%dma_wait3A_94 : memref<102400xf32, #tpu.memory_space<vmem_shared>>)
      } else {
      }
    }
    %scan3A_11 = arith.constant 13 : i32
    %eq3A = arith.constant 31 : i32
    %eq3A_12 = arith.cmpi eq, %add3A, %eq3A : i32
    %convert_element_type3A_13 = arith.extui %eq3A_12 : i1 to i32
    %cond3A_14 = arith.constant 0 : i32
    %cond3A_15 = arith.cmpi ne, %convert_element_type3A_13, %cond3A_14 : i32
    scf.if %cond3A_15 {
      "tpu.region"() ({
        %run_scoped3A = tpu.sem_alloc : memref<!tpu.dma_semaphore, #tpu.memory_space<semaphore_mem>>
        tpu.enqueue_dma source(%arg4 : memref<8192xi32, #tpu.memory_space<hbm>>) target(%arg12 : memref<8192xi32, #tpu.memory_space<vmem>>) target_semaphore(%run_scoped3A : memref<!tpu.dma_semaphore, #tpu.memory_space<semaphore_mem>>)
        tpu.wait_dma2 semaphore(%run_scoped3A : memref<!tpu.dma_semaphore, #tpu.memory_space<semaphore_mem>>) src(%arg4 : memref<8192xi32, #tpu.memory_space<hbm>>) dst(%arg12 : memref<8192xi32, #tpu.memory_space<vmem>>)
        tpu.yield
      }) : () -> ()
      "tpu.region"() ({
        %run_scoped3A = tpu.sem_alloc : memref<!tpu.dma_semaphore, #tpu.memory_space<semaphore_mem>>
        tpu.enqueue_dma source(%arg4 : memref<8192xi32, #tpu.memory_space<hbm>>) target(%arg14 : memref<8192xi32, #tpu.memory_space<vmem>>) target_semaphore(%run_scoped3A : memref<!tpu.dma_semaphore, #tpu.memory_space<semaphore_mem>>)
        tpu.wait_dma2 semaphore(%run_scoped3A : memref<!tpu.dma_semaphore, #tpu.memory_space<semaphore_mem>>) src(%arg4 : memref<8192xi32, #tpu.memory_space<hbm>>) dst(%arg14 : memref<8192xi32, #tpu.memory_space<vmem>>)
        tpu.yield
      }) : () -> ()
      %multiple_of3A_23 = arith.constant 6397952 : i32
      %multiple_of3A_24 = tpu.assume_multiple %multiple_of3A_23, 8 : i32
      "tpu.region"() ({
        %run_scoped3A = tpu.sem_alloc : memref<!tpu.dma_semaphore, #tpu.memory_space<semaphore_mem>>
        %dma_start3A_35 = arith.constant 0 : i32
        %dma_start3A_36 = tpu.memref_slice %arg12[%dma_start3A_35] : memref<8192xi32, #tpu.memory_space<vmem>> -> memref<2048xi32, #tpu.memory_space<vmem>>
        %dma_start3A_37 = tpu.memref_slice %arg2[%multiple_of3A_24] : memref<6400000xi32, #tpu.memory_space<hbm>> -> memref<2048xi32, #tpu.memory_space<hbm>>
        %dma_start3A_38 = arith.constant 0 : i32
        %dma_start3A_39 = tpu.memref_slice %arg12[%dma_start3A_38] : memref<8192xi32, #tpu.memory_space<vmem>> -> memref<2048xi32, #tpu.memory_space<vmem>>
        %dma_start3A_40 = tpu.memref_slice %arg2[%multiple_of3A_24] : memref<6400000xi32, #tpu.memory_space<hbm>> -> memref<2048xi32, #tpu.memory_space<hbm>>
        tpu.enqueue_dma source(%dma_start3A_40 : memref<2048xi32, #tpu.memory_space<hbm>>) target(%dma_start3A_39 : memref<2048xi32, #tpu.memory_space<vmem>>) target_semaphore(%run_scoped3A : memref<!tpu.dma_semaphore, #tpu.memory_space<semaphore_mem>>)
        %dma_wait3A_41 = arith.constant 0 : i32
        %dma_wait3A_42 = tpu.memref_slice %arg12[%dma_wait3A_41] : memref<8192xi32, #tpu.memory_space<vmem>> -> memref<2048xi32, #tpu.memory_space<vmem>>
        %dma_wait3A_43 = tpu.memref_slice %arg2[%multiple_of3A_24] : memref<6400000xi32, #tpu.memory_space<hbm>> -> memref<2048xi32, #tpu.memory_space<hbm>>
        %dma_wait3A_44 = arith.constant 0 : i32
        %dma_wait3A_45 = tpu.memref_slice %arg12[%dma_wait3A_44] : memref<8192xi32, #tpu.memory_space<vmem>> -> memref<2048xi32, #tpu.memory_space<vmem>>
        %dma_wait3A_46 = tpu.memref_slice %arg2[%multiple_of3A_24] : memref<6400000xi32, #tpu.memory_space<hbm>> -> memref<2048xi32, #tpu.memory_space<hbm>>
        tpu.wait_dma2 semaphore(%run_scoped3A : memref<!tpu.dma_semaphore, #tpu.memory_space<semaphore_mem>>) src(%dma_wait3A_46 : memref<2048xi32, #tpu.memory_space<hbm>>) dst(%dma_wait3A_45 : memref<2048xi32, #tpu.memory_space<vmem>>)
        tpu.yield
      }) : () -> ()
      "tpu.region"() ({
        %run_scoped3A = tpu.sem_alloc : memref<!tpu.dma_semaphore, #tpu.memory_space<semaphore_mem>>
        %dma_start3A_35 = arith.constant 0 : i32
        %dma_start3A_36 = tpu.memref_slice %arg14[%dma_start3A_35] : memref<8192xi32, #tpu.memory_space<vmem>> -> memref<2048xi32, #tpu.memory_space<vmem>>
        %dma_start3A_37 = tpu.memref_slice %arg3[%multiple_of3A_24] : memref<6400000xi32, #tpu.memory_space<hbm>> -> memref<2048xi32, #tpu.memory_space<hbm>>
        %dma_start3A_38 = arith.constant 0 : i32
        %dma_start3A_39 = tpu.memref_slice %arg14[%dma_start3A_38] : memref<8192xi32, #tpu.memory_space<vmem>> -> memref<2048xi32, #tpu.memory_space<vmem>>
        %dma_start3A_40 = tpu.memref_slice %arg3[%multiple_of3A_24] : memref<6400000xi32, #tpu.memory_space<hbm>> -> memref<2048xi32, #tpu.memory_space<hbm>>
        tpu.enqueue_dma source(%dma_start3A_40 : memref<2048xi32, #tpu.memory_space<hbm>>) target(%dma_start3A_39 : memref<2048xi32, #tpu.memory_space<vmem>>) target_semaphore(%run_scoped3A : memref<!tpu.dma_semaphore, #tpu.memory_space<semaphore_mem>>)
        %dma_wait3A_41 = arith.constant 0 : i32
        %dma_wait3A_42 = tpu.memref_slice %arg14[%dma_wait3A_41] : memref<8192xi32, #tpu.memory_space<vmem>> -> memref<2048xi32, #tpu.memory_space<vmem>>
        %dma_wait3A_43 = tpu.memref_slice %arg3[%multiple_of3A_24] : memref<6400000xi32, #tpu.memory_space<hbm>> -> memref<2048xi32, #tpu.memory_space<hbm>>
        %dma_wait3A_44 = arith.constant 0 : i32
        %dma_wait3A_45 = tpu.memref_slice %arg14[%dma_wait3A_44] : memref<8192xi32, #tpu.memory_space<vmem>> -> memref<2048xi32, #tpu.memory_space<vmem>>
        %dma_wait3A_46 = tpu.memref_slice %arg3[%multiple_of3A_24] : memref<6400000xi32, #tpu.memory_space<hbm>> -> memref<2048xi32, #tpu.memory_space<hbm>>
        tpu.wait_dma2 semaphore(%run_scoped3A : memref<!tpu.dma_semaphore, #tpu.memory_space<semaphore_mem>>) src(%dma_wait3A_46 : memref<2048xi32, #tpu.memory_space<hbm>>) dst(%dma_wait3A_45 : memref<2048xi32, #tpu.memory_space<vmem>>)
        tpu.yield
      }) : () -> ()
      %dma_start3A = arith.constant 0 : i32
      %dma_start3A_25 = tpu.memref_slice %arg23[%dma_start3A] : memref<102400xf32, #tpu.memory_space<vmem_shared>> -> memref<102400xf32, #tpu.memory_space<vmem_shared>>
      tpu.enqueue_indirect_dma source(%dma_start3A_25 : memref<102400xf32, #tpu.memory_space<vmem_shared>>) target(%arg17 : memref<8192xf32, #tpu.memory_space<vmem>>) offsets(%arg12 : memref<8192xi32, #tpu.memory_space<vmem>>) semaphore(%arg29 : memref<!tpu.dma_semaphore, #tpu.memory_space<semaphore_mem>>)
      %dma_wait3A = arith.constant 0 : i32
      %dma_wait3A_26 = tpu.memref_slice %arg23[%dma_wait3A] : memref<102400xf32, #tpu.memory_space<vmem_shared>> -> memref<102400xf32, #tpu.memory_space<vmem_shared>>
      tpu.wait_indirect_dma semaphore(%arg29 : memref<!tpu.dma_semaphore, #tpu.memory_space<semaphore_mem>>) src(%dma_wait3A_26 : memref<102400xf32, #tpu.memory_space<vmem_shared>>) dst(%arg17 : memref<8192xf32, #tpu.memory_space<vmem>>)
      %dma_start3A_27 = arith.constant 0 : i32
      %dma_start3A_28 = tpu.memref_slice %arg24[%dma_start3A_27] : memref<102400xf32, #tpu.memory_space<vmem_shared>> -> memref<102400xf32, #tpu.memory_space<vmem_shared>>
      tpu.enqueue_indirect_dma source(%dma_start3A_28 : memref<102400xf32, #tpu.memory_space<vmem_shared>>) target(%arg18 : memref<8192xf32, #tpu.memory_space<vmem>>) offsets(%arg12 : memref<8192xi32, #tpu.memory_space<vmem>>) semaphore(%arg29 : memref<!tpu.dma_semaphore, #tpu.memory_space<semaphore_mem>>)
      %dma_wait3A_29 = arith.constant 0 : i32
      %dma_wait3A_30 = tpu.memref_slice %arg24[%dma_wait3A_29] : memref<102400xf32, #tpu.memory_space<vmem_shared>> -> memref<102400xf32, #tpu.memory_space<vmem_shared>>
      tpu.wait_indirect_dma semaphore(%arg29 : memref<!tpu.dma_semaphore, #tpu.memory_space<semaphore_mem>>) src(%dma_wait3A_30 : memref<102400xf32, #tpu.memory_space<vmem_shared>>) dst(%arg18 : memref<8192xf32, #tpu.memory_space<vmem>>)
      %dma_start3A_31 = arith.constant 0 : i32
      %dma_start3A_32 = tpu.memref_slice %arg25[%dma_start3A_31] : memref<102400xf32, #tpu.memory_space<vmem_shared>> -> memref<102400xf32, #tpu.memory_space<vmem_shared>>
      tpu.enqueue_indirect_dma source(%dma_start3A_32 : memref<102400xf32, #tpu.memory_space<vmem_shared>>) target(%arg19 : memref<8192xf32, #tpu.memory_space<vmem>>) offsets(%arg12 : memref<8192xi32, #tpu.memory_space<vmem>>) semaphore(%arg29 : memref<!tpu.dma_semaphore, #tpu.memory_space<semaphore_mem>>)
      %dma_wait3A_33 = arith.constant 0 : i32
      %dma_wait3A_34 = tpu.memref_slice %arg25[%dma_wait3A_33] : memref<102400xf32, #tpu.memory_space<vmem_shared>> -> memref<102400xf32, #tpu.memory_space<vmem_shared>>
      tpu.wait_indirect_dma semaphore(%arg29 : memref<!tpu.dma_semaphore, #tpu.memory_space<semaphore_mem>>) src(%dma_wait3A_34 : memref<102400xf32, #tpu.memory_space<vmem_shared>>) dst(%arg19 : memref<8192xf32, #tpu.memory_space<vmem>>)
      "tpu.region"() ({
        %run_scoped3A = tpu.sem_alloc : memref<!tpu.dma_semaphore, #tpu.memory_space<semaphore_mem>>
        %dma_start3A_35 = arith.constant 0 : i32
        %dma_start3A_36 = tpu.memref_slice %arg26[%dma_start3A_35] : memref<102400xf32, #tpu.memory_space<vmem_shared>> -> memref<102400xf32, #tpu.memory_space<vmem_shared>>
        tpu.enqueue_indirect_dma source(%arg17 : memref<8192xf32, #tpu.memory_space<vmem>>) target(%dma_start3A_36 : memref<102400xf32, #tpu.memory_space<vmem_shared>>) offsets(%arg14 : memref<8192xi32, #tpu.memory_space<vmem>>) semaphore(%run_scoped3A : memref<!tpu.dma_semaphore, #tpu.memory_space<semaphore_mem>>) {add = true}
        %dma_wait3A_37 = arith.constant 0 : i32
        %dma_wait3A_38 = tpu.memref_slice %arg26[%dma_wait3A_37] : memref<102400xf32, #tpu.memory_space<vmem_shared>> -> memref<102400xf32, #tpu.memory_space<vmem_shared>>
        tpu.wait_indirect_dma semaphore(%run_scoped3A : memref<!tpu.dma_semaphore, #tpu.memory_space<semaphore_mem>>) src(%arg17 : memref<8192xf32, #tpu.memory_space<vmem>>) dst(%dma_wait3A_38 : memref<102400xf32, #tpu.memory_space<vmem_shared>>)
        tpu.yield
      }) : () -> ()
      "tpu.region"() ({
        %run_scoped3A = tpu.sem_alloc : memref<!tpu.dma_semaphore, #tpu.memory_space<semaphore_mem>>
        %dma_start3A_35 = arith.constant 0 : i32
        %dma_start3A_36 = tpu.memref_slice %arg27[%dma_start3A_35] : memref<102400xf32, #tpu.memory_space<vmem_shared>> -> memref<102400xf32, #tpu.memory_space<vmem_shared>>
        tpu.enqueue_indirect_dma source(%arg18 : memref<8192xf32, #tpu.memory_space<vmem>>) target(%dma_start3A_36 : memref<102400xf32, #tpu.memory_space<vmem_shared>>) offsets(%arg14 : memref<8192xi32, #tpu.memory_space<vmem>>) semaphore(%run_scoped3A : memref<!tpu.dma_semaphore, #tpu.memory_space<semaphore_mem>>) {add = true}
        %dma_wait3A_37 = arith.constant 0 : i32
        %dma_wait3A_38 = tpu.memref_slice %arg27[%dma_wait3A_37] : memref<102400xf32, #tpu.memory_space<vmem_shared>> -> memref<102400xf32, #tpu.memory_space<vmem_shared>>
        tpu.wait_indirect_dma semaphore(%run_scoped3A : memref<!tpu.dma_semaphore, #tpu.memory_space<semaphore_mem>>) src(%arg18 : memref<8192xf32, #tpu.memory_space<vmem>>) dst(%dma_wait3A_38 : memref<102400xf32, #tpu.memory_space<vmem_shared>>)
        tpu.yield
      }) : () -> ()
      "tpu.region"() ({
        %run_scoped3A = tpu.sem_alloc : memref<!tpu.dma_semaphore, #tpu.memory_space<semaphore_mem>>
        %dma_start3A_35 = arith.constant 0 : i32
        %dma_start3A_36 = tpu.memref_slice %arg28[%dma_start3A_35] : memref<102400xf32, #tpu.memory_space<vmem_shared>> -> memref<102400xf32, #tpu.memory_space<vmem_shared>>
        tpu.enqueue_indirect_dma source(%arg19 : memref<8192xf32, #tpu.memory_space<vmem>>) target(%dma_start3A_36 : memref<102400xf32, #tpu.memory_space<vmem_shared>>) offsets(%arg14 : memref<8192xi32, #tpu.memory_space<vmem>>) semaphore(%run_scoped3A : memref<!tpu.dma_semaphore, #tpu.memory_space<semaphore_mem>>) {add = true}
        %dma_wait3A_37 = arith.constant 0 : i32
        %dma_wait3A_38 = tpu.memref_slice %arg28[%dma_wait3A_37] : memref<102400xf32, #tpu.memory_space<vmem_shared>> -> memref<102400xf32, #tpu.memory_space<vmem_shared>>
        tpu.wait_indirect_dma semaphore(%run_scoped3A : memref<!tpu.dma_semaphore, #tpu.memory_space<semaphore_mem>>) src(%arg19 : memref<8192xf32, #tpu.memory_space<vmem>>) dst(%dma_wait3A_38 : memref<102400xf32, #tpu.memory_space<vmem_shared>>)
        tpu.yield
      }) : () -> ()
    } else {
    }
    %barrier3A_16 = arith.constant 0 : index
    tpu.barrier barrier_id(%barrier3A_16)
    %mul3A_17 = arith.constant 102400 : i32
    %mul3A_18 = arith.muli %arg0, %mul3A_17 : i32
    %mul3A_19 = arith.constant 6400 : i32
    %mul3A_20 = arith.muli %arg1, %mul3A_19 : i32
    %add3A_21 = arith.addi %mul3A_18, %mul3A_20 : i32
    %multiple_of3A_22 = tpu.assume_multiple %add3A_21, 8 : i32
    "tpu.region"() ({
      %run_scoped3A = tpu.sem_alloc : memref<!tpu.dma_semaphore, #tpu.memory_space<semaphore_mem>>
      %dma_start3A = tpu.memref_slice %arg26[%multiple_of3A] : memref<102400xf32, #tpu.memory_space<vmem_shared>> -> memref<6400xf32, #tpu.memory_space<vmem_shared>>
      %dma_start3A_23 = tpu.memref_slice %arg26[%multiple_of3A] : memref<102400xf32, #tpu.memory_space<vmem_shared>> -> memref<6400xf32, #tpu.memory_space<vmem_shared>>
      tpu.enqueue_dma source(%dma_start3A_23 : memref<6400xf32, #tpu.memory_space<vmem_shared>>) target(%arg16 : memref<6400xf32, #tpu.memory_space<vmem>>) target_semaphore(%run_scoped3A : memref<!tpu.dma_semaphore, #tpu.memory_space<semaphore_mem>>)
      %dma_wait3A = tpu.memref_slice %arg26[%multiple_of3A] : memref<102400xf32, #tpu.memory_space<vmem_shared>> -> memref<6400xf32, #tpu.memory_space<vmem_shared>>
      %dma_wait3A_24 = tpu.memref_slice %arg26[%multiple_of3A] : memref<102400xf32, #tpu.memory_space<vmem_shared>> -> memref<6400xf32, #tpu.memory_space<vmem_shared>>
      tpu.wait_dma2 semaphore(%run_scoped3A : memref<!tpu.dma_semaphore, #tpu.memory_space<semaphore_mem>>) src(%dma_wait3A_24 : memref<6400xf32, #tpu.memory_space<vmem_shared>>) dst(%arg16 : memref<6400xf32, #tpu.memory_space<vmem>>)
      tpu.yield
    }) : () -> ()
    "tpu.region"() ({
      %run_scoped3A = tpu.sem_alloc : memref<!tpu.dma_semaphore, #tpu.memory_space<semaphore_mem>>
      %dma_start3A = tpu.memref_slice %arg9[%multiple_of3A_22] : memref<204800xf32, #tpu.memory_space<hbm>> -> memref<6400xf32, #tpu.memory_space<hbm>>
      %dma_start3A_23 = tpu.memref_slice %arg9[%multiple_of3A_22] : memref<204800xf32, #tpu.memory_space<hbm>> -> memref<6400xf32, #tpu.memory_space<hbm>>
      tpu.enqueue_dma source(%arg16 : memref<6400xf32, #tpu.memory_space<vmem>>) target(%dma_start3A_23 : memref<6400xf32, #tpu.memory_space<hbm>>) target_semaphore(%run_scoped3A : memref<!tpu.dma_semaphore, #tpu.memory_space<semaphore_mem>>)
      %dma_wait3A = tpu.memref_slice %arg9[%multiple_of3A_22] : memref<204800xf32, #tpu.memory_space<hbm>> -> memref<6400xf32, #tpu.memory_space<hbm>>
      %dma_wait3A_24 = tpu.memref_slice %arg9[%multiple_of3A_22] : memref<204800xf32, #tpu.memory_space<hbm>> -> memref<6400xf32, #tpu.memory_space<hbm>>
      tpu.wait_dma2 semaphore(%run_scoped3A : memref<!tpu.dma_semaphore, #tpu.memory_space<semaphore_mem>>) src(%arg16 : memref<6400xf32, #tpu.memory_space<vmem>>) dst(%dma_wait3A_24 : memref<6400xf32, #tpu.memory_space<hbm>>)
      tpu.yield
    }) : () -> ()
    "tpu.region"() ({
      %run_scoped3A = tpu.sem_alloc : memref<!tpu.dma_semaphore, #tpu.memory_space<semaphore_mem>>
      %dma_start3A = tpu.memref_slice %arg27[%multiple_of3A] : memref<102400xf32, #tpu.memory_space<vmem_shared>> -> memref<6400xf32, #tpu.memory_space<vmem_shared>>
      %dma_start3A_23 = tpu.memref_slice %arg27[%multiple_of3A] : memref<102400xf32, #tpu.memory_space<vmem_shared>> -> memref<6400xf32, #tpu.memory_space<vmem_shared>>
      tpu.enqueue_dma source(%dma_start3A_23 : memref<6400xf32, #tpu.memory_space<vmem_shared>>) target(%arg16 : memref<6400xf32, #tpu.memory_space<vmem>>) target_semaphore(%run_scoped3A : memref<!tpu.dma_semaphore, #tpu.memory_space<semaphore_mem>>)
      %dma_wait3A = tpu.memref_slice %arg27[%multiple_of3A] : memref<102400xf32, #tpu.memory_space<vmem_shared>> -> memref<6400xf32, #tpu.memory_space<vmem_shared>>
      %dma_wait3A_24 = tpu.memref_slice %arg27[%multiple_of3A] : memref<102400xf32, #tpu.memory_space<vmem_shared>> -> memref<6400xf32, #tpu.memory_space<vmem_shared>>
      tpu.wait_dma2 semaphore(%run_scoped3A : memref<!tpu.dma_semaphore, #tpu.memory_space<semaphore_mem>>) src(%dma_wait3A_24 : memref<6400xf32, #tpu.memory_space<vmem_shared>>) dst(%arg16 : memref<6400xf32, #tpu.memory_space<vmem>>)
      tpu.yield
    }) : () -> ()
    "tpu.region"() ({
      %run_scoped3A = tpu.sem_alloc : memref<!tpu.dma_semaphore, #tpu.memory_space<semaphore_mem>>
      %dma_start3A = tpu.memref_slice %arg10[%multiple_of3A_22] : memref<204800xf32, #tpu.memory_space<hbm>> -> memref<6400xf32, #tpu.memory_space<hbm>>
      %dma_start3A_23 = tpu.memref_slice %arg10[%multiple_of3A_22] : memref<204800xf32, #tpu.memory_space<hbm>> -> memref<6400xf32, #tpu.memory_space<hbm>>
      tpu.enqueue_dma source(%arg16 : memref<6400xf32, #tpu.memory_space<vmem>>) target(%dma_start3A_23 : memref<6400xf32, #tpu.memory_space<hbm>>) target_semaphore(%run_scoped3A : memref<!tpu.dma_semaphore, #tpu.memory_space<semaphore_mem>>)
      %dma_wait3A = tpu.memref_slice %arg10[%multiple_of3A_22] : memref<204800xf32, #tpu.memory_space<hbm>> -> memref<6400xf32, #tpu.memory_space<hbm>>
      %dma_wait3A_24 = tpu.memref_slice %arg10[%multiple_of3A_22] : memref<204800xf32, #tpu.memory_space<hbm>> -> memref<6400xf32, #tpu.memory_space<hbm>>
      tpu.wait_dma2 semaphore(%run_scoped3A : memref<!tpu.dma_semaphore, #tpu.memory_space<semaphore_mem>>) src(%arg16 : memref<6400xf32, #tpu.memory_space<vmem>>) dst(%dma_wait3A_24 : memref<6400xf32, #tpu.memory_space<hbm>>)
      tpu.yield
    }) : () -> ()
    "tpu.region"() ({
      %run_scoped3A = tpu.sem_alloc : memref<!tpu.dma_semaphore, #tpu.memory_space<semaphore_mem>>
      %dma_start3A = tpu.memref_slice %arg28[%multiple_of3A] : memref<102400xf32, #tpu.memory_space<vmem_shared>> -> memref<6400xf32, #tpu.memory_space<vmem_shared>>
      %dma_start3A_23 = tpu.memref_slice %arg28[%multiple_of3A] : memref<102400xf32, #tpu.memory_space<vmem_shared>> -> memref<6400xf32, #tpu.memory_space<vmem_shared>>
      tpu.enqueue_dma source(%dma_start3A_23 : memref<6400xf32, #tpu.memory_space<vmem_shared>>) target(%arg16 : memref<6400xf32, #tpu.memory_space<vmem>>) target_semaphore(%run_scoped3A : memref<!tpu.dma_semaphore, #tpu.memory_space<semaphore_mem>>)
      %dma_wait3A = tpu.memref_slice %arg28[%multiple_of3A] : memref<102400xf32, #tpu.memory_space<vmem_shared>> -> memref<6400xf32, #tpu.memory_space<vmem_shared>>
      %dma_wait3A_24 = tpu.memref_slice %arg28[%multiple_of3A] : memref<102400xf32, #tpu.memory_space<vmem_shared>> -> memref<6400xf32, #tpu.memory_space<vmem_shared>>
      tpu.wait_dma2 semaphore(%run_scoped3A : memref<!tpu.dma_semaphore, #tpu.memory_space<semaphore_mem>>) src(%dma_wait3A_24 : memref<6400xf32, #tpu.memory_space<vmem_shared>>) dst(%arg16 : memref<6400xf32, #tpu.memory_space<vmem>>)
      tpu.yield
    }) : () -> ()
    "tpu.region"() ({
      %run_scoped3A = tpu.sem_alloc : memref<!tpu.dma_semaphore, #tpu.memory_space<semaphore_mem>>
      %dma_start3A = tpu.memref_slice %arg11[%multiple_of3A_22] : memref<204800xf32, #tpu.memory_space<hbm>> -> memref<6400xf32, #tpu.memory_space<hbm>>
      %dma_start3A_23 = tpu.memref_slice %arg11[%multiple_of3A_22] : memref<204800xf32, #tpu.memory_space<hbm>> -> memref<6400xf32, #tpu.memory_space<hbm>>
      tpu.enqueue_dma source(%arg16 : memref<6400xf32, #tpu.memory_space<vmem>>) target(%dma_start3A_23 : memref<6400xf32, #tpu.memory_space<hbm>>) target_semaphore(%run_scoped3A : memref<!tpu.dma_semaphore, #tpu.memory_space<semaphore_mem>>)
      %dma_wait3A = tpu.memref_slice %arg11[%multiple_of3A_22] : memref<204800xf32, #tpu.memory_space<hbm>> -> memref<6400xf32, #tpu.memory_space<hbm>>
      %dma_wait3A_24 = tpu.memref_slice %arg11[%multiple_of3A_22] : memref<204800xf32, #tpu.memory_space<hbm>> -> memref<6400xf32, #tpu.memory_space<hbm>>
      tpu.wait_dma2 semaphore(%run_scoped3A : memref<!tpu.dma_semaphore, #tpu.memory_space<semaphore_mem>>) src(%arg16 : memref<6400xf32, #tpu.memory_space<vmem>>) dst(%dma_wait3A_24 : memref<6400xf32, #tpu.memory_space<hbm>>)
      tpu.yield
    }) : () -> ()
    return
  }
}

module attributes {stable_mosaic.version = 14 : i64} {
  func.func @_tc_a(%arg0: memref<2x800x128xf32, #tpu.memory_space<vmem>>, %arg1: memref<3x800x128xf32, #tpu.memory_space<vmem>>, %arg2: memref<800x128xf32, #tpu.memory_space<vmem>>, %arg3: memref<800x128xf32, #tpu.memory_space<vmem>>, %arg4: memref<800x128xf32, #tpu.memory_space<vmem>>, %arg5: memref<800x128xf32, #tpu.memory_space<vmem>>) attributes {dimension_semantics = [], scalar_prefetch = 0 : i64, scratch_operands = 0 : i64, tpu.core_type = #tpu.core_type<tc>} {
    %get3A = arith.constant 0 : index
    %get3A_0 = arith.constant 0 : index
    %get3A_1 = arith.constant 0 : index
    %get3A_2 = vector.load %arg0[%get3A, %get3A_0, %get3A_1] : memref<2x800x128xf32, #tpu.memory_space<vmem>>, vector<1x800x128xf32>
    %get3A_3 = vector.shape_cast %get3A_2 : vector<1x800x128xf32> to vector<800x128xf32>
    %get3A_4 = arith.constant 1 : index
    %get3A_5 = arith.constant 0 : index
    %get3A_6 = arith.constant 0 : index
    %get3A_7 = vector.load %arg0[%get3A_4, %get3A_5, %get3A_6] : memref<2x800x128xf32, #tpu.memory_space<vmem>>, vector<1x800x128xf32>
    %get3A_8 = vector.shape_cast %get3A_7 : vector<1x800x128xf32> to vector<800x128xf32>
    %add3A = arith.addf %get3A_3, %get3A_8 : vector<800x128xf32>
    %add3A_9 = arith.constant 1.000000e+00 : f32
    %add3A_10 = vector.broadcast %add3A_9 : f32 to vector<800x128xf32>
    %add3A_11 = arith.addf %add3A, %add3A_10 : vector<800x128xf32>
    %rsqrt3A = math.rsqrt %add3A_11 : vector<800x128xf32>
    %swap3A = arith.constant 0 : index
    %swap3A_12 = arith.constant 0 : index
    %swap3A_13 = vector.load %arg2[%swap3A, %swap3A_12] : memref<800x128xf32, #tpu.memory_space<vmem>>, vector<800x128xf32>
    tpu.vector_store %arg2[%swap3A, %swap3A_12], %rsqrt3A {strides = array<i32>} : memref<800x128xf32, #tpu.memory_space<vmem>>, vector<800x128xf32>,
    %get3A_14 = arith.constant 0 : index
    %get3A_15 = arith.constant 0 : index
    %get3A_16 = arith.constant 0 : index
    %get3A_17 = vector.load %arg1[%get3A_14, %get3A_15, %get3A_16] : memref<3x800x128xf32, #tpu.memory_space<vmem>>, vector<1x800x128xf32>
    %get3A_18 = vector.shape_cast %get3A_17 : vector<1x800x128xf32> to vector<800x128xf32>
    %mul3A = arith.mulf %get3A_18, %rsqrt3A : vector<800x128xf32>
    %swap3A_19 = arith.constant 0 : index
    %swap3A_20 = arith.constant 0 : index
    %swap3A_21 = vector.load %arg3[%swap3A_19, %swap3A_20] : memref<800x128xf32, #tpu.memory_space<vmem>>, vector<800x128xf32>
    tpu.vector_store %arg3[%swap3A_19, %swap3A_20], %mul3A {strides = array<i32>} : memref<800x128xf32, #tpu.memory_space<vmem>>, vector<800x128xf32>,
    %get3A_22 = arith.constant 1 : index
    %get3A_23 = arith.constant 0 : index
    %get3A_24 = arith.constant 0 : index
    %get3A_25 = vector.load %arg1[%get3A_22, %get3A_23, %get3A_24] : memref<3x800x128xf32, #tpu.memory_space<vmem>>, vector<1x800x128xf32>
    %get3A_26 = vector.shape_cast %get3A_25 : vector<1x800x128xf32> to vector<800x128xf32>
    %mul3A_27 = arith.mulf %get3A_26, %rsqrt3A : vector<800x128xf32>
    %swap3A_28 = arith.constant 0 : index
    %swap3A_29 = arith.constant 0 : index
    %swap3A_30 = vector.load %arg4[%swap3A_28, %swap3A_29] : memref<800x128xf32, #tpu.memory_space<vmem>>, vector<800x128xf32>
    tpu.vector_store %arg4[%swap3A_28, %swap3A_29], %mul3A_27 {strides = array<i32>} : memref<800x128xf32, #tpu.memory_space<vmem>>, vector<800x128xf32>,
    %get3A_31 = arith.constant 2 : index
    %get3A_32 = arith.constant 0 : index
    %get3A_33 = arith.constant 0 : index
    %get3A_34 = vector.load %arg1[%get3A_31, %get3A_32, %get3A_33] : memref<3x800x128xf32, #tpu.memory_space<vmem>>, vector<1x800x128xf32>
    %get3A_35 = vector.shape_cast %get3A_34 : vector<1x800x128xf32> to vector<800x128xf32>
    %mul3A_36 = arith.mulf %get3A_35, %rsqrt3A : vector<800x128xf32>
    %swap3A_37 = arith.constant 0 : index
    %swap3A_38 = arith.constant 0 : index
    %swap3A_39 = vector.load %arg5[%swap3A_37, %swap3A_38] : memref<800x128xf32, #tpu.memory_space<vmem>>, vector<800x128xf32>
    tpu.vector_store %arg5[%swap3A_37, %swap3A_38], %mul3A_36 {strides = array<i32>} : memref<800x128xf32, #tpu.memory_space<vmem>>, vector<800x128xf32>,
    return
  }
}

module attributes {stable_mosaic.version = 14 : i64} {
  func.func @_tc_b(%arg0: memref<2x800x128xf32, #tpu.memory_space<vmem>>, %arg1: memref<2x800x128xf32, #tpu.memory_space<vmem>>, %arg2: memref<2x800x128xf32, #tpu.memory_space<vmem>>, %arg3: memref<3x800x128xf32, #tpu.memory_space<vmem>>, %arg4: memref<800x128xf32, #tpu.memory_space<vmem>>, %arg5: memref<3x16xf32, #tpu.memory_space<vmem>>, %arg6: memref<16xf32, #tpu.memory_space<vmem>>, %arg7: memref<16x1xf32, #tpu.memory_space<vmem>>, %arg8: memref<800x128xf32, #tpu.memory_space<vmem>>, %arg9: memref<800x128xf32, #tpu.memory_space<vmem>>) attributes {dimension_semantics = [], scalar_prefetch = 0 : i64, scratch_operands = 0 : i64, tpu.core_type = #tpu.core_type<tc>} {
    %get3A = arith.constant 0 : index
    %get3A_0 = arith.constant 0 : index
    %get3A_1 = vector.load %arg4[%get3A, %get3A_0] : memref<800x128xf32, #tpu.memory_space<vmem>>, vector<800x128xf32>
    %get3A_2 = arith.constant 0 : index
    %get3A_3 = arith.constant 0 : index
    %get3A_4 = vector.load %arg5[%get3A_2, %get3A_3] : memref<3x16xf32, #tpu.memory_space<vmem>>, vector<3x16xf32>
    %get3A_5 = arith.constant 0 : index
    %get3A_6 = vector.load %arg6[%get3A_5] : memref<16xf32, #tpu.memory_space<vmem>>, vector<16xf32>
    %get3A_7 = arith.constant 0 : index
    %get3A_8 = arith.constant 0 : index
    %get3A_9 = vector.load %arg7[%get3A_7, %get3A_8] : memref<16x1xf32, #tpu.memory_space<vmem>>, vector<16x1xf32>
    %get3A_10 = arith.constant 0 : index
    %get3A_11 = arith.constant 0 : index
    %get3A_12 = arith.constant 0 : index
    %get3A_13 = vector.load %arg0[%get3A_10, %get3A_11, %get3A_12] : memref<2x800x128xf32, #tpu.memory_space<vmem>>, vector<1x800x128xf32>
    %get3A_14 = vector.shape_cast %get3A_13 : vector<1x800x128xf32> to vector<800x128xf32>
    %get3A_15 = arith.constant 1 : index
    %get3A_16 = arith.constant 0 : index
    %get3A_17 = arith.constant 0 : index
    %get3A_18 = vector.load %arg0[%get3A_15, %get3A_16, %get3A_17] : memref<2x800x128xf32, #tpu.memory_space<vmem>>, vector<1x800x128xf32>
    %get3A_19 = vector.shape_cast %get3A_18 : vector<1x800x128xf32> to vector<800x128xf32>
    %add3A = arith.addf %get3A_14, %get3A_19 : vector<800x128xf32>
    %get3A_20 = arith.constant 0 : index
    %get3A_21 = arith.constant 0 : index
    %get3A_22 = arith.constant 0 : index
    %get3A_23 = vector.load %arg3[%get3A_20, %get3A_21, %get3A_22] : memref<3x800x128xf32, #tpu.memory_space<vmem>>, vector<1x800x128xf32>
    %get3A_24 = vector.shape_cast %get3A_23 : vector<1x800x128xf32> to vector<800x128xf32>
    %mul3A = arith.mulf %get3A_1, %get3A_24 : vector<800x128xf32>
    %add3A_25 = arith.addf %add3A, %mul3A : vector<800x128xf32>
    %mul3A_26 = arith.mulf %get3A_1, %add3A_25 : vector<800x128xf32>
    %get3A_27 = arith.constant 0 : index
    %get3A_28 = arith.constant 0 : index
    %get3A_29 = arith.constant 0 : index
    %get3A_30 = vector.load %arg1[%get3A_27, %get3A_28, %get3A_29] : memref<2x800x128xf32, #tpu.memory_space<vmem>>, vector<1x800x128xf32>
    %get3A_31 = vector.shape_cast %get3A_30 : vector<1x800x128xf32> to vector<800x128xf32>
    %get3A_32 = arith.constant 1 : index
    %get3A_33 = arith.constant 0 : index
    %get3A_34 = arith.constant 0 : index
    %get3A_35 = vector.load %arg1[%get3A_32, %get3A_33, %get3A_34] : memref<2x800x128xf32, #tpu.memory_space<vmem>>, vector<1x800x128xf32>
    %get3A_36 = vector.shape_cast %get3A_35 : vector<1x800x128xf32> to vector<800x128xf32>
    %add3A_37 = arith.addf %get3A_31, %get3A_36 : vector<800x128xf32>
    %get3A_38 = arith.constant 1 : index
    %get3A_39 = arith.constant 0 : index
    %get3A_40 = arith.constant 0 : index
    %get3A_41 = vector.load %arg3[%get3A_38, %get3A_39, %get3A_40] : memref<3x800x128xf32, #tpu.memory_space<vmem>>, vector<1x800x128xf32>
    %get3A_42 = vector.shape_cast %get3A_41 : vector<1x800x128xf32> to vector<800x128xf32>
    %mul3A_43 = arith.mulf %get3A_1, %get3A_42 : vector<800x128xf32>
    %add3A_44 = arith.addf %add3A_37, %mul3A_43 : vector<800x128xf32>
    %mul3A_45 = arith.mulf %get3A_1, %add3A_44 : vector<800x128xf32>
    %get3A_46 = arith.constant 0 : index
    %get3A_47 = arith.constant 0 : index
    %get3A_48 = arith.constant 0 : index
    %get3A_49 = vector.load %arg2[%get3A_46, %get3A_47, %get3A_48] : memref<2x800x128xf32, #tpu.memory_space<vmem>>, vector<1x800x128xf32>
    %get3A_50 = vector.shape_cast %get3A_49 : vector<1x800x128xf32> to vector<800x128xf32>
    %get3A_51 = arith.constant 1 : index
    %get3A_52 = arith.constant 0 : index
    %get3A_53 = arith.constant 0 : index
    %get3A_54 = vector.load %arg2[%get3A_51, %get3A_52, %get3A_53] : memref<2x800x128xf32, #tpu.memory_space<vmem>>, vector<1x800x128xf32>
    %get3A_55 = vector.shape_cast %get3A_54 : vector<1x800x128xf32> to vector<800x128xf32>
    %add3A_56 = arith.addf %get3A_50, %get3A_55 : vector<800x128xf32>
    %get3A_57 = arith.constant 2 : index
    %get3A_58 = arith.constant 0 : index
    %get3A_59 = arith.constant 0 : index
    %get3A_60 = vector.load %arg3[%get3A_57, %get3A_58, %get3A_59] : memref<3x800x128xf32, #tpu.memory_space<vmem>>, vector<1x800x128xf32>
    %get3A_61 = vector.shape_cast %get3A_60 : vector<1x800x128xf32> to vector<800x128xf32>
    %mul3A_62 = arith.mulf %get3A_1, %get3A_61 : vector<800x128xf32>
    %add3A_63 = arith.addf %add3A_56, %mul3A_62 : vector<800x128xf32>
    %mul3A_64 = arith.mulf %get3A_1, %add3A_63 : vector<800x128xf32>
    %broadcast_in_dim3A = arith.constant 0.000000e+00 : f32
    %broadcast_in_dim3A_65 = vector.broadcast %broadcast_in_dim3A : f32 to vector<800x128xf32>
    %slice3A = vector.extract_strided_slice %get3A_4 {offsets = [0, 0], sizes = [1, 1], strides = [1, 1]} : vector<3x16xf32> to vector<1x1xf32>
    %squeeze3A = vector.extract %slice3A[0, 0] : f32 from vector<1x1xf32>
    %mul3A_66 = vector.broadcast %squeeze3A : f32 to vector<800x128xf32>
    %mul3A_67 = arith.mulf %mul3A_26, %mul3A_66 : vector<800x128xf32>
    %slice3A_68 = vector.extract_strided_slice %get3A_4 {offsets = [1, 0], sizes = [1, 1], strides = [1, 1]} : vector<3x16xf32> to vector<1x1xf32>
    %squeeze3A_69 = vector.extract %slice3A_68[0, 0] : f32 from vector<1x1xf32>
    %mul3A_70 = vector.broadcast %squeeze3A_69 : f32 to vector<800x128xf32>
    %mul3A_71 = arith.mulf %mul3A_45, %mul3A_70 : vector<800x128xf32>
    %add3A_72 = arith.addf %mul3A_67, %mul3A_71 : vector<800x128xf32>
    %slice3A_73 = vector.extract_strided_slice %get3A_4 {offsets = [2, 0], sizes = [1, 1], strides = [1, 1]} : vector<3x16xf32> to vector<1x1xf32>
    %squeeze3A_74 = vector.extract %slice3A_73[0, 0] : f32 from vector<1x1xf32>
    %mul3A_75 = vector.broadcast %squeeze3A_74 : f32 to vector<800x128xf32>
    %mul3A_76 = arith.mulf %mul3A_64, %mul3A_75 : vector<800x128xf32>
    %add3A_77 = arith.addf %add3A_72, %mul3A_76 : vector<800x128xf32>
    %slice3A_78 = vector.extract_strided_slice %get3A_6 {offsets = [0], sizes = [1], strides = [1]} : vector<16xf32> to vector<1xf32>
    %squeeze3A_79 = vector.extract %slice3A_78[0] : f32 from vector<1xf32>
    %add3A_80 = vector.broadcast %squeeze3A_79 : f32 to vector<800x128xf32>
    %add3A_81 = arith.addf %add3A_77, %add3A_80 : vector<800x128xf32>
    %gt3A = arith.constant 0.000000e+00 : f32
    %gt3A_82 = vector.broadcast %gt3A : f32 to vector<800x128xf32>
    %gt3A_83 = arith.cmpf ogt, %add3A_81, %gt3A_82 : vector<800x128xf32>
    %exp3A = math.exp %add3A_81 : vector<800x128xf32>
    %sub3A = arith.constant 1.000000e+00 : f32
    %sub3A_84 = vector.broadcast %sub3A : f32 to vector<800x128xf32>
    %sub3A_85 = arith.subf %exp3A, %sub3A_84 : vector<800x128xf32>
    %select_n3A = arith.select %gt3A_83, %add3A_81, %sub3A_85 : vector<800x128xi1>, vector<800x128xf32>
    %slice3A_86 = vector.extract_strided_slice %get3A_9 {offsets = [0, 0], sizes = [1, 1], strides = [1, 1]} : vector<16x1xf32> to vector<1x1xf32>
    %squeeze3A_87 = vector.extract %slice3A_86[0, 0] : f32 from vector<1x1xf32>
    %mul3A_88 = vector.broadcast %squeeze3A_87 : f32 to vector<800x128xf32>
    %mul3A_89 = arith.mulf %select_n3A, %mul3A_88 : vector<800x128xf32>
    %add3A_90 = arith.addf %broadcast_in_dim3A_65, %mul3A_89 : vector<800x128xf32>
    %slice3A_91 = vector.extract_strided_slice %get3A_4 {offsets = [0, 1], sizes = [1, 1], strides = [1, 1]} : vector<3x16xf32> to vector<1x1xf32>
    %squeeze3A_92 = vector.extract %slice3A_91[0, 0] : f32 from vector<1x1xf32>
    %mul3A_93 = vector.broadcast %squeeze3A_92 : f32 to vector<800x128xf32>
    %mul3A_94 = arith.mulf %mul3A_26, %mul3A_93 : vector<800x128xf32>
    %slice3A_95 = vector.extract_strided_slice %get3A_4 {offsets = [1, 1], sizes = [1, 1], strides = [1, 1]} : vector<3x16xf32> to vector<1x1xf32>
    %squeeze3A_96 = vector.extract %slice3A_95[0, 0] : f32 from vector<1x1xf32>
    %mul3A_97 = vector.broadcast %squeeze3A_96 : f32 to vector<800x128xf32>
    %mul3A_98 = arith.mulf %mul3A_45, %mul3A_97 : vector<800x128xf32>
    %add3A_99 = arith.addf %mul3A_94, %mul3A_98 : vector<800x128xf32>
    %slice3A_100 = vector.extract_strided_slice %get3A_4 {offsets = [2, 1], sizes = [1, 1], strides = [1, 1]} : vector<3x16xf32> to vector<1x1xf32>
    %squeeze3A_101 = vector.extract %slice3A_100[0, 0] : f32 from vector<1x1xf32>
    %mul3A_102 = vector.broadcast %squeeze3A_101 : f32 to vector<800x128xf32>
    %mul3A_103 = arith.mulf %mul3A_64, %mul3A_102 : vector<800x128xf32>
    %add3A_104 = arith.addf %add3A_99, %mul3A_103 : vector<800x128xf32>
    %slice3A_105 = vector.extract_strided_slice %get3A_6 {offsets = [1], sizes = [1], strides = [1]} : vector<16xf32> to vector<1xf32>
    %squeeze3A_106 = vector.extract %slice3A_105[0] : f32 from vector<1xf32>
    %add3A_107 = vector.broadcast %squeeze3A_106 : f32 to vector<800x128xf32>
    %add3A_108 = arith.addf %add3A_104, %add3A_107 : vector<800x128xf32>
    %gt3A_109 = arith.constant 0.000000e+00 : f32
    %gt3A_110 = vector.broadcast %gt3A_109 : f32 to vector<800x128xf32>
    %gt3A_111 = arith.cmpf ogt, %add3A_108, %gt3A_110 : vector<800x128xf32>
    %exp3A_112 = math.exp %add3A_108 : vector<800x128xf32>
    %sub3A_113 = arith.constant 1.000000e+00 : f32
    %sub3A_114 = vector.broadcast %sub3A_113 : f32 to vector<800x128xf32>
    %sub3A_115 = arith.subf %exp3A_112, %sub3A_114 : vector<800x128xf32>
    %select_n3A_116 = arith.select %gt3A_111, %add3A_108, %sub3A_115 : vector<800x128xi1>, vector<800x128xf32>
    %slice3A_117 = vector.extract_strided_slice %get3A_9 {offsets = [1, 0], sizes = [1, 1], strides = [1, 1]} : vector<16x1xf32> to vector<1x1xf32>
    %squeeze3A_118 = vector.extract %slice3A_117[0, 0] : f32 from vector<1x1xf32>
    %mul3A_119 = vector.broadcast %squeeze3A_118 : f32 to vector<800x128xf32>
    %mul3A_120 = arith.mulf %select_n3A_116, %mul3A_119 : vector<800x128xf32>
    %add3A_121 = arith.addf %add3A_90, %mul3A_120 : vector<800x128xf32>
    %slice3A_122 = vector.extract_strided_slice %get3A_4 {offsets = [0, 2], sizes = [1, 1], strides = [1, 1]} : vector<3x16xf32> to vector<1x1xf32>
    %squeeze3A_123 = vector.extract %slice3A_122[0, 0] : f32 from vector<1x1xf32>
    %mul3A_124 = vector.broadcast %squeeze3A_123 : f32 to vector<800x128xf32>
    %mul3A_125 = arith.mulf %mul3A_26, %mul3A_124 : vector<800x128xf32>
    %slice3A_126 = vector.extract_strided_slice %get3A_4 {offsets = [1, 2], sizes = [1, 1], strides = [1, 1]} : vector<3x16xf32> to vector<1x1xf32>
    %squeeze3A_127 = vector.extract %slice3A_126[0, 0] : f32 from vector<1x1xf32>
    %mul3A_128 = vector.broadcast %squeeze3A_127 : f32 to vector<800x128xf32>
    %mul3A_129 = arith.mulf %mul3A_45, %mul3A_128 : vector<800x128xf32>
    %add3A_130 = arith.addf %mul3A_125, %mul3A_129 : vector<800x128xf32>
    %slice3A_131 = vector.extract_strided_slice %get3A_4 {offsets = [2, 2], sizes = [1, 1], strides = [1, 1]} : vector<3x16xf32> to vector<1x1xf32>
    %squeeze3A_132 = vector.extract %slice3A_131[0, 0] : f32 from vector<1x1xf32>
    %mul3A_133 = vector.broadcast %squeeze3A_132 : f32 to vector<800x128xf32>
    %mul3A_134 = arith.mulf %mul3A_64, %mul3A_133 : vector<800x128xf32>
    %add3A_135 = arith.addf %add3A_130, %mul3A_134 : vector<800x128xf32>
    %slice3A_136 = vector.extract_strided_slice %get3A_6 {offsets = [2], sizes = [1], strides = [1]} : vector<16xf32> to vector<1xf32>
    %squeeze3A_137 = vector.extract %slice3A_136[0] : f32 from vector<1xf32>
    %add3A_138 = vector.broadcast %squeeze3A_137 : f32 to vector<800x128xf32>
    %add3A_139 = arith.addf %add3A_135, %add3A_138 : vector<800x128xf32>
    %gt3A_140 = arith.constant 0.000000e+00 : f32
    %gt3A_141 = vector.broadcast %gt3A_140 : f32 to vector<800x128xf32>
    %gt3A_142 = arith.cmpf ogt, %add3A_139, %gt3A_141 : vector<800x128xf32>
    %exp3A_143 = math.exp %add3A_139 : vector<800x128xf32>
    %sub3A_144 = arith.constant 1.000000e+00 : f32
    %sub3A_145 = vector.broadcast %sub3A_144 : f32 to vector<800x128xf32>
    %sub3A_146 = arith.subf %exp3A_143, %sub3A_145 : vector<800x128xf32>
    %select_n3A_147 = arith.select %gt3A_142, %add3A_139, %sub3A_146 : vector<800x128xi1>, vector<800x128xf32>
    %slice3A_148 = vector.extract_strided_slice %get3A_9 {offsets = [2, 0], sizes = [1, 1], strides = [1, 1]} : vector<16x1xf32> to vector<1x1xf32>
    %squeeze3A_149 = vector.extract %slice3A_148[0, 0] : f32 from vector<1x1xf32>
    %mul3A_150 = vector.broadcast %squeeze3A_149 : f32 to vector<800x128xf32>
    %mul3A_151 = arith.mulf %select_n3A_147, %mul3A_150 : vector<800x128xf32>
    %add3A_152 = arith.addf %add3A_121, %mul3A_151 : vector<800x128xf32>
    %slice3A_153 = vector.extract_strided_slice %get3A_4 {offsets = [0, 3], sizes = [1, 1], strides = [1, 1]} : vector<3x16xf32> to vector<1x1xf32>
    %squeeze3A_154 = vector.extract %slice3A_153[0, 0] : f32 from vector<1x1xf32>
    %mul3A_155 = vector.broadcast %squeeze3A_154 : f32 to vector<800x128xf32>
    %mul3A_156 = arith.mulf %mul3A_26, %mul3A_155 : vector<800x128xf32>
    %slice3A_157 = vector.extract_strided_slice %get3A_4 {offsets = [1, 3], sizes = [1, 1], strides = [1, 1]} : vector<3x16xf32> to vector<1x1xf32>
    %squeeze3A_158 = vector.extract %slice3A_157[0, 0] : f32 from vector<1x1xf32>
    %mul3A_159 = vector.broadcast %squeeze3A_158 : f32 to vector<800x128xf32>
    %mul3A_160 = arith.mulf %mul3A_45, %mul3A_159 : vector<800x128xf32>
    %add3A_161 = arith.addf %mul3A_156, %mul3A_160 : vector<800x128xf32>
    %slice3A_162 = vector.extract_strided_slice %get3A_4 {offsets = [2, 3], sizes = [1, 1], strides = [1, 1]} : vector<3x16xf32> to vector<1x1xf32>
    %squeeze3A_163 = vector.extract %slice3A_162[0, 0] : f32 from vector<1x1xf32>
    %mul3A_164 = vector.broadcast %squeeze3A_163 : f32 to vector<800x128xf32>
    %mul3A_165 = arith.mulf %mul3A_64, %mul3A_164 : vector<800x128xf32>
    %add3A_166 = arith.addf %add3A_161, %mul3A_165 : vector<800x128xf32>
    %slice3A_167 = vector.extract_strided_slice %get3A_6 {offsets = [3], sizes = [1], strides = [1]} : vector<16xf32> to vector<1xf32>
    %squeeze3A_168 = vector.extract %slice3A_167[0] : f32 from vector<1xf32>
    %add3A_169 = vector.broadcast %squeeze3A_168 : f32 to vector<800x128xf32>
    %add3A_170 = arith.addf %add3A_166, %add3A_169 : vector<800x128xf32>
    %gt3A_171 = arith.constant 0.000000e+00 : f32
    %gt3A_172 = vector.broadcast %gt3A_171 : f32 to vector<800x128xf32>
    %gt3A_173 = arith.cmpf ogt, %add3A_170, %gt3A_172 : vector<800x128xf32>
    %exp3A_174 = math.exp %add3A_170 : vector<800x128xf32>
    %sub3A_175 = arith.constant 1.000000e+00 : f32
    %sub3A_176 = vector.broadcast %sub3A_175 : f32 to vector<800x128xf32>
    %sub3A_177 = arith.subf %exp3A_174, %sub3A_176 : vector<800x128xf32>
    %select_n3A_178 = arith.select %gt3A_173, %add3A_170, %sub3A_177 : vector<800x128xi1>, vector<800x128xf32>
    %slice3A_179 = vector.extract_strided_slice %get3A_9 {offsets = [3, 0], sizes = [1, 1], strides = [1, 1]} : vector<16x1xf32> to vector<1x1xf32>
    %squeeze3A_180 = vector.extract %slice3A_179[0, 0] : f32 from vector<1x1xf32>
    %mul3A_181 = vector.broadcast %squeeze3A_180 : f32 to vector<800x128xf32>
    %mul3A_182 = arith.mulf %select_n3A_178, %mul3A_181 : vector<800x128xf32>
    %add3A_183 = arith.addf %add3A_152, %mul3A_182 : vector<800x128xf32>
    %slice3A_184 = vector.extract_strided_slice %get3A_4 {offsets = [0, 4], sizes = [1, 1], strides = [1, 1]} : vector<3x16xf32> to vector<1x1xf32>
    %squeeze3A_185 = vector.extract %slice3A_184[0, 0] : f32 from vector<1x1xf32>
    %mul3A_186 = vector.broadcast %squeeze3A_185 : f32 to vector<800x128xf32>
    %mul3A_187 = arith.mulf %mul3A_26, %mul3A_186 : vector<800x128xf32>
    %slice3A_188 = vector.extract_strided_slice %get3A_4 {offsets = [1, 4], sizes = [1, 1], strides = [1, 1]} : vector<3x16xf32> to vector<1x1xf32>
    %squeeze3A_189 = vector.extract %slice3A_188[0, 0] : f32 from vector<1x1xf32>
    %mul3A_190 = vector.broadcast %squeeze3A_189 : f32 to vector<800x128xf32>
    %mul3A_191 = arith.mulf %mul3A_45, %mul3A_190 : vector<800x128xf32>
    %add3A_192 = arith.addf %mul3A_187, %mul3A_191 : vector<800x128xf32>
    %slice3A_193 = vector.extract_strided_slice %get3A_4 {offsets = [2, 4], sizes = [1, 1], strides = [1, 1]} : vector<3x16xf32> to vector<1x1xf32>
    %squeeze3A_194 = vector.extract %slice3A_193[0, 0] : f32 from vector<1x1xf32>
    %mul3A_195 = vector.broadcast %squeeze3A_194 : f32 to vector<800x128xf32>
    %mul3A_196 = arith.mulf %mul3A_64, %mul3A_195 : vector<800x128xf32>
    %add3A_197 = arith.addf %add3A_192, %mul3A_196 : vector<800x128xf32>
    %slice3A_198 = vector.extract_strided_slice %get3A_6 {offsets = [4], sizes = [1], strides = [1]} : vector<16xf32> to vector<1xf32>
    %squeeze3A_199 = vector.extract %slice3A_198[0] : f32 from vector<1xf32>
    %add3A_200 = vector.broadcast %squeeze3A_199 : f32 to vector<800x128xf32>
    %add3A_201 = arith.addf %add3A_197, %add3A_200 : vector<800x128xf32>
    %gt3A_202 = arith.constant 0.000000e+00 : f32
    %gt3A_203 = vector.broadcast %gt3A_202 : f32 to vector<800x128xf32>
    %gt3A_204 = arith.cmpf ogt, %add3A_201, %gt3A_203 : vector<800x128xf32>
    %exp3A_205 = math.exp %add3A_201 : vector<800x128xf32>
    %sub3A_206 = arith.constant 1.000000e+00 : f32
    %sub3A_207 = vector.broadcast %sub3A_206 : f32 to vector<800x128xf32>
    %sub3A_208 = arith.subf %exp3A_205, %sub3A_207 : vector<800x128xf32>
    %select_n3A_209 = arith.select %gt3A_204, %add3A_201, %sub3A_208 : vector<800x128xi1>, vector<800x128xf32>
    %slice3A_210 = vector.extract_strided_slice %get3A_9 {offsets = [4, 0], sizes = [1, 1], strides = [1, 1]} : vector<16x1xf32> to vector<1x1xf32>
    %squeeze3A_211 = vector.extract %slice3A_210[0, 0] : f32 from vector<1x1xf32>
    %mul3A_212 = vector.broadcast %squeeze3A_211 : f32 to vector<800x128xf32>
    %mul3A_213 = arith.mulf %select_n3A_209, %mul3A_212 : vector<800x128xf32>
    %add3A_214 = arith.addf %add3A_183, %mul3A_213 : vector<800x128xf32>
    %slice3A_215 = vector.extract_strided_slice %get3A_4 {offsets = [0, 5], sizes = [1, 1], strides = [1, 1]} : vector<3x16xf32> to vector<1x1xf32>
    %squeeze3A_216 = vector.extract %slice3A_215[0, 0] : f32 from vector<1x1xf32>
    %mul3A_217 = vector.broadcast %squeeze3A_216 : f32 to vector<800x128xf32>
    %mul3A_218 = arith.mulf %mul3A_26, %mul3A_217 : vector<800x128xf32>
    %slice3A_219 = vector.extract_strided_slice %get3A_4 {offsets = [1, 5], sizes = [1, 1], strides = [1, 1]} : vector<3x16xf32> to vector<1x1xf32>
    %squeeze3A_220 = vector.extract %slice3A_219[0, 0] : f32 from vector<1x1xf32>
    %mul3A_221 = vector.broadcast %squeeze3A_220 : f32 to vector<800x128xf32>
    %mul3A_222 = arith.mulf %mul3A_45, %mul3A_221 : vector<800x128xf32>
    %add3A_223 = arith.addf %mul3A_218, %mul3A_222 : vector<800x128xf32>
    %slice3A_224 = vector.extract_strided_slice %get3A_4 {offsets = [2, 5], sizes = [1, 1], strides = [1, 1]} : vector<3x16xf32> to vector<1x1xf32>
    %squeeze3A_225 = vector.extract %slice3A_224[0, 0] : f32 from vector<1x1xf32>
    %mul3A_226 = vector.broadcast %squeeze3A_225 : f32 to vector<800x128xf32>
    %mul3A_227 = arith.mulf %mul3A_64, %mul3A_226 : vector<800x128xf32>
    %add3A_228 = arith.addf %add3A_223, %mul3A_227 : vector<800x128xf32>
    %slice3A_229 = vector.extract_strided_slice %get3A_6 {offsets = [5], sizes = [1], strides = [1]} : vector<16xf32> to vector<1xf32>
    %squeeze3A_230 = vector.extract %slice3A_229[0] : f32 from vector<1xf32>
    %add3A_231 = vector.broadcast %squeeze3A_230 : f32 to vector<800x128xf32>
    %add3A_232 = arith.addf %add3A_228, %add3A_231 : vector<800x128xf32>
    %gt3A_233 = arith.constant 0.000000e+00 : f32
    %gt3A_234 = vector.broadcast %gt3A_233 : f32 to vector<800x128xf32>
    %gt3A_235 = arith.cmpf ogt, %add3A_232, %gt3A_234 : vector<800x128xf32>
    %exp3A_236 = math.exp %add3A_232 : vector<800x128xf32>
    %sub3A_237 = arith.constant 1.000000e+00 : f32
    %sub3A_238 = vector.broadcast %sub3A_237 : f32 to vector<800x128xf32>
    %sub3A_239 = arith.subf %exp3A_236, %sub3A_238 : vector<800x128xf32>
    %select_n3A_240 = arith.select %gt3A_235, %add3A_232, %sub3A_239 : vector<800x128xi1>, vector<800x128xf32>
    %slice3A_241 = vector.extract_strided_slice %get3A_9 {offsets = [5, 0], sizes = [1, 1], strides = [1, 1]} : vector<16x1xf32> to vector<1x1xf32>
    %squeeze3A_242 = vector.extract %slice3A_241[0, 0] : f32 from vector<1x1xf32>
    %mul3A_243 = vector.broadcast %squeeze3A_242 : f32 to vector<800x128xf32>
    %mul3A_244 = arith.mulf %select_n3A_240, %mul3A_243 : vector<800x128xf32>
    %add3A_245 = arith.addf %add3A_214, %mul3A_244 : vector<800x128xf32>
    %slice3A_246 = vector.extract_strided_slice %get3A_4 {offsets = [0, 6], sizes = [1, 1], strides = [1, 1]} : vector<3x16xf32> to vector<1x1xf32>
    %squeeze3A_247 = vector.extract %slice3A_246[0, 0] : f32 from vector<1x1xf32>
    %mul3A_248 = vector.broadcast %squeeze3A_247 : f32 to vector<800x128xf32>
    %mul3A_249 = arith.mulf %mul3A_26, %mul3A_248 : vector<800x128xf32>
    %slice3A_250 = vector.extract_strided_slice %get3A_4 {offsets = [1, 6], sizes = [1, 1], strides = [1, 1]} : vector<3x16xf32> to vector<1x1xf32>
    %squeeze3A_251 = vector.extract %slice3A_250[0, 0] : f32 from vector<1x1xf32>
    %mul3A_252 = vector.broadcast %squeeze3A_251 : f32 to vector<800x128xf32>
    %mul3A_253 = arith.mulf %mul3A_45, %mul3A_252 : vector<800x128xf32>
    %add3A_254 = arith.addf %mul3A_249, %mul3A_253 : vector<800x128xf32>
    %slice3A_255 = vector.extract_strided_slice %get3A_4 {offsets = [2, 6], sizes = [1, 1], strides = [1, 1]} : vector<3x16xf32> to vector<1x1xf32>
    %squeeze3A_256 = vector.extract %slice3A_255[0, 0] : f32 from vector<1x1xf32>
    %mul3A_257 = vector.broadcast %squeeze3A_256 : f32 to vector<800x128xf32>
    %mul3A_258 = arith.mulf %mul3A_64, %mul3A_257 : vector<800x128xf32>
    %add3A_259 = arith.addf %add3A_254, %mul3A_258 : vector<800x128xf32>
    %slice3A_260 = vector.extract_strided_slice %get3A_6 {offsets = [6], sizes = [1], strides = [1]} : vector<16xf32> to vector<1xf32>
    %squeeze3A_261 = vector.extract %slice3A_260[0] : f32 from vector<1xf32>
    %add3A_262 = vector.broadcast %squeeze3A_261 : f32 to vector<800x128xf32>
    %add3A_263 = arith.addf %add3A_259, %add3A_262 : vector<800x128xf32>
    %gt3A_264 = arith.constant 0.000000e+00 : f32
    %gt3A_265 = vector.broadcast %gt3A_264 : f32 to vector<800x128xf32>
    %gt3A_266 = arith.cmpf ogt, %add3A_263, %gt3A_265 : vector<800x128xf32>
    %exp3A_267 = math.exp %add3A_263 : vector<800x128xf32>
    %sub3A_268 = arith.constant 1.000000e+00 : f32
    %sub3A_269 = vector.broadcast %sub3A_268 : f32 to vector<800x128xf32>
    %sub3A_270 = arith.subf %exp3A_267, %sub3A_269 : vector<800x128xf32>
    %select_n3A_271 = arith.select %gt3A_266, %add3A_263, %sub3A_270 : vector<800x128xi1>, vector<800x128xf32>
    %slice3A_272 = vector.extract_strided_slice %get3A_9 {offsets = [6, 0], sizes = [1, 1], strides = [1, 1]} : vector<16x1xf32> to vector<1x1xf32>
    %squeeze3A_273 = vector.extract %slice3A_272[0, 0] : f32 from vector<1x1xf32>
    %mul3A_274 = vector.broadcast %squeeze3A_273 : f32 to vector<800x128xf32>
    %mul3A_275 = arith.mulf %select_n3A_271, %mul3A_274 : vector<800x128xf32>
    %add3A_276 = arith.addf %add3A_245, %mul3A_275 : vector<800x128xf32>
    %slice3A_277 = vector.extract_strided_slice %get3A_4 {offsets = [0, 7], sizes = [1, 1], strides = [1, 1]} : vector<3x16xf32> to vector<1x1xf32>
    %squeeze3A_278 = vector.extract %slice3A_277[0, 0] : f32 from vector<1x1xf32>
    %mul3A_279 = vector.broadcast %squeeze3A_278 : f32 to vector<800x128xf32>
    %mul3A_280 = arith.mulf %mul3A_26, %mul3A_279 : vector<800x128xf32>
    %slice3A_281 = vector.extract_strided_slice %get3A_4 {offsets = [1, 7], sizes = [1, 1], strides = [1, 1]} : vector<3x16xf32> to vector<1x1xf32>
    %squeeze3A_282 = vector.extract %slice3A_281[0, 0] : f32 from vector<1x1xf32>
    %mul3A_283 = vector.broadcast %squeeze3A_282 : f32 to vector<800x128xf32>
    %mul3A_284 = arith.mulf %mul3A_45, %mul3A_283 : vector<800x128xf32>
    %add3A_285 = arith.addf %mul3A_280, %mul3A_284 : vector<800x128xf32>
    %slice3A_286 = vector.extract_strided_slice %get3A_4 {offsets = [2, 7], sizes = [1, 1], strides = [1, 1]} : vector<3x16xf32> to vector<1x1xf32>
    %squeeze3A_287 = vector.extract %slice3A_286[0, 0] : f32 from vector<1x1xf32>
    %mul3A_288 = vector.broadcast %squeeze3A_287 : f32 to vector<800x128xf32>
    %mul3A_289 = arith.mulf %mul3A_64, %mul3A_288 : vector<800x128xf32>
    %add3A_290 = arith.addf %add3A_285, %mul3A_289 : vector<800x128xf32>
    %slice3A_291 = vector.extract_strided_slice %get3A_6 {offsets = [7], sizes = [1], strides = [1]} : vector<16xf32> to vector<1xf32>
    %squeeze3A_292 = vector.extract %slice3A_291[0] : f32 from vector<1xf32>
    %add3A_293 = vector.broadcast %squeeze3A_292 : f32 to vector<800x128xf32>
    %add3A_294 = arith.addf %add3A_290, %add3A_293 : vector<800x128xf32>
    %gt3A_295 = arith.constant 0.000000e+00 : f32
    %gt3A_296 = vector.broadcast %gt3A_295 : f32 to vector<800x128xf32>
    %gt3A_297 = arith.cmpf ogt, %add3A_294, %gt3A_296 : vector<800x128xf32>
    %exp3A_298 = math.exp %add3A_294 : vector<800x128xf32>
    %sub3A_299 = arith.constant 1.000000e+00 : f32
    %sub3A_300 = vector.broadcast %sub3A_299 : f32 to vector<800x128xf32>
    %sub3A_301 = arith.subf %exp3A_298, %sub3A_300 : vector<800x128xf32>
    %select_n3A_302 = arith.select %gt3A_297, %add3A_294, %sub3A_301 : vector<800x128xi1>, vector<800x128xf32>
    %slice3A_303 = vector.extract_strided_slice %get3A_9 {offsets = [7, 0], sizes = [1, 1], strides = [1, 1]} : vector<16x1xf32> to vector<1x1xf32>
    %squeeze3A_304 = vector.extract %slice3A_303[0, 0] : f32 from vector<1x1xf32>
    %mul3A_305 = vector.broadcast %squeeze3A_304 : f32 to vector<800x128xf32>
    %mul3A_306 = arith.mulf %select_n3A_302, %mul3A_305 : vector<800x128xf32>
    %add3A_307 = arith.addf %add3A_276, %mul3A_306 : vector<800x128xf32>
    %slice3A_308 = vector.extract_strided_slice %get3A_4 {offsets = [0, 8], sizes = [1, 1], strides = [1, 1]} : vector<3x16xf32> to vector<1x1xf32>
    %squeeze3A_309 = vector.extract %slice3A_308[0, 0] : f32 from vector<1x1xf32>
    %mul3A_310 = vector.broadcast %squeeze3A_309 : f32 to vector<800x128xf32>
    %mul3A_311 = arith.mulf %mul3A_26, %mul3A_310 : vector<800x128xf32>
    %slice3A_312 = vector.extract_strided_slice %get3A_4 {offsets = [1, 8], sizes = [1, 1], strides = [1, 1]} : vector<3x16xf32> to vector<1x1xf32>
    %squeeze3A_313 = vector.extract %slice3A_312[0, 0] : f32 from vector<1x1xf32>
    %mul3A_314 = vector.broadcast %squeeze3A_313 : f32 to vector<800x128xf32>
    %mul3A_315 = arith.mulf %mul3A_45, %mul3A_314 : vector<800x128xf32>
    %add3A_316 = arith.addf %mul3A_311, %mul3A_315 : vector<800x128xf32>
    %slice3A_317 = vector.extract_strided_slice %get3A_4 {offsets = [2, 8], sizes = [1, 1], strides = [1, 1]} : vector<3x16xf32> to vector<1x1xf32>
    %squeeze3A_318 = vector.extract %slice3A_317[0, 0] : f32 from vector<1x1xf32>
    %mul3A_319 = vector.broadcast %squeeze3A_318 : f32 to vector<800x128xf32>
    %mul3A_320 = arith.mulf %mul3A_64, %mul3A_319 : vector<800x128xf32>
    %add3A_321 = arith.addf %add3A_316, %mul3A_320 : vector<800x128xf32>
    %slice3A_322 = vector.extract_strided_slice %get3A_6 {offsets = [8], sizes = [1], strides = [1]} : vector<16xf32> to vector<1xf32>
    %squeeze3A_323 = vector.extract %slice3A_322[0] : f32 from vector<1xf32>
    %add3A_324 = vector.broadcast %squeeze3A_323 : f32 to vector<800x128xf32>
    %add3A_325 = arith.addf %add3A_321, %add3A_324 : vector<800x128xf32>
    %gt3A_326 = arith.constant 0.000000e+00 : f32
    %gt3A_327 = vector.broadcast %gt3A_326 : f32 to vector<800x128xf32>
    %gt3A_328 = arith.cmpf ogt, %add3A_325, %gt3A_327 : vector<800x128xf32>
    %exp3A_329 = math.exp %add3A_325 : vector<800x128xf32>
    %sub3A_330 = arith.constant 1.000000e+00 : f32
    %sub3A_331 = vector.broadcast %sub3A_330 : f32 to vector<800x128xf32>
    %sub3A_332 = arith.subf %exp3A_329, %sub3A_331 : vector<800x128xf32>
    %select_n3A_333 = arith.select %gt3A_328, %add3A_325, %sub3A_332 : vector<800x128xi1>, vector<800x128xf32>
    %slice3A_334 = vector.extract_strided_slice %get3A_9 {offsets = [8, 0], sizes = [1, 1], strides = [1, 1]} : vector<16x1xf32> to vector<1x1xf32>
    %squeeze3A_335 = vector.extract %slice3A_334[0, 0] : f32 from vector<1x1xf32>
    %mul3A_336 = vector.broadcast %squeeze3A_335 : f32 to vector<800x128xf32>
    %mul3A_337 = arith.mulf %select_n3A_333, %mul3A_336 : vector<800x128xf32>
    %add3A_338 = arith.addf %add3A_307, %mul3A_337 : vector<800x128xf32>
    %slice3A_339 = vector.extract_strided_slice %get3A_4 {offsets = [0, 9], sizes = [1, 1], strides = [1, 1]} : vector<3x16xf32> to vector<1x1xf32>
    %squeeze3A_340 = vector.extract %slice3A_339[0, 0] : f32 from vector<1x1xf32>
    %mul3A_341 = vector.broadcast %squeeze3A_340 : f32 to vector<800x128xf32>
    %mul3A_342 = arith.mulf %mul3A_26, %mul3A_341 : vector<800x128xf32>
    %slice3A_343 = vector.extract_strided_slice %get3A_4 {offsets = [1, 9], sizes = [1, 1], strides = [1, 1]} : vector<3x16xf32> to vector<1x1xf32>
    %squeeze3A_344 = vector.extract %slice3A_343[0, 0] : f32 from vector<1x1xf32>
    %mul3A_345 = vector.broadcast %squeeze3A_344 : f32 to vector<800x128xf32>
    %mul3A_346 = arith.mulf %mul3A_45, %mul3A_345 : vector<800x128xf32>
    %add3A_347 = arith.addf %mul3A_342, %mul3A_346 : vector<800x128xf32>
    %slice3A_348 = vector.extract_strided_slice %get3A_4 {offsets = [2, 9], sizes = [1, 1], strides = [1, 1]} : vector<3x16xf32> to vector<1x1xf32>
    %squeeze3A_349 = vector.extract %slice3A_348[0, 0] : f32 from vector<1x1xf32>
    %mul3A_350 = vector.broadcast %squeeze3A_349 : f32 to vector<800x128xf32>
    %mul3A_351 = arith.mulf %mul3A_64, %mul3A_350 : vector<800x128xf32>
    %add3A_352 = arith.addf %add3A_347, %mul3A_351 : vector<800x128xf32>
    %slice3A_353 = vector.extract_strided_slice %get3A_6 {offsets = [9], sizes = [1], strides = [1]} : vector<16xf32> to vector<1xf32>
    %squeeze3A_354 = vector.extract %slice3A_353[0] : f32 from vector<1xf32>
    %add3A_355 = vector.broadcast %squeeze3A_354 : f32 to vector<800x128xf32>
    %add3A_356 = arith.addf %add3A_352, %add3A_355 : vector<800x128xf32>
    %gt3A_357 = arith.constant 0.000000e+00 : f32
    %gt3A_358 = vector.broadcast %gt3A_357 : f32 to vector<800x128xf32>
    %gt3A_359 = arith.cmpf ogt, %add3A_356, %gt3A_358 : vector<800x128xf32>
    %exp3A_360 = math.exp %add3A_356 : vector<800x128xf32>
    %sub3A_361 = arith.constant 1.000000e+00 : f32
    %sub3A_362 = vector.broadcast %sub3A_361 : f32 to vector<800x128xf32>
    %sub3A_363 = arith.subf %exp3A_360, %sub3A_362 : vector<800x128xf32>
    %select_n3A_364 = arith.select %gt3A_359, %add3A_356, %sub3A_363 : vector<800x128xi1>, vector<800x128xf32>
    %slice3A_365 = vector.extract_strided_slice %get3A_9 {offsets = [9, 0], sizes = [1, 1], strides = [1, 1]} : vector<16x1xf32> to vector<1x1xf32>
    %squeeze3A_366 = vector.extract %slice3A_365[0, 0] : f32 from vector<1x1xf32>
    %mul3A_367 = vector.broadcast %squeeze3A_366 : f32 to vector<800x128xf32>
    %mul3A_368 = arith.mulf %select_n3A_364, %mul3A_367 : vector<800x128xf32>
    %add3A_369 = arith.addf %add3A_338, %mul3A_368 : vector<800x128xf32>
    %slice3A_370 = vector.extract_strided_slice %get3A_4 {offsets = [0, 10], sizes = [1, 1], strides = [1, 1]} : vector<3x16xf32> to vector<1x1xf32>
    %squeeze3A_371 = vector.extract %slice3A_370[0, 0] : f32 from vector<1x1xf32>
    %mul3A_372 = vector.broadcast %squeeze3A_371 : f32 to vector<800x128xf32>
    %mul3A_373 = arith.mulf %mul3A_26, %mul3A_372 : vector<800x128xf32>
    %slice3A_374 = vector.extract_strided_slice %get3A_4 {offsets = [1, 10], sizes = [1, 1], strides = [1, 1]} : vector<3x16xf32> to vector<1x1xf32>
    %squeeze3A_375 = vector.extract %slice3A_374[0, 0] : f32 from vector<1x1xf32>
    %mul3A_376 = vector.broadcast %squeeze3A_375 : f32 to vector<800x128xf32>
    %mul3A_377 = arith.mulf %mul3A_45, %mul3A_376 : vector<800x128xf32>
    %add3A_378 = arith.addf %mul3A_373, %mul3A_377 : vector<800x128xf32>
    %slice3A_379 = vector.extract_strided_slice %get3A_4 {offsets = [2, 10], sizes = [1, 1], strides = [1, 1]} : vector<3x16xf32> to vector<1x1xf32>
    %squeeze3A_380 = vector.extract %slice3A_379[0, 0] : f32 from vector<1x1xf32>
    %mul3A_381 = vector.broadcast %squeeze3A_380 : f32 to vector<800x128xf32>
    %mul3A_382 = arith.mulf %mul3A_64, %mul3A_381 : vector<800x128xf32>
    %add3A_383 = arith.addf %add3A_378, %mul3A_382 : vector<800x128xf32>
    %slice3A_384 = vector.extract_strided_slice %get3A_6 {offsets = [10], sizes = [1], strides = [1]} : vector<16xf32> to vector<1xf32>
    %squeeze3A_385 = vector.extract %slice3A_384[0] : f32 from vector<1xf32>
    %add3A_386 = vector.broadcast %squeeze3A_385 : f32 to vector<800x128xf32>
    %add3A_387 = arith.addf %add3A_383, %add3A_386 : vector<800x128xf32>
    %gt3A_388 = arith.constant 0.000000e+00 : f32
    %gt3A_389 = vector.broadcast %gt3A_388 : f32 to vector<800x128xf32>
    %gt3A_390 = arith.cmpf ogt, %add3A_387, %gt3A_389 : vector<800x128xf32>
    %exp3A_391 = math.exp %add3A_387 : vector<800x128xf32>
    %sub3A_392 = arith.constant 1.000000e+00 : f32
    %sub3A_393 = vector.broadcast %sub3A_392 : f32 to vector<800x128xf32>
    %sub3A_394 = arith.subf %exp3A_391, %sub3A_393 : vector<800x128xf32>
    %select_n3A_395 = arith.select %gt3A_390, %add3A_387, %sub3A_394 : vector<800x128xi1>, vector<800x128xf32>
    %slice3A_396 = vector.extract_strided_slice %get3A_9 {offsets = [10, 0], sizes = [1, 1], strides = [1, 1]} : vector<16x1xf32> to vector<1x1xf32>
    %squeeze3A_397 = vector.extract %slice3A_396[0, 0] : f32 from vector<1x1xf32>
    %mul3A_398 = vector.broadcast %squeeze3A_397 : f32 to vector<800x128xf32>
    %mul3A_399 = arith.mulf %select_n3A_395, %mul3A_398 : vector<800x128xf32>
    %add3A_400 = arith.addf %add3A_369, %mul3A_399 : vector<800x128xf32>
    %slice3A_401 = vector.extract_strided_slice %get3A_4 {offsets = [0, 11], sizes = [1, 1], strides = [1, 1]} : vector<3x16xf32> to vector<1x1xf32>
    %squeeze3A_402 = vector.extract %slice3A_401[0, 0] : f32 from vector<1x1xf32>
    %mul3A_403 = vector.broadcast %squeeze3A_402 : f32 to vector<800x128xf32>
    %mul3A_404 = arith.mulf %mul3A_26, %mul3A_403 : vector<800x128xf32>
    %slice3A_405 = vector.extract_strided_slice %get3A_4 {offsets = [1, 11], sizes = [1, 1], strides = [1, 1]} : vector<3x16xf32> to vector<1x1xf32>
    %squeeze3A_406 = vector.extract %slice3A_405[0, 0] : f32 from vector<1x1xf32>
    %mul3A_407 = vector.broadcast %squeeze3A_406 : f32 to vector<800x128xf32>
    %mul3A_408 = arith.mulf %mul3A_45, %mul3A_407 : vector<800x128xf32>
    %add3A_409 = arith.addf %mul3A_404, %mul3A_408 : vector<800x128xf32>
    %slice3A_410 = vector.extract_strided_slice %get3A_4 {offsets = [2, 11], sizes = [1, 1], strides = [1, 1]} : vector<3x16xf32> to vector<1x1xf32>
    %squeeze3A_411 = vector.extract %slice3A_410[0, 0] : f32 from vector<1x1xf32>
    %mul3A_412 = vector.broadcast %squeeze3A_411 : f32 to vector<800x128xf32>
    %mul3A_413 = arith.mulf %mul3A_64, %mul3A_412 : vector<800x128xf32>
    %add3A_414 = arith.addf %add3A_409, %mul3A_413 : vector<800x128xf32>
    %slice3A_415 = vector.extract_strided_slice %get3A_6 {offsets = [11], sizes = [1], strides = [1]} : vector<16xf32> to vector<1xf32>
    %squeeze3A_416 = vector.extract %slice3A_415[0] : f32 from vector<1xf32>
    %add3A_417 = vector.broadcast %squeeze3A_416 : f32 to vector<800x128xf32>
    %add3A_418 = arith.addf %add3A_414, %add3A_417 : vector<800x128xf32>
    %gt3A_419 = arith.constant 0.000000e+00 : f32
    %gt3A_420 = vector.broadcast %gt3A_419 : f32 to vector<800x128xf32>
    %gt3A_421 = arith.cmpf ogt, %add3A_418, %gt3A_420 : vector<800x128xf32>
    %exp3A_422 = math.exp %add3A_418 : vector<800x128xf32>
    %sub3A_423 = arith.constant 1.000000e+00 : f32
    %sub3A_424 = vector.broadcast %sub3A_423 : f32 to vector<800x128xf32>
    %sub3A_425 = arith.subf %exp3A_422, %sub3A_424 : vector<800x128xf32>
    %select_n3A_426 = arith.select %gt3A_421, %add3A_418, %sub3A_425 : vector<800x128xi1>, vector<800x128xf32>
    %slice3A_427 = vector.extract_strided_slice %get3A_9 {offsets = [11, 0], sizes = [1, 1], strides = [1, 1]} : vector<16x1xf32> to vector<1x1xf32>
    %squeeze3A_428 = vector.extract %slice3A_427[0, 0] : f32 from vector<1x1xf32>
    %mul3A_429 = vector.broadcast %squeeze3A_428 : f32 to vector<800x128xf32>
    %mul3A_430 = arith.mulf %select_n3A_426, %mul3A_429 : vector<800x128xf32>
    %add3A_431 = arith.addf %add3A_400, %mul3A_430 : vector<800x128xf32>
    %slice3A_432 = vector.extract_strided_slice %get3A_4 {offsets = [0, 12], sizes = [1, 1], strides = [1, 1]} : vector<3x16xf32> to vector<1x1xf32>
    %squeeze3A_433 = vector.extract %slice3A_432[0, 0] : f32 from vector<1x1xf32>
    %mul3A_434 = vector.broadcast %squeeze3A_433 : f32 to vector<800x128xf32>
    %mul3A_435 = arith.mulf %mul3A_26, %mul3A_434 : vector<800x128xf32>
    %slice3A_436 = vector.extract_strided_slice %get3A_4 {offsets = [1, 12], sizes = [1, 1], strides = [1, 1]} : vector<3x16xf32> to vector<1x1xf32>
    %squeeze3A_437 = vector.extract %slice3A_436[0, 0] : f32 from vector<1x1xf32>
    %mul3A_438 = vector.broadcast %squeeze3A_437 : f32 to vector<800x128xf32>
    %mul3A_439 = arith.mulf %mul3A_45, %mul3A_438 : vector<800x128xf32>
    %add3A_440 = arith.addf %mul3A_435, %mul3A_439 : vector<800x128xf32>
    %slice3A_441 = vector.extract_strided_slice %get3A_4 {offsets = [2, 12], sizes = [1, 1], strides = [1, 1]} : vector<3x16xf32> to vector<1x1xf32>
    %squeeze3A_442 = vector.extract %slice3A_441[0, 0] : f32 from vector<1x1xf32>
    %mul3A_443 = vector.broadcast %squeeze3A_442 : f32 to vector<800x128xf32>
    %mul3A_444 = arith.mulf %mul3A_64, %mul3A_443 : vector<800x128xf32>
    %add3A_445 = arith.addf %add3A_440, %mul3A_444 : vector<800x128xf32>
    %slice3A_446 = vector.extract_strided_slice %get3A_6 {offsets = [12], sizes = [1], strides = [1]} : vector<16xf32> to vector<1xf32>
    %squeeze3A_447 = vector.extract %slice3A_446[0] : f32 from vector<1xf32>
    %add3A_448 = vector.broadcast %squeeze3A_447 : f32 to vector<800x128xf32>
    %add3A_449 = arith.addf %add3A_445, %add3A_448 : vector<800x128xf32>
    %gt3A_450 = arith.constant 0.000000e+00 : f32
    %gt3A_451 = vector.broadcast %gt3A_450 : f32 to vector<800x128xf32>
    %gt3A_452 = arith.cmpf ogt, %add3A_449, %gt3A_451 : vector<800x128xf32>
    %exp3A_453 = math.exp %add3A_449 : vector<800x128xf32>
    %sub3A_454 = arith.constant 1.000000e+00 : f32
    %sub3A_455 = vector.broadcast %sub3A_454 : f32 to vector<800x128xf32>
    %sub3A_456 = arith.subf %exp3A_453, %sub3A_455 : vector<800x128xf32>
    %select_n3A_457 = arith.select %gt3A_452, %add3A_449, %sub3A_456 : vector<800x128xi1>, vector<800x128xf32>
    %slice3A_458 = vector.extract_strided_slice %get3A_9 {offsets = [12, 0], sizes = [1, 1], strides = [1, 1]} : vector<16x1xf32> to vector<1x1xf32>
    %squeeze3A_459 = vector.extract %slice3A_458[0, 0] : f32 from vector<1x1xf32>
    %mul3A_460 = vector.broadcast %squeeze3A_459 : f32 to vector<800x128xf32>
    %mul3A_461 = arith.mulf %select_n3A_457, %mul3A_460 : vector<800x128xf32>
    %add3A_462 = arith.addf %add3A_431, %mul3A_461 : vector<800x128xf32>
    %slice3A_463 = vector.extract_strided_slice %get3A_4 {offsets = [0, 13], sizes = [1, 1], strides = [1, 1]} : vector<3x16xf32> to vector<1x1xf32>
    %squeeze3A_464 = vector.extract %slice3A_463[0, 0] : f32 from vector<1x1xf32>
    %mul3A_465 = vector.broadcast %squeeze3A_464 : f32 to vector<800x128xf32>
    %mul3A_466 = arith.mulf %mul3A_26, %mul3A_465 : vector<800x128xf32>
    %slice3A_467 = vector.extract_strided_slice %get3A_4 {offsets = [1, 13], sizes = [1, 1], strides = [1, 1]} : vector<3x16xf32> to vector<1x1xf32>
    %squeeze3A_468 = vector.extract %slice3A_467[0, 0] : f32 from vector<1x1xf32>
    %mul3A_469 = vector.broadcast %squeeze3A_468 : f32 to vector<800x128xf32>
    %mul3A_470 = arith.mulf %mul3A_45, %mul3A_469 : vector<800x128xf32>
    %add3A_471 = arith.addf %mul3A_466, %mul3A_470 : vector<800x128xf32>
    %slice3A_472 = vector.extract_strided_slice %get3A_4 {offsets = [2, 13], sizes = [1, 1], strides = [1, 1]} : vector<3x16xf32> to vector<1x1xf32>
    %squeeze3A_473 = vector.extract %slice3A_472[0, 0] : f32 from vector<1x1xf32>
    %mul3A_474 = vector.broadcast %squeeze3A_473 : f32 to vector<800x128xf32>
    %mul3A_475 = arith.mulf %mul3A_64, %mul3A_474 : vector<800x128xf32>
    %add3A_476 = arith.addf %add3A_471, %mul3A_475 : vector<800x128xf32>
    %slice3A_477 = vector.extract_strided_slice %get3A_6 {offsets = [13], sizes = [1], strides = [1]} : vector<16xf32> to vector<1xf32>
    %squeeze3A_478 = vector.extract %slice3A_477[0] : f32 from vector<1xf32>
    %add3A_479 = vector.broadcast %squeeze3A_478 : f32 to vector<800x128xf32>
    %add3A_480 = arith.addf %add3A_476, %add3A_479 : vector<800x128xf32>
    %gt3A_481 = arith.constant 0.000000e+00 : f32
    %gt3A_482 = vector.broadcast %gt3A_481 : f32 to vector<800x128xf32>
    %gt3A_483 = arith.cmpf ogt, %add3A_480, %gt3A_482 : vector<800x128xf32>
    %exp3A_484 = math.exp %add3A_480 : vector<800x128xf32>
    %sub3A_485 = arith.constant 1.000000e+00 : f32
    %sub3A_486 = vector.broadcast %sub3A_485 : f32 to vector<800x128xf32>
    %sub3A_487 = arith.subf %exp3A_484, %sub3A_486 : vector<800x128xf32>
    %select_n3A_488 = arith.select %gt3A_483, %add3A_480, %sub3A_487 : vector<800x128xi1>, vector<800x128xf32>
    %slice3A_489 = vector.extract_strided_slice %get3A_9 {offsets = [13, 0], sizes = [1, 1], strides = [1, 1]} : vector<16x1xf32> to vector<1x1xf32>
    %squeeze3A_490 = vector.extract %slice3A_489[0, 0] : f32 from vector<1x1xf32>
    %mul3A_491 = vector.broadcast %squeeze3A_490 : f32 to vector<800x128xf32>
    %mul3A_492 = arith.mulf %select_n3A_488, %mul3A_491 : vector<800x128xf32>
    %add3A_493 = arith.addf %add3A_462, %mul3A_492 : vector<800x128xf32>
    %slice3A_494 = vector.extract_strided_slice %get3A_4 {offsets = [0, 14], sizes = [1, 1], strides = [1, 1]} : vector<3x16xf32> to vector<1x1xf32>
    %squeeze3A_495 = vector.extract %slice3A_494[0, 0] : f32 from vector<1x1xf32>
    %mul3A_496 = vector.broadcast %squeeze3A_495 : f32 to vector<800x128xf32>
    %mul3A_497 = arith.mulf %mul3A_26, %mul3A_496 : vector<800x128xf32>
    %slice3A_498 = vector.extract_strided_slice %get3A_4 {offsets = [1, 14], sizes = [1, 1], strides = [1, 1]} : vector<3x16xf32> to vector<1x1xf32>
    %squeeze3A_499 = vector.extract %slice3A_498[0, 0] : f32 from vector<1x1xf32>
    %mul3A_500 = vector.broadcast %squeeze3A_499 : f32 to vector<800x128xf32>
    %mul3A_501 = arith.mulf %mul3A_45, %mul3A_500 : vector<800x128xf32>
    %add3A_502 = arith.addf %mul3A_497, %mul3A_501 : vector<800x128xf32>
    %slice3A_503 = vector.extract_strided_slice %get3A_4 {offsets = [2, 14], sizes = [1, 1], strides = [1, 1]} : vector<3x16xf32> to vector<1x1xf32>
    %squeeze3A_504 = vector.extract %slice3A_503[0, 0] : f32 from vector<1x1xf32>
    %mul3A_505 = vector.broadcast %squeeze3A_504 : f32 to vector<800x128xf32>
    %mul3A_506 = arith.mulf %mul3A_64, %mul3A_505 : vector<800x128xf32>
    %add3A_507 = arith.addf %add3A_502, %mul3A_506 : vector<800x128xf32>
    %slice3A_508 = vector.extract_strided_slice %get3A_6 {offsets = [14], sizes = [1], strides = [1]} : vector<16xf32> to vector<1xf32>
    %squeeze3A_509 = vector.extract %slice3A_508[0] : f32 from vector<1xf32>
    %add3A_510 = vector.broadcast %squeeze3A_509 : f32 to vector<800x128xf32>
    %add3A_511 = arith.addf %add3A_507, %add3A_510 : vector<800x128xf32>
    %gt3A_512 = arith.constant 0.000000e+00 : f32
    %gt3A_513 = vector.broadcast %gt3A_512 : f32 to vector<800x128xf32>
    %gt3A_514 = arith.cmpf ogt, %add3A_511, %gt3A_513 : vector<800x128xf32>
    %exp3A_515 = math.exp %add3A_511 : vector<800x128xf32>
    %sub3A_516 = arith.constant 1.000000e+00 : f32
    %sub3A_517 = vector.broadcast %sub3A_516 : f32 to vector<800x128xf32>
    %sub3A_518 = arith.subf %exp3A_515, %sub3A_517 : vector<800x128xf32>
    %select_n3A_519 = arith.select %gt3A_514, %add3A_511, %sub3A_518 : vector<800x128xi1>, vector<800x128xf32>
    %slice3A_520 = vector.extract_strided_slice %get3A_9 {offsets = [14, 0], sizes = [1, 1], strides = [1, 1]} : vector<16x1xf32> to vector<1x1xf32>
    %squeeze3A_521 = vector.extract %slice3A_520[0, 0] : f32 from vector<1x1xf32>
    %mul3A_522 = vector.broadcast %squeeze3A_521 : f32 to vector<800x128xf32>
    %mul3A_523 = arith.mulf %select_n3A_519, %mul3A_522 : vector<800x128xf32>
    %add3A_524 = arith.addf %add3A_493, %mul3A_523 : vector<800x128xf32>
    %slice3A_525 = vector.extract_strided_slice %get3A_4 {offsets = [0, 15], sizes = [1, 1], strides = [1, 1]} : vector<3x16xf32> to vector<1x1xf32>
    %squeeze3A_526 = vector.extract %slice3A_525[0, 0] : f32 from vector<1x1xf32>
    %mul3A_527 = vector.broadcast %squeeze3A_526 : f32 to vector<800x128xf32>
    %mul3A_528 = arith.mulf %mul3A_26, %mul3A_527 : vector<800x128xf32>
    %slice3A_529 = vector.extract_strided_slice %get3A_4 {offsets = [1, 15], sizes = [1, 1], strides = [1, 1]} : vector<3x16xf32> to vector<1x1xf32>
    %squeeze3A_530 = vector.extract %slice3A_529[0, 0] : f32 from vector<1x1xf32>
    %mul3A_531 = vector.broadcast %squeeze3A_530 : f32 to vector<800x128xf32>
    %mul3A_532 = arith.mulf %mul3A_45, %mul3A_531 : vector<800x128xf32>
    %add3A_533 = arith.addf %mul3A_528, %mul3A_532 : vector<800x128xf32>
    %slice3A_534 = vector.extract_strided_slice %get3A_4 {offsets = [2, 15], sizes = [1, 1], strides = [1, 1]} : vector<3x16xf32> to vector<1x1xf32>
    %squeeze3A_535 = vector.extract %slice3A_534[0, 0] : f32 from vector<1x1xf32>
    %mul3A_536 = vector.broadcast %squeeze3A_535 : f32 to vector<800x128xf32>
    %mul3A_537 = arith.mulf %mul3A_64, %mul3A_536 : vector<800x128xf32>
    %add3A_538 = arith.addf %add3A_533, %mul3A_537 : vector<800x128xf32>
    %slice3A_539 = vector.extract_strided_slice %get3A_6 {offsets = [15], sizes = [1], strides = [1]} : vector<16xf32> to vector<1xf32>
    %squeeze3A_540 = vector.extract %slice3A_539[0] : f32 from vector<1xf32>
    %add3A_541 = vector.broadcast %squeeze3A_540 : f32 to vector<800x128xf32>
    %add3A_542 = arith.addf %add3A_538, %add3A_541 : vector<800x128xf32>
    %gt3A_543 = arith.constant 0.000000e+00 : f32
    %gt3A_544 = vector.broadcast %gt3A_543 : f32 to vector<800x128xf32>
    %gt3A_545 = arith.cmpf ogt, %add3A_542, %gt3A_544 : vector<800x128xf32>
    %exp3A_546 = math.exp %add3A_542 : vector<800x128xf32>
    %sub3A_547 = arith.constant 1.000000e+00 : f32
    %sub3A_548 = vector.broadcast %sub3A_547 : f32 to vector<800x128xf32>
    %sub3A_549 = arith.subf %exp3A_546, %sub3A_548 : vector<800x128xf32>
    %select_n3A_550 = arith.select %gt3A_545, %add3A_542, %sub3A_549 : vector<800x128xi1>, vector<800x128xf32>
    %slice3A_551 = vector.extract_strided_slice %get3A_9 {offsets = [15, 0], sizes = [1, 1], strides = [1, 1]} : vector<16x1xf32> to vector<1x1xf32>
    %squeeze3A_552 = vector.extract %slice3A_551[0, 0] : f32 from vector<1x1xf32>
    %mul3A_553 = vector.broadcast %squeeze3A_552 : f32 to vector<800x128xf32>
    %mul3A_554 = arith.mulf %select_n3A_550, %mul3A_553 : vector<800x128xf32>
    %add3A_555 = arith.addf %add3A_524, %mul3A_554 : vector<800x128xf32>
    %swap3A = arith.constant 0 : index
    %swap3A_556 = arith.constant 0 : index
    %swap3A_557 = vector.load %arg9[%swap3A, %swap3A_556] : memref<800x128xf32, #tpu.memory_space<vmem>>, vector<800x128xf32>
    tpu.vector_store %arg9[%swap3A, %swap3A_556], %add3A_555 {strides = array<i32>} : memref<800x128xf32, #tpu.memory_space<vmem>>, vector<800x128xf32>,
    %mul3A_558 = arith.mulf %add3A_555, %get3A_1 : vector<800x128xf32>
    %swap3A_559 = arith.constant 0 : index
    %swap3A_560 = arith.constant 0 : index
    %swap3A_561 = vector.load %arg8[%swap3A_559, %swap3A_560] : memref<800x128xf32, #tpu.memory_space<vmem>>, vector<800x128xf32>
    tpu.vector_store %arg8[%swap3A_559, %swap3A_560], %mul3A_558 {strides = array<i32>} : memref<800x128xf32, #tpu.memory_space<vmem>>, vector<800x128xf32>,
    return
  }
}

module attributes {stable_mosaic.version = 14 : i64} {
  func.func @_tc_c(%arg0: memref<2x800x128xf32, #tpu.memory_space<vmem>>, %arg1: memref<800x128xf32, #tpu.memory_space<vmem>>, %arg2: memref<800x128xf32, #tpu.memory_space<vmem>>, %arg3: memref<1xf32, #tpu.memory_space<vmem>>, %arg4: memref<800x128xf32, #tpu.memory_space<vmem>>) attributes {dimension_semantics = [], scalar_prefetch = 0 : i64, scratch_operands = 0 : i64, tpu.core_type = #tpu.core_type<tc>} {
    %get3A = arith.constant 0 : index
    %get3A_0 = arith.constant 0 : index
    %get3A_1 = vector.load %arg1[%get3A, %get3A_0] : memref<800x128xf32, #tpu.memory_space<vmem>>, vector<800x128xf32>
    %get3A_2 = arith.constant 0 : index
    %get3A_3 = arith.constant 0 : index
    %get3A_4 = arith.constant 0 : index
    %get3A_5 = vector.load %arg0[%get3A_2, %get3A_3, %get3A_4] : memref<2x800x128xf32, #tpu.memory_space<vmem>>, vector<1x800x128xf32>
    %get3A_6 = vector.shape_cast %get3A_5 : vector<1x800x128xf32> to vector<800x128xf32>
    %get3A_7 = arith.constant 1 : index
    %get3A_8 = arith.constant 0 : index
    %get3A_9 = arith.constant 0 : index
    %get3A_10 = vector.load %arg0[%get3A_7, %get3A_8, %get3A_9] : memref<2x800x128xf32, #tpu.memory_space<vmem>>, vector<1x800x128xf32>
    %get3A_11 = vector.shape_cast %get3A_10 : vector<1x800x128xf32> to vector<800x128xf32>
    %add3A = arith.addf %get3A_6, %get3A_11 : vector<800x128xf32>
    %get3A_12 = arith.constant 0 : index
    %get3A_13 = arith.constant 0 : index
    %get3A_14 = vector.load %arg2[%get3A_12, %get3A_13] : memref<800x128xf32, #tpu.memory_space<vmem>>, vector<800x128xf32>
    %mul3A = arith.mulf %get3A_1, %get3A_14 : vector<800x128xf32>
    %add3A_15 = arith.addf %add3A, %mul3A : vector<800x128xf32>
    %mul3A_16 = arith.mulf %get3A_1, %add3A_15 : vector<800x128xf32>
    %get3A_17 = arith.constant 0 : index
    %get3A_18 = vector.load %arg3[%get3A_17] : memref<1xf32, #tpu.memory_space<vmem>>, vector<1xf32>
    %get3A_19 = vector.extract %get3A_18[0] : f32 from vector<1xf32>
    %add3A_20 = vector.broadcast %get3A_19 : f32 to vector<800x128xf32>
    %add3A_21 = arith.addf %mul3A_16, %add3A_20 : vector<800x128xf32>
    %gt3A = arith.constant 0.000000e+00 : f32
    %gt3A_22 = vector.broadcast %gt3A : f32 to vector<800x128xf32>
    %gt3A_23 = arith.cmpf ogt, %add3A_21, %gt3A_22 : vector<800x128xf32>
    %exp3A = math.exp %add3A_21 : vector<800x128xf32>
    %sub3A = arith.constant 1.000000e+00 : f32
    %sub3A_24 = vector.broadcast %sub3A : f32 to vector<800x128xf32>
    %sub3A_25 = arith.subf %exp3A, %sub3A_24 : vector<800x128xf32>
    %select_n3A = arith.select %gt3A_23, %add3A_21, %sub3A_25 : vector<800x128xi1>, vector<800x128xf32>
    %swap3A = arith.constant 0 : index
    %swap3A_26 = arith.constant 0 : index
    %swap3A_27 = vector.load %arg4[%swap3A, %swap3A_26] : memref<800x128xf32, #tpu.memory_space<vmem>>, vector<800x128xf32>
    tpu.vector_store %arg4[%swap3A, %swap3A_26], %select_n3A {strides = array<i32>} : memref<800x128xf32, #tpu.memory_space<vmem>>, vector<800x128xf32>,
    return
  }
}

</mosaic_0001>

<sc_bundles>
// kernel: kernel.11.cloned.1.call-start
scs
__scs_entry_jumppad:
0x0: {  	(pc) =	sbr.rel $0x88, $3  }
0x1: {  	(tag) =	ssettag $0x0;
	lr =	simm.s32 $0x1  }
0x2: {  	[smem:$0x3F9B] =	sst lr;
	_ =	strace $0xD0000000  }
0x3: {  	_ = 	snop  }
0x4: {  	_ = 	snop  }
0x5: {  	_ = 	snop  }
0x6: {  	_ = 	snop  }
0x7: {  	_ = 	snop  }
__scs_overlays_trampoline_lowered:
0x8: {  	[smem:$0x3FAA] =	sst s0  }
0x9: {  	[smem:$0x3FAB] =	sst s1  }
0xa: {  	[smem:$0x3FAC] =	sst s2  }
0xb: {  	[smem:$0x3FAD] =	sst s3  }
0xc: {  	[smem:$0x3FAE] =	sst s4  }
0xd: {  	[smem:$0x3FAF] =	sst s5  }
0xe: {  	[smem:$0x3FB0] =	sst s6  }
0xf: {  	[smem:$0x3FB1] =	sst s7  }
0x10: {  	[smem:$0x3FB2] =	sst s8  }
0x11: {  	[smem:$0x3FB3] =	sst s9;
	s0 =	simm.s32 @!p0 $0x0  }
0x12: {  	s1 =	sld [smem:$0x3F99];
	s0 =	simm.s32 @p0 $0x1  }
0x13: {  	[smem:$0x3FB4] =	sst s0;
	s0 =	simm.s32 @!p1 $0x0  }
0x14: {  	s2 =	sld [smem:$0x3F98];
	s0 =	simm.s32 @p1 $0x1  }
0x15: {  	[smem:$0x3FB5] =	sst s0;
	s0 =	simm.s32 @!p2 $0x0  }
0x16: {  	s3 =	sld [smem:$0x3FDB];
	s0 =	simm.s32 @p2 $0x1  }
0x17: {  	s4 =	simm.s32 $0x1BF5;
	[smem:$0x3FB7] =	sst s0  }
0x18: {  	s0 =	sld [smem:$0x3F9A];
	_ =	swait.ge [sflag:s4], $0x0  }
0x19: {  	s7 =	sld [smem:$0x3F9B]  }
0x1a: {  	s8 =	sadd.s32 $0xFFFFE003, lr  }
0x1b: {  	s9 =	sadd.s32 $0xFFFFFEF7, lr;
	s5 =	simm.s32 $0xFFFFFFFF;
	p2 =	slt.u32 s8, $0xFFFFF086  }
0x1c: {  	p1 =	slt.u32 s9, $0xF7A;
	s5 =	simm.s32 @!p2 $0x0  }
0x1d: {  	s5 =	simm.s32 @p1 $0x1;
	p0 =	seq.s32 s7, s2  }
0x1e: {  	s7 =	smul.u32 @!p0 $0xF7A, s2;
	p2 =	seq.s32 @!p0 s5, $0x0  }
0x1f: {  	s9 =	smul.u32 $0xF7A, s1;
	s8 =	simm.s32 @!p0 $0x1BF5;
	p2 =	por !p2, p0  }
0x20: {  	[sflag:s8] =	ssyncset.s32 @!p0 $0xFFFFF086;
	s6 =	sadd.s32 @!p0 s3, s7;
	s7 =	simm.s32 @!p0 $0x108  }
0x21: {  	s3 =	sadd.s32 s3, s9;
	s6 =	sadd.s32 @!p0 $0x88, s6;
	s7 =	simm.s32 @p2 $0x1082  }
0x22: {  	[simem:s7], [sflag:s8] =	dma.local @!p0 [hbm:s6], $0xF7A  }
0x23: {  	s9 =	sor.u32 $0xD0000000, s2;
	s6 =	simm.s32 $0x108;
	_ =	swait.ge @!p0 [sflag:s8], $0x0  }
0x24: {  	s3 =	sadd.s32 $0x88, s3;
	s6 =	simm.s32 @!p1 $0x1082;
	[sflag:s4] =	ssyncset.s32 $0xFFFFF086  }
0x25: {  	[simem:s6], [sflag:s4] =	dma.local [hbm:s3], $0xF7A  }
0x26: {  	[smem:$0x3F9B] =	sst s1;
	(tag) =	ssettag s2;
	_ =	strace s9  }
0x27: {  	s1 =	sld [smem:$0x3FAB]  }
0x28: {  	s2 =	sld [smem:$0x3FAC]  }
0x29: {  	s4 =	sld [smem:$0x3FAE]  }
0x2a: {  	p0 =	seq.s32 s5, $0x0;
	s5 =	sld [smem:$0x3FAF]  }
0x2b: {  	s6 =	sld [smem:$0x3FB0]  }
0x2c: {  	s7 =	sld [smem:$0x3FB1]  }
0x2d: {  	s3 =	simm.s32 $0x108;
	s8 =	sld [smem:$0x3FB2]  }
0x2e: {  	s3 =	simm.s32 @!p0 $0x1082;
	s9 =	sld [smem:$0x3FB3]  }
0x2f: {  	lr =	sadd.s32 s0, s3;
	s0 =	sld [smem:$0x3FAA]  }
0x30: {  	s3 =	sld [smem:$0x3FAD]  }
0x31: {  	[smem:$0x3FB6] =	sst s10  }
0x32: {  	s10 =	sld [smem:$0x3FB4];
	_ =	sdelay $0x3  }
0x33: {  	p0 =	seq.s32 s10, $0x1;
	s10 =	sld [smem:$0x3FB6];
	_ =	sdelay $0x3  }
0x34: {  	[smem:$0x3FB6] =	sst s10  }
0x35: {  	s10 =	sld [smem:$0x3FB5];
	_ =	sdelay $0x3  }
0x36: {  	p1 =	seq.s32 s10, $0x1;
	s10 =	sld [smem:$0x3FB6];
	_ =	sdelay $0x3  }
0x37: {  	[smem:$0x3FB6] =	sst s10  }
0x38: {  	s10 =	sld [smem:$0x3FB7]  }
0x39: {  	_ = 	snop;
	(pc) =	sbr.ind lr, $3  }
0x3a: {  	_ = 	snop  }
0x3b: {  	_ = 	snop  }
0x3c: {  	p2 =	seq.s32 s10, $0x1;
	s10 =	sld [smem:$0x3FB6]  }
0x3d: {  	_ =	shalt  }
0x3e: {  	_ =	shalt  }
0x3f: {  	_ =	shalt  }
0x40: {  	_ =	shalt  }
0x41: {  	_ =	shalt  }
0x42: {  	_ =	shalt  }
0x43: {  	_ =	shalt  }
0x44: {  	_ =	shalt  }
0x45: {  	_ =	shalt  }
0x46: {  	_ =	shalt  }
0x47: {  	_ =	shalt  }
0x48: {  	_ =	shalt  }
0x49: {  	_ =	shalt  }
0x4a: {  	_ =	shalt  }
0x4b: {  	_ =	shalt  }
0x4c: {  	_ =	shalt  }
0x4d: {  	_ =	shalt  }
0x4e: {  	_ =	shalt  }
0x4f: {  	_ =	shalt  }
0x50: {  	_ =	shalt  }
0x51: {  	_ =	shalt  }
0x52: {  	_ =	shalt  }
0x53: {  	_ =	shalt  }
0x54: {  	_ =	shalt  }
0x55: {  	_ =	shalt  }
0x56: {  	_ =	shalt  }
0x57: {  	_ =	shalt  }
0x58: {  	_ =	shalt  }
0x59: {  	_ =	shalt  }
0x5a: {  	_ =	shalt  }
0x5b: {  	_ =	shalt  }
0x5c: {  	_ =	shalt  }
0x5d: {  	_ =	shalt  }
0x5e: {  	_ =	shalt  }
0x5f: {  	_ =	shalt  }
0x60: {  	_ =	shalt  }
0x61: {  	_ =	shalt  }
0x62: {  	_ =	shalt  }
0x63: {  	_ =	shalt  }
0x64: {  	_ =	shalt  }
0x65: {  	_ =	shalt  }
0x66: {  	_ =	shalt  }
0x67: {  	_ =	shalt  }
0x68: {  	_ =	shalt  }
0x69: {  	_ =	shalt  }
0x6a: {  	_ =	shalt  }
0x6b: {  	_ =	shalt  }
0x6c: {  	_ =	shalt  }
0x6d: {  	_ =	shalt  }
0x6e: {  	_ =	shalt  }
0x6f: {  	_ =	shalt  }
0x70: {  	_ =	shalt  }
0x71: {  	_ =	shalt  }
0x72: {  	_ =	shalt  }
0x73: {  	_ =	shalt  }
0x74: {  	_ =	shalt  }
0x75: {  	_ =	shalt  }
0x76: {  	_ =	shalt  }
0x77: {  	_ =	shalt  }
0x78: {  	_ =	shalt  }
0x79: {  	_ =	shalt  }
0x7a: {  	_ =	shalt  }
0x7b: {  	_ =	shalt  }
0x7c: {  	_ =	shalt  }
0x7d: {  	_ =	shalt  }
0x7e: {  	_ =	shalt  }
0x7f: {  	_ =	shalt  }
0x80: {  	_ =	shalt  }
0x81: {  	_ =	shalt  }
0x82: {  	_ =	shalt  }
0x83: {  	_ =	shalt  }
0x84: {  	_ =	shalt  }
0x85: {  	_ =	shalt  }
0x86: {  	_ =	shalt  }
0x87: {  	_ =	shalt  }
.Lfunc_end0:
.L_simem_size_0:
called_computation.1_lowered:
.L_overlay_start_0:
0x88: {  	s2 =	sld [smem:$0x3FD9]  }
0x89: {  	s3 =	sld [smem:$0x3FFE];
	_ =	sdelay $0x1  }
0x8a: {  	s1 =	srdreg.scid  }
0x8b: {  	s0 =	sand.u32 $0x1, s1  }
0x8c: {  	s17 =	sshll.u32 s0, $0xA;
	s2 =	sadd.s32 s3, s2  }
0x8d: {  	s2 =	sadd.s32 s2, s17  }
0x8e: {  	[smem:$0x3FC2] =	sst s2  }
0x8f: {  	_ = 	snop  }
0x90: {  	s2 =	sld [smem:$0x3FD0];
	(tm) =	ssettm $0x1  }
0x91: {  	s18 =	sld [smem:$0x3FFB];
	_ =	sdelay $0x3  }
0x92: {  	_ =	strace s18  }
0x93: {  	s3 =	sld [smem:$0x3FFC];
	_ =	sdelay $0x3  }
0x94: {  	_ =	strace s3  }
0x95: {  	s3 =	sld [smem:$0x3FFD];
	_ =	sdelay $0x3  }
0x96: {  	_ =	strace s3  }
0x97: {  	_ =	strace $0x8FFFFFFF  }
0x98: {  	s19 =	sld [smem:$0x3FDB];
	_ =	sdelay $0x1  }
0x99: {  	s4 =	simm.s32 $_scs_section_size  }
0x9a: {  	s5 =	simm.s32 $_size__tile_overlayer_lowered;
	s6 =	simm.s32 $_tile_overlayer_lowered  }
0x9b: {  	s22 =	simm.s32 $0x1BFF;
	s21 =	sshll.u32 s6, $0x1;
	s3 =	sadd.s32 s4, s19  }
0x9c: {  	s7 =	simm.s32 $0x0;
	s20 =	sshll.u32 s5, $0x1;
	s5 =	sadd.s32 s21, s3  }
0x9d: {  	[timem:s7], [sflag:s22] =	dma.local [hbm:s5], s20  }
0x9e: {  	_ =	swait.ge [sflag:s22], s20  }
0x9f: {  	s4 =	ssub.s32 $0x0, s20;
	[sflag:s22] =	ssyncset.done $0x0  }
0xa0: {  	[sflag:s22] =	ssyncadd.s32 s4;
	_ =	sdelay $0x1  }
0xa1: {  	s23 =	simm.s32 $0x1B8B  }
0xa2: {  	_ =	swait.ge [sflag:s23], $0x1  }
0xa3: {  	[sflag:s23] =	ssyncset.done $0x0  }
0xa4: {  	s25 =	simm.s32 $0x1B8E;
	s24 =	sld [smem:$0x3FFE];
	[sflag:s23] =	ssyncadd.s32 $0xFFFFFFFF  }
0xa5: {  	s26 =	simm.s32 $execute0_lowered;
	[smem:$0x3FD2] =	sst s25  }
0xa6: {  	s5 =	sshll.u32 s26, $0x1;
	_ =	strace $0x80000049;
	[dreg:$0x1] =	wrdreg $0xFFFFFFFF  }
0xa7: {  	s28 =	simm.s32 $_size_execute0_lowered;
	s3 =	sadd.s32 s3, s5;
	[dreg:$0x0] =	wrdreg $0x0  }
0xa8: {  	s5 =	sshll.u32 s28, $0x1;
	[dreg:$0x2] =	wrdreg s3  }
0xa9: {  	[dreg:$0x3] =	wrdreg s5  }
0xaa: {  	[dreg:$0x4] =	wrdreg $0xC0  }
0xab: {  	_ =	task [dreg:s7], $0x5FFFF  }
0xac: {  	[dreg:$0x1] =	wrdreg $0xFFFFFFFF  }
0xad: {  	[dreg:$0x0] =	wrdreg $0x60  }
0xae: {  	[dreg:$0x2] =	wrdreg s24  }
0xaf: {  	[dreg:$0x3] =	wrdreg s2  }
0xb0: {  	[dreg:$0x4] =	wrdreg $0x159000  }
0xb1: {  	[dreg:$0x5] =	wrdreg $0x172000  }
0xb2: {  	[dreg:$0x6] =	wrdreg $0x18B000  }
0xb3: {  	[dreg:$0x7] =	wrdreg $0x1A4000  }
0xb4: {  	[dreg:$0x8] =	wrdreg $0x1BD000  }
0xb5: {  	[dreg:$0x9] =	wrdreg $0x1D6000  }
0xb6: {  	[dreg:$0xa] =	wrdreg $0x9  }
0xb7: {  	_ =	task.clear_ibuf [dreg:s7], $0xBFFFF;
	_ =	strace $0x90000049  }
0xb8: {  	s29 =	simm.s32 $0x9;
	_ =	strace $0x8000004B  }
0xb9: {  	_ =	swait.ge [sflag:s29], $0x1  }
0xba: {  	[sflag:s29] =	ssyncadd.s32 $0xFFFFFFFF  }
0xbb: {  	_ =	strace $0x9000004B  }
0xbc: {  	_ =	sfence  }
0xbd: {  	s30 =	sld [smem:$0x0];
	_ =	sdelay $0x2  }
0xbe: {  	s31 =	sshll.u32 s1, $0xD;
	s1 =	sshrl.u32 s1, $0x2  }
0xbf: {  	s3 =	sand.u32 $0x4000, s31;
	s1 =	sadd.s32 s1, s30  }
0xc0: {  	s0 =	sor.u32 s3, s0;
	s1 =	sshll.u32 s1, $0x11  }
0xc1: {  	s0 =	sor.u32 s1, s0  }
0xc2: {  	s0 =	sadd.s32 $0x8F2B, s0  }
0xc3: {  	[sflag:s0] =	ssyncadd.remote.s32 $0x1  }
0xc4: {  	_ =	sfence.sel $0xFFFF  }
0xc5: {  	[dreg:$0x0] =	wrdreg $0xFFFFFFFF;
	(pc) =	sbr.abs _section_cstart, $3  }
0xc6: {  	[dreg:$0x1] =	wrdreg $0xFFFFFFFF  }
0xc7: {  	_ =	task.clear_ibuf [dreg:s7], $0x2FFFF;
	_ =	strace $0x9FFFFFFF  }
0xc8: {  	(tm) =	ssettm $0x7FFFFFFF  }
0xc9: {  	_ =	shalt  }
tec
execute0_lowered:
.L_overlay_start_1:
0x0: {  	(tag) =	ssettag $0x1  }
0x1: {  	s0 =	rddreg [dreg:$0x0]  }
0x2: {  	s2 =	rddreg [dreg:$0x2]  }
0x3: {  	s3 =	rddreg [dreg:$0x3]  }
0x4: {  	s4 =	rddreg [dreg:$0x4]  }
0x5: {  	s5 =	rddreg [dreg:$0x5]  }
0x6: {  	s7 =	rddreg [dreg:$0x6]  }
0x7: {  	s8 =	rddreg [dreg:$0x7];
	s9 =	simm.s32 $0x0;
	s18 =	stileid.u32  }
0x8: {  	s1 =	srdreg.scid;
	[smem:$0x7FF] =	sst s9  }
0x9: {  	s6 =	smul.u32 $0x1900, s18;
	s1 =	sand.u32 $0x1, s1;
	s11 =	sadd.s32 $0xC6600, s0  }
0xa: {  	s12 =	sadd.s32 $0x3000, s0;
	s22 =	sshll.u32 s18, $0xA;
	s26 =	sadd.s32 $0x189A00, s0  }
0xb: {  	_ =	strace $0x8000004A;
	s10 =	smul.u32 $0x19000, s1;
	s14 =	ssub.s32 $0x2, s1  }
0xc: {  	s16 =	sshll.u32 s1, $0x4;
	s1 =	sshll.u32 s1, $0xE;
	[dreg:$0x13] =	wrdreg s26  }
0xd: {  	s13 =	sshrl.u32 s6, $0x3;
	s15 =	sshrl.u32 s14, $0x1;
	s29 =	sadd.s32 s6, s2  }
0xe: {  	s19 =	sadd.s32 s6, s3;
	s24 =	sadd.s32 s6, s4;
	[dreg:$0xb] =	wrdreg s29  }
0xf: {  	s13 =	sadd.s32 s13, s0;
	s10 =	sadd.s32 s6, s10;
	[dreg:$0xd] =	wrdreg s19  }
0x10: {  	s14 =	ssub.s32 s14, s15;
	[dreg:$0x11] =	wrdreg s24;
	s28 =	sadd.s32 $0x18CE00, s13  }
0x11: {  	s10 =	sshrl.u32 s10, $0x3;
	s31 =	sadd.s32 $0x190000, s13;
	[dreg:$0xa] =	wrdreg s28  }
0x12: {  	s23 =	sadd.s32 $0x193200, s13;
	s25 =	sadd.s32 $0x189C00, s13;
	[dreg:$0xc] =	wrdreg s31  }
0x13: {  	s17 =	sadd.s32 s10, s0;
	s10 =	sor.u32 s18, s16;
	[dreg:$0x10] =	wrdreg s23  }
0x14: {  	[dreg:$0x12] =	wrdreg s25;
	s23 =	sadd.s32 s6, s7;
	s0 =	sadd.s32 $0xC6400, s0  }
0x15: {  	s25 =	sadd.s32 s6, s8;
	s31 =	smax.u32 s14, $0x1;
	[dreg:$0x14] =	wrdreg s0  }
0x16: {  	s30 =	sshll.u32 s10, $0xA;
	s21 =	ssub.s32 $0x30D, s10;
	[dreg:$0x18] =	wrdreg s31  }
0x17: {  	s28 =	sadd.s32 $0x196400, s17;
	s29 =	sadd.s32 $0x19C800, s17;
	[dreg:$0x9] =	wrdreg s21  }
0x18: {  	p0 =	sne.s32 s10, $0x1F;
	s0 =	simm.s32 $0x2000;
	[dreg:$0x15] =	wrdreg s28  }
0x19: {  	s20 =	sadd.s32 s11, s30;
	s15 =	sadd.s32 s12, s30;
	[dreg:$0x16] =	wrdreg s29  }
0x1a: {  	s12 =	sadd.s32 s1, s12;
	s1 =	sadd.s32 s1, s11;
	[dreg:$0xe] =	wrdreg s20  }
0x1b: {  	s30 =	sadd.s32 $0x1A2C00, s17;
	s11 =	simm.s32 $0x0;
	[dreg:$0xf] =	wrdreg s15  }
0x1c: {  	s18 =	sadd.s32 s22, s12;
	s19 =	sadd.s32 s22, s1;
	s22 =	sadd.s32 s6, s5  }
0x1d: {  	[dreg:$0x17] =	wrdreg s30;
	s1 =	simm.s32 $0x8000;
	s6 =	simm.s32 $0x4  }
.LBB2_1:
0x1e: {  	s12 =	rddreg [dreg:$0xa]  }
0x1f: {  	[tilespmem:s1], [sflag:$0x4] =	stream.linear.gather [hbm4b:s12+s9], $0x1900, $0x38;
	[tilespmem:$0x1EF00] =	vst v63  }
0x20: {  	_ =	swait.ge [sflag:s6], $0x1900  }
0x21: {  	[sflag:s6] =	ssyncset.done $0x0  }
0x22: {  	s31 =	rddreg [dreg:$0xb];
	[sflag:s6] =	ssyncadd.s32 $0xFFFFE700  }
0x23: {  	[spmem:s31] =	stream.linear.scatter [tilespmem:s1], [sflag:$0x4], $0x1900, $0x38;
	[tilespmem:$0x1EF00] =	vst v63  }
0x24: {  	_ =	swait.ge [sflag:s6], $0x1900  }
0x25: {  	[sflag:s6] =	ssyncset.done $0x0  }
0x26: {  	s13 =	rddreg [dreg:$0xc];
	[sflag:s6] =	ssyncadd.s32 $0xFFFFE700  }
0x27: {  	[tilespmem:s1], [sflag:$0x4] =	stream.linear.gather [hbm4b:s13+s9], $0x1900, $0x38;
	[tilespmem:$0x1EF00] =	vst v63  }
0x28: {  	_ =	swait.ge [sflag:s6], $0x1900  }
0x29: {  	[sflag:s6] =	ssyncset.done $0x0  }
0x2a: {  	s14 =	rddreg [dreg:$0xd];
	[sflag:s6] =	ssyncadd.s32 $0xFFFFE700  }
0x2b: {  	[spmem:s14] =	stream.linear.scatter [tilespmem:s1], [sflag:$0x4], $0x1900, $0x38;
	[tilespmem:$0x1EF00] =	vst v63  }
0x2c: {  	_ =	swait.ge [sflag:s6], $0x1900  }
0x2d: {  	[sflag:s6] =	ssyncset.done $0x0  }
0x2e: {  	s15 =	rddreg [dreg:$0x10];
	[sflag:s6] =	ssyncadd.s32 $0xFFFFE700  }
0x2f: {  	[tilespmem:s1], [sflag:$0x4] =	stream.linear.gather [hbm4b:s15+s9], $0x1900, $0x38;
	[tilespmem:$0x1EF00] =	vst v63  }
0x30: {  	_ =	swait.ge [sflag:s6], $0x1900  }
0x31: {  	[sflag:s6] =	ssyncset.done $0x0  }
0x32: {  	s16 =	rddreg [dreg:$0x11];
	[sflag:s6] =	ssyncadd.s32 $0xFFFFE700  }
0x33: {  	[spmem:s16] =	stream.linear.scatter [tilespmem:s1], [sflag:$0x4], $0x1900, $0x38;
	[tilespmem:$0x1EF00] =	vst v63  }
0x34: {  	_ =	swait.ge [sflag:s6], $0x1900  }
0x35: {  	[sflag:s6] =	ssyncset.done $0x0  }
0x36: {  	s17 =	rddreg [dreg:$0x12];
	[sflag:s6] =	ssyncadd.s32 $0xFFFFE700  }
0x37: {  	[tilespmem:s1], [sflag:$0x4] =	stream.linear.gather [hbm4b:s17+s9], $0x1900, $0x38;
	[tilespmem:$0x1EF00] =	vst v63  }
0x38: {  	_ =	swait.ge [sflag:s6], $0x1900  }
0x39: {  	[sflag:s6] =	ssyncset.done $0x0  }
0x3a: {  	[sflag:s6] =	ssyncadd.s32 $0xFFFFE700  }
0x3b: {  	[spmem:s22] =	stream.linear.scatter [tilespmem:s1], [sflag:$0x4], $0x1900, $0x38;
	[tilespmem:$0x1EF00] =	vst v63  }
0x3c: {  	_ =	swait.ge [sflag:s6], $0x1900  }
0x3d: {  	[sflag:s6] =	ssyncset.done $0x0  }
0x3e: {  	[sflag:s6] =	ssyncadd.s32 $0xFFFFE700  }
0x3f: {  	[spmem:s23] =	stream.linear.scatter [tilespmem:s1], [sflag:$0x4], $0x1900, $0x38;
	[tilespmem:$0x1EF00] =	vst v63  }
0x40: {  	_ =	swait.ge [sflag:s6], $0x1900  }
0x41: {  	[sflag:s6] =	ssyncset.done $0x0  }
0x42: {  	[sflag:s6] =	ssyncadd.s32 $0xFFFFE700  }
0x43: {  	[spmem:s25] =	stream.linear.scatter [tilespmem:s1], [sflag:$0x4], $0x1900, $0x38;
	[tilespmem:$0x1EF00] =	vst v63  }
0x44: {  	_ =	swait.ge [sflag:s6], $0x1900  }
0x45: {  	[sflag:s6] =	ssyncset.done $0x0  }
0x46: {  	[sflag:s6] =	ssyncadd.s32 $0xFFFFE700  }
0x47: {  	[bflag:$0x0] =	sbarrier.arrive $0xFFFF  }
0x48: {  	s20 =	rddreg [dreg:$0xe]  }
0x49: {  	[tilespmem:s9], [sflag:$0x4] =	stream.linear.gather [hbm4b:s20+s9], $0x2000, $0x38;
	[tilespmem:$0x1EF00] =	vst v63  }
0x4a: {  	_ =	swait.ge [sflag:s6], $0x2000  }
0x4b: {  	[sflag:s6] =	ssyncset.done $0x0  }
0x4c: {  	s13 =	simm.s32 $0x4000;
	s21 =	rddreg [dreg:$0xf];
	[sflag:s6] =	ssyncadd.s32 $0xFFFFE000  }
0x4d: {  	[tilespmem:s13], [sflag:$0x4] =	stream.linear.gather [hbm4b:s21+s9], $0x2000, $0x38;
	[tilespmem:$0x1EF00] =	vst v63  }
0x4e: {  	_ =	swait.ge [sflag:s6], $0x2000  }
0x4f: {  	s17 =	sadd.s32 $0x0, s10;
	[sflag:s6] =	ssyncset.done $0x0  }
0x50: {  	s24 =	simm.s32 $0x9900;
	s29 =	sadd.s32 $0x20, s17;
	[sflag:s6] =	ssyncadd.s32 $0xFFFFE000  }
0x51: {  	[tilespmem:s24], [sflag:$0x1] =	stream.indirect.gather [spmem:s2], $0x1, s9, s0, $0xb8;
	[tilespmem:$0x1EF00] =	vst v63  }
0x52: {  	s26 =	simm.s32 $0xB900;
	p1 =	sgt.u32 s29, $0x30C  }
0x53: {  	[tilespmem:s26], [sflag:$0x1] =	stream.indirect.gather [spmem:s3], $0x1, s9, s0, $0xb8;
	[tilespmem:$0x1EF00] =	vst v63  }
0x54: {  	s28 =	simm.s32 $0xD900;
	s12 =	sadd.s32 @!p1 $0x0, s19;
	s14 =	simm.s32 @!p1 $0x4  }
0x55: {  	[tilespmem:s28], [sflag:$0x1] =	stream.indirect.gather [spmem:s4], $0x1, s9, s0, $0xb8;
	[tilespmem:$0x1EF00] =	vst v63  }
0x56: {  	s15 =	simm.s32 @!p1 $0x0;
	s13 =	sadd.s32 @!p1 $0x8000, s12;
	s12 =	simm.s32 @!p1 $0x2000  }
0x57: {  	[tilespmem:s12], [sflag:$0x4] =	stream.linear.gather @!p1 [hbm4b:s13+s15], $0x2000, $0x38;
	[tilespmem:$0x1EF00] =	vst v63  }
0x58: {  	_ =	swait.ge @!p1 [sflag:s14], $0x2000;
	p1 =	por p1, p1  }
0x59: {  	[sflag:s14] =	ssyncset.done @!p1 $0x0;
	s13 =	sadd.s32 @!p1 $0x0, s18  }
0x5a: {  	[sflag:s14] =	ssyncadd.s32 @!p1 $0xFFFFE000;
	s16 =	sadd.s32 @!p1 $0x8000, s13;
	s13 =	simm.s32 @!p1 $0x6000  }
0x5b: {  	[tilespmem:s13], [sflag:$0x4] =	stream.linear.gather @!p1 [hbm4b:s16+s15], $0x2000, $0x38;
	[tilespmem:$0x1EF00] =	vst v63  }
0x5c: {  	_ =	swait.ge @!p1 [sflag:s14], $0x2000  }
0x5d: {  	[sflag:s14] =	ssyncset.done @!p1 $0x0  }
0x5e: {  	s20 =	rddreg [dreg:$0x9];
	[sflag:s14] =	ssyncadd.s32 @!p1 $0xFFFFE000;
	s14 =	simm.s32 @!p1 $0xF900  }
0x5f: {  	[tilespmem:s14], [sflag:$0x2] =	stream.indirect.gather @!p1 [spmem:s2], $0x1, s12, s12, $0xb8;
	[tilespmem:$0x1EF00] =	vst v63  }
0x60: {  	s15 =	simm.s32 @!p1 $0x11900;
	p2 =	sle.u32 s20, $0x0  }
0x61: {  	[tilespmem:s15], [sflag:$0x2] =	stream.indirect.gather @!p1 [spmem:s3], $0x1, s12, s12, $0xb8;
	[tilespmem:$0x1EF00] =	vst v63  }
0x62: {  	s16 =	simm.s32 @!p1 $0x13900;
	s20 =	simm.s32 @!p2 $0x1  }
0x63: {  	[tilespmem:s16], [sflag:$0x2] =	stream.indirect.gather @!p1 [spmem:s4], $0x1, s12, s12, $0xb8;
	[tilespmem:$0x1EF00] =	vst v63  }
0x64: {  	_ =	swait.ge @!p2 [sflag:s20], $0x2000  }
0x65: {  	[sflag:s20] =	ssyncset.done @!p2 $0x0  }
0x66: {  	[sflag:s20] =	ssyncadd.s32 @!p2 $0xFFFFE000  }
0x67: {  	_ =	swait.ge @!p2 [sflag:s20], $0x2000  }
0x68: {  	[sflag:s20] =	ssyncset.done @!p2 $0x0  }
0x69: {  	[sflag:s20] =	ssyncadd.s32 @!p2 $0xFFFFE000  }
0x6a: {  	_ =	swait.ge @!p2 [sflag:s20], $0x2000  }
0x6b: {  	s21 =	simm.s32 @!p2 $0x9900;
	[sflag:s20] =	ssyncset.done @!p2 $0x0  }
0x6c: {  	s24 =	simm.s32 @!p2 $0x4000;
	[sflag:s20] =	ssyncadd.s32 @!p2 $0xFFFFE000;
	s20 =	simm.s32 @!p2 $0x2000  }
0x6d: {  	[spmem:s5] =	stream.indirect.scatter.add.f32 @!p2 [tilespmem:s21], [sflag:$0x3], $0x1, s24, s20, $0xb8;
	[tilespmem:$0x1EF00] =	vst v63  }
0x6e: {  	s21 =	simm.s32 @!p2 $0xB900  }
0x6f: {  	[spmem:s7] =	stream.indirect.scatter.add.f32 @!p2 [tilespmem:s21], [sflag:$0x3], $0x1, s24, s20, $0xb8;
	[tilespmem:$0x1EF00] =	vst v63  }
0x70: {  	s21 =	simm.s32 @!p2 $0xD900  }
0x71: {  	[spmem:s8] =	stream.indirect.scatter.add.f32 @!p2 [tilespmem:s21], [sflag:$0x3], $0x1, s24, s20, $0xb8;
	[tilespmem:$0x1EF00] =	vst v63  }
0x72: {  	s20 =	simm.s32 @!p2 $0x3  }
0x73: {  	_ =	swait.ge @!p2 [sflag:s20], $0x2000  }
0x74: {  	[sflag:s20] =	ssyncset.done @!p2 $0x0  }
0x75: {  	[sflag:s20] =	ssyncadd.s32 @!p2 $0xFFFFE000  }
0x76: {  	_ =	swait.ge @!p2 [sflag:s20], $0x2000  }
0x77: {  	s17 =	sadd.s32 $0x40, s17;
	[sflag:s20] =	ssyncset.done @!p2 $0x0  }
0x78: {  	p3 =	sgt.u32 s17, $0x30C;
	[sflag:s20] =	ssyncadd.s32 @!p2 $0xFFFFE000  }
0x79: {  	s17 =	sadd.s32 @!p3 $0x0, s19;
	_ =	swait.ge @!p2 [sflag:s20], $0x2000  }
0x7a: {  	s17 =	sadd.s32 @!p3 $0x10000, s17;
	[sflag:s20] =	ssyncset.done @!p2 $0x0  }
0x7b: {  	s21 =	simm.s32 @!p3 $0x4;
	[sflag:s20] =	ssyncadd.s32 @!p2 $0xFFFFE000;
	s20 =	simm.s32 @!p3 $0x0  }
0x7c: {  	[tilespmem:s20], [sflag:$0x4] =	stream.linear.gather @!p3 [hbm4b:s17+s20], $0x2000, $0x38;
	[tilespmem:$0x1EF00] =	vst v63  }
0x7d: {  	_ =	swait.ge @!p3 [sflag:s21], $0x2000  }
0x7e: {  	s17 =	sadd.s32 @!p3 $0x0, s18;
	[sflag:s21] =	ssyncset.done @!p3 $0x0  }
0x7f: {  	s24 =	simm.s32 @!p3 $0x4000;
	s17 =	sadd.s32 @!p3 $0x10000, s17;
	[sflag:s21] =	ssyncadd.s32 @!p3 $0xFFFFE000  }
0x80: {  	[tilespmem:s24], [sflag:$0x4] =	stream.linear.gather @!p3 [hbm4b:s17+s20], $0x2000, $0x38;
	[tilespmem:$0x1EF00] =	vst v63  }
0x81: {  	_ =	swait.ge @!p3 [sflag:s21], $0x2000  }
0x82: {  	[sflag:s21] =	ssyncset.done @!p3 $0x0  }
0x83: {  	s17 =	simm.s32 @!p3 $0x2000;
	[sflag:s21] =	ssyncadd.s32 @!p3 $0xFFFFE000;
	s21 =	simm.s32 @!p3 $0x9900  }
0x84: {  	[tilespmem:s21], [sflag:$0x1] =	stream.indirect.gather @!p3 [spmem:s2], $0x1, s20, s17, $0xb8;
	[tilespmem:$0x1EF00] =	vst v63  }
0x85: {  	s21 =	simm.s32 @!p3 $0xB900  }
0x86: {  	[tilespmem:s21], [sflag:$0x1] =	stream.indirect.gather @!p3 [spmem:s3], $0x1, s20, s17, $0xb8;
	[tilespmem:$0x1EF00] =	vst v63  }
0x87: {  	s21 =	simm.s32 @!p3 $0xD900  }
0x88: {  	[tilespmem:s21], [sflag:$0x1] =	stream.indirect.gather @!p3 [spmem:s4], $0x1, s20, s17, $0xb8;
	[tilespmem:$0x1EF00] =	vst v63  }
0x89: {  	s17 =	simm.s32 @!p1 $0x2  }
0x8a: {  	_ =	swait.ge @!p1 [sflag:s17], $0x2000  }
0x8b: {  	[sflag:s17] =	ssyncset.done @!p1 $0x0  }
0x8c: {  	[sflag:s17] =	ssyncadd.s32 @!p1 $0xFFFFE000  }
0x8d: {  	_ =	swait.ge @!p1 [sflag:s17], $0x2000  }
0x8e: {  	[sflag:s17] =	ssyncset.done @!p1 $0x0  }
0x8f: {  	[sflag:s17] =	ssyncadd.s32 @!p1 $0xFFFFE000  }
0x90: {  	_ =	swait.ge @!p1 [sflag:s17], $0x2000  }
0x91: {  	[sflag:s17] =	ssyncset.done @!p1 $0x0  }
0x92: {  	[sflag:s17] =	ssyncadd.s32 @!p1 $0xFFFFE000  }
0x93: {  	[spmem:s5] =	stream.indirect.scatter.add.f32 @!p1 [tilespmem:s14], [sflag:$0x3], $0x1, s13, s12, $0xb8;
	[tilespmem:$0x1EF00] =	vst v63  }
0x94: {  	_ = 	snop  }
0x95: {  	[spmem:s7] =	stream.indirect.scatter.add.f32 @!p1 [tilespmem:s15], [sflag:$0x3], $0x1, s13, s12, $0xb8;
	[tilespmem:$0x1EF00] =	vst v63  }
0x96: {  	s20 =	simm.s32 @!p1 $0x3  }
0x97: {  	[spmem:s8] =	stream.indirect.scatter.add.f32 @!p1 [tilespmem:s16], [sflag:$0x3], $0x1, s13, s12, $0xb8;
	[tilespmem:$0x1EF00] =	vst v63  }
0x98: {  	_ =	swait.ge @!p1 [sflag:s20], $0x2000  }
0x99: {  	s30 =	sadd.s32 $0x40, s10;
	[sflag:s20] =	ssyncset.done @!p1 $0x0  }
0x9a: {  	s31 =	sadd.s32 $0x20, s30;
	[sflag:s20] =	ssyncadd.s32 @!p1 $0xFFFFE000  }
0x9b: {  	p3 =	sgt.u32 s31, $0x30C;
	_ =	swait.ge @!p1 [sflag:s20], $0x2000  }
0x9c: {  	s14 =	simm.s32 $0x20000;
	s15 =	sadd.s32 $0x40, s30;
	[sflag:s20] =	ssyncset.done @!p1 $0x0  }
0x9d: {  	s12 =	simm.s32 $0x10000;
	s13 =	simm.s32 $0x40;
	[sflag:s20] =	ssyncadd.s32 @!p1 $0xFFFFE000  }
.LBB2_2:
0x9e: {  	s16 =	sadd.s32 @!p3 s12, s19;
	_ =	swait.ge @!p1 [sflag:s20], $0x2000  }
0x9f: {  	s21 =	simm.s32 @!p3 $0x4;
	s24 =	simm.s32 @!p3 $0x0;
	[sflag:s20] =	ssyncset.done @!p1 $0x0  }
0xa0: {  	s17 =	sadd.s32 @!p3 $0x8000, s16;
	s16 =	simm.s32 @!p3 $0x2000;
	[sflag:s20] =	ssyncadd.s32 @!p1 $0xFFFFE000  }
0xa1: {  	[tilespmem:s16], [sflag:$0x4] =	stream.linear.gather @!p3 [hbm4b:s17+s24], $0x2000, $0x38;
	[tilespmem:$0x1EF00] =	vst v63  }
0xa2: {  	p1 =	por p3, p3;
	_ =	swait.ge @!p3 [sflag:s21], $0x2000  }
0xa3: {  	s17 =	sadd.s32 @!p1 s12, s18;
	[sflag:s21] =	ssyncset.done @!p1 $0x0  }
0xa4: {  	s20 =	sadd.s32 @!p1 $0x8000, s17;
	s17 =	simm.s32 @!p1 $0x6000;
	[sflag:s21] =	ssyncadd.s32 @!p1 $0xFFFFE000  }
0xa5: {  	[tilespmem:s17], [sflag:$0x4] =	stream.linear.gather @!p1 [hbm4b:s20+s24], $0x2000, $0x38;
	[tilespmem:$0x1EF00] =	vst v63  }
0xa6: {  	_ =	swait.ge @!p1 [sflag:s21], $0x2000  }
0xa7: {  	[sflag:s21] =	ssyncset.done @!p1 $0x0  }
0xa8: {  	s20 =	simm.s32 @!p1 $0xF900;
	s28 =	rddreg [dreg:$0x9];
	[sflag:s21] =	ssyncadd.s32 @!p1 $0xFFFFE000  }
0xa9: {  	[tilespmem:s20], [sflag:$0x2] =	stream.indirect.gather @!p1 [spmem:s2], $0x1, s16, s16, $0xb8;
	[tilespmem:$0x1EF00] =	vst v63  }
0xaa: {  	s21 =	simm.s32 @!p1 $0x11900;
	p3 =	sge.u32 s13, s28  }
0xab: {  	[tilespmem:s21], [sflag:$0x2] =	stream.indirect.gather @!p1 [spmem:s3], $0x1, s16, s16, $0xb8;
	[tilespmem:$0x1EF00] =	vst v63  }
0xac: {  	s24 =	simm.s32 @!p1 $0x13900;
	s28 =	simm.s32 @!p3 $0x1  }
0xad: {  	[tilespmem:s24], [sflag:$0x2] =	stream.indirect.gather @!p1 [spmem:s4], $0x1, s16, s16, $0xb8;
	[tilespmem:$0x1EF00] =	vst v63  }
0xae: {  	_ =	swait.ge @!p3 [sflag:s28], $0x2000  }
0xaf: {  	[sflag:s28] =	ssyncset.done @!p3 $0x0  }
0xb0: {  	[sflag:s28] =	ssyncadd.s32 @!p3 $0xFFFFE000  }
0xb1: {  	_ =	swait.ge @!p3 [sflag:s28], $0x2000  }
0xb2: {  	[sflag:s28] =	ssyncset.done @!p3 $0x0  }
0xb3: {  	[sflag:s28] =	ssyncadd.s32 @!p3 $0xFFFFE000  }
0xb4: {  	_ =	swait.ge @!p3 [sflag:s28], $0x2000  }
0xb5: {  	s29 =	simm.s32 @!p3 $0x9900;
	[sflag:s28] =	ssyncset.done @!p3 $0x0  }
0xb6: {  	s30 =	simm.s32 @!p3 $0x4000;
	[sflag:s28] =	ssyncadd.s32 @!p3 $0xFFFFE000;
	s28 =	simm.s32 @!p3 $0x2000  }
0xb7: {  	[spmem:s5] =	stream.indirect.scatter.add.f32 @!p3 [tilespmem:s29], [sflag:$0x3], $0x1, s30, s28, $0xb8;
	[tilespmem:$0x1EF00] =	vst v63  }
0xb8: {  	s29 =	simm.s32 @!p3 $0xB900  }
0xb9: {  	[spmem:s7] =	stream.indirect.scatter.add.f32 @!p3 [tilespmem:s29], [sflag:$0x3], $0x1, s30, s28, $0xb8;
	[tilespmem:$0x1EF00] =	vst v63  }
0xba: {  	s31 =	simm.s32 @!p3 $0x3;
	s29 =	simm.s32 @!p3 $0xD900  }
0xbb: {  	[spmem:s8] =	stream.indirect.scatter.add.f32 @!p3 [tilespmem:s29], [sflag:$0x3], $0x1, s30, s28, $0xb8;
	[tilespmem:$0x1EF00] =	vst v63  }
0xbc: {  	_ =	swait.ge @!p3 [sflag:s31], $0x2000  }
0xbd: {  	[sflag:s31] =	ssyncset.done @!p3 $0x0  }
0xbe: {  	[sflag:s31] =	ssyncadd.s32 @!p3 $0xFFFFE000  }
0xbf: {  	_ =	swait.ge @!p3 [sflag:s31], $0x2000  }
0xc0: {  	[sflag:s31] =	ssyncset.done @!p3 $0x0  }
0xc1: {  	p4 =	sgt.u32 s15, $0x30C;
	[sflag:s31] =	ssyncadd.s32 @!p3 $0xFFFFE000  }
0xc2: {  	s15 =	sadd.s32 @!p4 s12, s19;
	_ =	swait.ge @!p3 [sflag:s31], $0x2000  }
0xc3: {  	s15 =	sadd.s32 @!p4 $0x10000, s15;
	[sflag:s31] =	ssyncset.done @!p3 $0x0  }
0xc4: {  	s28 =	simm.s32 @!p4 $0x4;
	s29 =	simm.s32 @!p4 $0x0;
	[sflag:s31] =	ssyncadd.s32 @!p3 $0xFFFFE000  }
0xc5: {  	[tilespmem:s29], [sflag:$0x4] =	stream.linear.gather @!p4 [hbm4b:s15+s29], $0x2000, $0x38;
	[tilespmem:$0x1EF00] =	vst v63  }
0xc6: {  	s26 =	smov.u32 s14;
	_ =	swait.ge @!p4 [sflag:s28], $0x2000  }
0xc7: {  	s15 =	sadd.s32 @!p4 s12, s18;
	s12 =	smov.u32 s26;
	[sflag:s28] =	ssyncset.done @!p4 $0x0  }
0xc8: {  	s26 =	simm.s32 @!p4 $0x4000;
	s15 =	sadd.s32 @!p4 $0x10000, s15;
	[sflag:s28] =	ssyncadd.s32 @!p4 $0xFFFFE000  }
0xc9: {  	[tilespmem:s26], [sflag:$0x4] =	stream.linear.gather @!p4 [hbm4b:s15+s29], $0x2000, $0x38;
	[tilespmem:$0x1EF00] =	vst v63  }
0xca: {  	_ =	swait.ge @!p4 [sflag:s28], $0x2000  }
0xcb: {  	[sflag:s28] =	ssyncset.done @!p4 $0x0  }
0xcc: {  	s15 =	simm.s32 @!p4 $0x2000;
	s26 =	simm.s32 @!p4 $0x9900;
	[sflag:s28] =	ssyncadd.s32 @!p4 $0xFFFFE000  }
0xcd: {  	[tilespmem:s26], [sflag:$0x1] =	stream.indirect.gather @!p4 [spmem:s2], $0x1, s29, s15, $0xb8;
	[tilespmem:$0x1EF00] =	vst v63  }
0xce: {  	s26 =	simm.s32 @!p4 $0xB900  }
0xcf: {  	[tilespmem:s26], [sflag:$0x1] =	stream.indirect.gather @!p4 [spmem:s3], $0x1, s29, s15, $0xb8;
	[tilespmem:$0x1EF00] =	vst v63  }
0xd0: {  	s28 =	simm.s32 @!p1 $0x2;
	s26 =	simm.s32 @!p4 $0xD900  }
0xd1: {  	[tilespmem:s26], [sflag:$0x1] =	stream.indirect.gather @!p4 [spmem:s4], $0x1, s29, s15, $0xb8;
	[tilespmem:$0x1EF00] =	vst v63  }
0xd2: {  	_ =	swait.ge @!p1 [sflag:s28], $0x2000  }
0xd3: {  	[sflag:s28] =	ssyncset.done @!p1 $0x0  }
0xd4: {  	[sflag:s28] =	ssyncadd.s32 @!p1 $0xFFFFE000  }
0xd5: {  	_ =	swait.ge @!p1 [sflag:s28], $0x2000  }
0xd6: {  	[sflag:s28] =	ssyncset.done @!p1 $0x0  }
0xd7: {  	[sflag:s28] =	ssyncadd.s32 @!p1 $0xFFFFE000  }
0xd8: {  	_ =	swait.ge @!p1 [sflag:s28], $0x2000  }
0xd9: {  	[sflag:s28] =	ssyncset.done @!p1 $0x0  }
0xda: {  	[sflag:s28] =	ssyncadd.s32 @!p1 $0xFFFFE000  }
0xdb: {  	[spmem:s5] =	stream.indirect.scatter.add.f32 @!p1 [tilespmem:s20], [sflag:$0x3], $0x1, s17, s16, $0xb8;
	[tilespmem:$0x1EF00] =	vst v63  }
0xdc: {  	_ = 	snop  }
0xdd: {  	[spmem:s7] =	stream.indirect.scatter.add.f32 @!p1 [tilespmem:s21], [sflag:$0x3], $0x1, s17, s16, $0xb8;
	[tilespmem:$0x1EF00] =	vst v63  }
0xde: {  	s14 =	sadd.s32 $0x10000, s14;
	s20 =	simm.s32 @!p1 $0x3  }
0xdf: {  	[spmem:s8] =	stream.indirect.scatter.add.f32 @!p1 [tilespmem:s24], [sflag:$0x3], $0x1, s17, s16, $0xb8;
	[tilespmem:$0x1EF00] =	vst v63  }
0xe0: {  	p2 =	sne.s32 s14, $0xD0000;
	_ =	swait.ge @!p1 [sflag:s20], $0x2000  }
.Ltmp0:
0xe1: {  	[sflag:s20] =	ssyncset.done @!p1 $0x0;
	(pc) =	sbr.rel @p2 .LBB2_2-.Ltmp0, $4  }
0xe2: {  	s13 =	sadd.s32 $0x40, s13;
	[sflag:s20] =	ssyncadd.s32 @!p1 $0xFFFFE000  }
0xe3: {  	s30 =	sadd.s32 s13, s10;
	_ =	swait.ge @!p1 [sflag:s20], $0x2000  }
0xe4: {  	s31 =	sadd.s32 $0x20, s30;
	[sflag:s20] =	ssyncset.done @!p1 $0x0  }
0xe5: {  	p3 =	sgt.u32 s31, $0x30C;
	s15 =	sadd.s32 $0x40, s30;
	[sflag:s20] =	ssyncadd.s32 @!p1 $0xFFFFE000  }
0xe6: {  	s14 =	sadd.s32 @!p3 s12, s19;
	_ =	swait.ge @!p1 [sflag:s20], $0x2000  }
0xe7: {  	s17 =	simm.s32 @!p3 $0x4;
	s21 =	simm.s32 @!p3 $0x0;
	[sflag:s20] =	ssyncset.done @!p1 $0x0  }
0xe8: {  	s16 =	sadd.s32 @!p3 $0x8000, s14;
	s14 =	simm.s32 @!p3 $0x2000;
	[sflag:s20] =	ssyncadd.s32 @!p1 $0xFFFFE000  }
0xe9: {  	[tilespmem:s14], [sflag:$0x4] =	stream.linear.gather @!p3 [hbm4b:s16+s21], $0x2000, $0x38;
	[tilespmem:$0x1EF00] =	vst v63  }
0xea: {  	p1 =	por p3, p3;
	_ =	swait.ge @!p3 [sflag:s17], $0x2000  }
0xeb: {  	s16 =	sadd.s32 @!p1 s12, s18;
	[sflag:s17] =	ssyncset.done @!p1 $0x0  }
0xec: {  	s20 =	sadd.s32 @!p1 $0x8000, s16;
	s16 =	simm.s32 @!p1 $0x6000;
	[sflag:s17] =	ssyncadd.s32 @!p1 $0xFFFFE000  }
0xed: {  	[tilespmem:s16], [sflag:$0x4] =	stream.linear.gather @!p1 [hbm4b:s20+s21], $0x2000, $0x38;
	[tilespmem:$0x1EF00] =	vst v63  }
0xee: {  	_ =	swait.ge @!p1 [sflag:s17], $0x2000  }
0xef: {  	[sflag:s17] =	ssyncset.done @!p1 $0x0  }
0xf0: {  	s24 =	rddreg [dreg:$0x9];
	[sflag:s17] =	ssyncadd.s32 @!p1 $0xFFFFE000;
	s17 =	simm.s32 @!p1 $0xF900  }
0xf1: {  	[tilespmem:s17], [sflag:$0x2] =	stream.indirect.gather @!p1 [spmem:s2], $0x1, s14, s14, $0xb8;
	[tilespmem:$0x1EF00] =	vst v63  }
0xf2: {  	s20 =	simm.s32 @!p1 $0x11900;
	p2 =	sge.u32 s13, s24  }
0xf3: {  	[tilespmem:s20], [sflag:$0x2] =	stream.indirect.gather @!p1 [spmem:s3], $0x1, s14, s14, $0xb8;
	[tilespmem:$0x1EF00] =	vst v63  }
0xf4: {  	s21 =	simm.s32 @!p1 $0x13900;
	s13 =	simm.s32 @!p2 $0x1  }
0xf5: {  	[tilespmem:s21], [sflag:$0x2] =	stream.indirect.gather @!p1 [spmem:s4], $0x1, s14, s14, $0xb8;
	[tilespmem:$0x1EF00] =	vst v63  }
0xf6: {  	_ =	swait.ge @!p2 [sflag:s13], $0x2000  }
0xf7: {  	[sflag:s13] =	ssyncset.done @!p2 $0x0  }
0xf8: {  	[sflag:s13] =	ssyncadd.s32 @!p2 $0xFFFFE000  }
0xf9: {  	_ =	swait.ge @!p2 [sflag:s13], $0x2000  }
0xfa: {  	[sflag:s13] =	ssyncset.done @!p2 $0x0  }
0xfb: {  	[sflag:s13] =	ssyncadd.s32 @!p2 $0xFFFFE000  }
0xfc: {  	_ =	swait.ge @!p2 [sflag:s13], $0x2000  }
0xfd: {  	s24 =	simm.s32 @!p2 $0x9900;
	[sflag:s13] =	ssyncset.done @!p2 $0x0  }
0xfe: {  	s26 =	simm.s32 @!p2 $0x4000;
	[sflag:s13] =	ssyncadd.s32 @!p2 $0xFFFFE000;
	s13 =	simm.s32 @!p2 $0x2000  }
0xff: {  	[spmem:s5] =	stream.indirect.scatter.add.f32 @!p2 [tilespmem:s24], [sflag:$0x3], $0x1, s26, s13, $0xb8;
	[tilespmem:$0x1EF00] =	vst v63  }
0x100: {  	s24 =	simm.s32 @!p2 $0xB900  }
0x101: {  	[spmem:s7] =	stream.indirect.scatter.add.f32 @!p2 [tilespmem:s24], [sflag:$0x3], $0x1, s26, s13, $0xb8;
	[tilespmem:$0x1EF00] =	vst v63  }
0x102: {  	s24 =	simm.s32 @!p2 $0xD900  }
0x103: {  	[spmem:s8] =	stream.indirect.scatter.add.f32 @!p2 [tilespmem:s24], [sflag:$0x3], $0x1, s26, s13, $0xb8;
	[tilespmem:$0x1EF00] =	vst v63  }
0x104: {  	s13 =	simm.s32 @!p2 $0x3  }
0x105: {  	_ =	swait.ge @!p2 [sflag:s13], $0x2000  }
0x106: {  	[sflag:s13] =	ssyncset.done @!p2 $0x0  }
0x107: {  	[sflag:s13] =	ssyncadd.s32 @!p2 $0xFFFFE000  }
0x108: {  	_ =	swait.ge @!p2 [sflag:s13], $0x2000  }
0x109: {  	[sflag:s13] =	ssyncset.done @!p2 $0x0  }
0x10a: {  	[sflag:s13] =	ssyncadd.s32 @!p2 $0xFFFFE000  }
0x10b: {  	p3 =	sgt.u32 s15, $0x30C;
	_ =	swait.ge @!p2 [sflag:s13], $0x2000  }
0x10c: {  	s15 =	sadd.s32 @!p3 s12, s19;
	s24 =	simm.s32 @!p3 $0x4;
	[sflag:s13] =	ssyncset.done @!p2 $0x0  }
0x10d: {  	[sflag:s13] =	ssyncadd.s32 @!p2 $0xFFFFE000;
	s13 =	sadd.s32 @!p3 $0x10000, s15;
	s15 =	simm.s32 @!p3 $0x0  }
0x10e: {  	[tilespmem:s15], [sflag:$0x4] =	stream.linear.gather @!p3 [hbm4b:s13+s15], $0x2000, $0x38;
	[tilespmem:$0x1EF00] =	vst v63  }
0x10f: {  	_ =	swait.ge @!p3 [sflag:s24], $0x2000  }
0x110: {  	s12 =	sadd.s32 @!p3 s12, s18;
	[sflag:s24] =	ssyncset.done @!p3 $0x0  }
0x111: {  	s12 =	sadd.s32 @!p3 $0x10000, s12;
	s13 =	simm.s32 @!p3 $0x4000;
	[sflag:s24] =	ssyncadd.s32 @!p3 $0xFFFFE000  }
0x112: {  	[tilespmem:s13], [sflag:$0x4] =	stream.linear.gather @!p3 [hbm4b:s12+s15], $0x2000, $0x38;
	[tilespmem:$0x1EF00] =	vst v63  }
0x113: {  	_ =	swait.ge @!p3 [sflag:s24], $0x2000  }
0x114: {  	[sflag:s24] =	ssyncset.done @!p3 $0x0  }
0x115: {  	s12 =	simm.s32 @!p3 $0x2000;
	s13 =	simm.s32 @!p3 $0x9900;
	[sflag:s24] =	ssyncadd.s32 @!p3 $0xFFFFE000  }
0x116: {  	[tilespmem:s13], [sflag:$0x1] =	stream.indirect.gather @!p3 [spmem:s2], $0x1, s15, s12, $0xb8;
	[tilespmem:$0x1EF00] =	vst v63  }
0x117: {  	s13 =	simm.s32 @!p3 $0xB900  }
0x118: {  	[tilespmem:s13], [sflag:$0x1] =	stream.indirect.gather @!p3 [spmem:s3], $0x1, s15, s12, $0xb8;
	[tilespmem:$0x1EF00] =	vst v63  }
0x119: {  	s13 =	simm.s32 @!p3 $0xD900  }
0x11a: {  	[tilespmem:s13], [sflag:$0x1] =	stream.indirect.gather @!p3 [spmem:s4], $0x1, s15, s12, $0xb8;
	[tilespmem:$0x1EF00] =	vst v63  }
0x11b: {  	s12 =	simm.s32 @!p1 $0x2  }
0x11c: {  	_ =	swait.ge @!p1 [sflag:s12], $0x2000  }
0x11d: {  	[sflag:s12] =	ssyncset.done @!p1 $0x0  }
0x11e: {  	[sflag:s12] =	ssyncadd.s32 @!p1 $0xFFFFE000  }
0x11f: {  	_ =	swait.ge @!p1 [sflag:s12], $0x2000  }
0x120: {  	[sflag:s12] =	ssyncset.done @!p1 $0x0  }
0x121: {  	[sflag:s12] =	ssyncadd.s32 @!p1 $0xFFFFE000  }
0x122: {  	_ =	swait.ge @!p1 [sflag:s12], $0x2000  }
0x123: {  	[sflag:s12] =	ssyncset.done @!p1 $0x0  }
0x124: {  	[sflag:s12] =	ssyncadd.s32 @!p1 $0xFFFFE000  }
0x125: {  	[spmem:s5] =	stream.indirect.scatter.add.f32 @!p1 [tilespmem:s17], [sflag:$0x3], $0x1, s16, s14, $0xb8;
	[tilespmem:$0x1EF00] =	vst v63  }
0x126: {  	_ = 	snop  }
0x127: {  	[spmem:s7] =	stream.indirect.scatter.add.f32 @!p1 [tilespmem:s20], [sflag:$0x3], $0x1, s16, s14, $0xb8;
	[tilespmem:$0x1EF00] =	vst v63  }
0x128: {  	s12 =	simm.s32 @!p1 $0x3  }
0x129: {  	[spmem:s8] =	stream.indirect.scatter.add.f32 @!p1 [tilespmem:s21], [sflag:$0x3], $0x1, s16, s14, $0xb8;
	[tilespmem:$0x1EF00] =	vst v63  }
0x12a: {  	_ =	swait.ge @!p1 [sflag:s12], $0x2000  }
0x12b: {  	[sflag:s12] =	ssyncset.done @!p1 $0x0  }
0x12c: {  	[sflag:s12] =	ssyncadd.s32 @!p1 $0xFFFFE000  }
0x12d: {  	_ =	swait.ge @!p1 [sflag:s12], $0x2000  }
0x12e: {  	[sflag:s12] =	ssyncset.done @!p1 $0x0  }
0x12f: {  	[sflag:s12] =	ssyncadd.s32 @!p1 $0xFFFFE000  }
0x130: {  	_ =	swait.ge @!p1 [sflag:s12], $0x2000  }
0x131: {  	[sflag:s12] =	ssyncset.done @!p1 $0x0  }
0x132: {  	[sflag:s12] =	ssyncadd.s32 @!p1 $0xFFFFE000  }
0x133: {  	s13 =	simm.s32 @!p0 $0x4;
	s12 =	simm.s32 @!p0 $0x0;
	s15 =	rddreg [dreg:$0x1]  }
0x134: {  	[tilespmem:s12], [sflag:$0x4] =	stream.linear.gather @!p0 [hbm4b:s15+s12], $0x2000, $0x38;
	[tilespmem:$0x1EF00] =	vst v63  }
0x135: {  	_ =	swait.ge @!p0 [sflag:s13], $0x2000  }
0x136: {  	[sflag:s13] =	ssyncset.done @!p0 $0x0  }
0x137: {  	s14 =	simm.s32 @!p0 $0x4000;
	[sflag:s13] =	ssyncadd.s32 @!p0 $0xFFFFE000  }
0x138: {  	[tilespmem:s14], [sflag:$0x4] =	stream.linear.gather @!p0 [hbm4b:s15+s12], $0x2000, $0x38;
	[tilespmem:$0x1EF00] =	vst v63  }
0x139: {  	_ =	swait.ge @!p0 [sflag:s13], $0x2000  }
0x13a: {  	[sflag:s13] =	ssyncset.done @!p0 $0x0  }
0x13b: {  	s15 =	rddreg [dreg:$0x13];
	[sflag:s13] =	ssyncadd.s32 @!p0 $0xFFFFE000  }
0x13c: {  	[tilespmem:s12], [sflag:$0x4] =	stream.linear.gather @!p0 [hbm4b:s15+s12], $0x800, $0x38;
	[tilespmem:$0x1EF00] =	vst v63  }
0x13d: {  	_ =	swait.ge @!p0 [sflag:s13], $0x800  }
0x13e: {  	[sflag:s13] =	ssyncset.done @!p0 $0x0  }
0x13f: {  	s15 =	rddreg [dreg:$0x14];
	[sflag:s13] =	ssyncadd.s32 @!p0 $0xFFFFF800  }
0x140: {  	[tilespmem:s14], [sflag:$0x4] =	stream.linear.gather @!p0 [hbm4b:s15+s12], $0x800, $0x38;
	[tilespmem:$0x1EF00] =	vst v63  }
0x141: {  	_ =	swait.ge @!p0 [sflag:s13], $0x800  }
0x142: {  	s17 =	simm.s32 @!p0 $0x1;
	[sflag:s13] =	ssyncset.done @!p0 $0x0  }
0x143: {  	s16 =	simm.s32 @!p0 $0x9900;
	s15 =	simm.s32 @!p0 $0x2000;
	[sflag:s13] =	ssyncadd.s32 @!p0 $0xFFFFF800  }
0x144: {  	[tilespmem:s16], [sflag:$0x1] =	stream.indirect.gather @!p0 [spmem:s2], $0x1, s12, s15, $0xb8;
	[tilespmem:$0x1EF00] =	vst v63  }
0x145: {  	_ =	swait.ge @!p0 [sflag:s17], $0x2000  }
0x146: {  	[sflag:s17] =	ssyncset.done @!p0 $0x0  }
0x147: {  	s20 =	simm.s32 @!p0 $0xB900;
	[sflag:s17] =	ssyncadd.s32 @!p0 $0xFFFFE000  }
0x148: {  	[tilespmem:s20], [sflag:$0x1] =	stream.indirect.gather @!p0 [spmem:s3], $0x1, s12, s15, $0xb8;
	[tilespmem:$0x1EF00] =	vst v63  }
0x149: {  	_ =	swait.ge @!p0 [sflag:s17], $0x2000  }
0x14a: {  	[sflag:s17] =	ssyncset.done @!p0 $0x0  }
0x14b: {  	s21 =	simm.s32 @!p0 $0xD900;
	[sflag:s17] =	ssyncadd.s32 @!p0 $0xFFFFE000  }
0x14c: {  	[tilespmem:s21], [sflag:$0x1] =	stream.indirect.gather @!p0 [spmem:s4], $0x1, s12, s15, $0xb8;
	[tilespmem:$0x1EF00] =	vst v63  }
0x14d: {  	_ =	swait.ge @!p0 [sflag:s17], $0x2000  }
0x14e: {  	[sflag:s17] =	ssyncset.done @!p0 $0x0  }
0x14f: {  	[sflag:s17] =	ssyncadd.s32 @!p0 $0xFFFFE000  }
0x150: {  	[spmem:s5] =	stream.indirect.scatter.add.f32 @!p0 [tilespmem:s16], [sflag:$0x4], $0x1, s14, s15, $0xb8;
	[tilespmem:$0x1EF00] =	vst v63  }
0x151: {  	_ =	swait.ge @!p0 [sflag:s13], $0x2000  }
0x152: {  	[sflag:s13] =	ssyncset.done @!p0 $0x0  }
0x153: {  	[sflag:s13] =	ssyncadd.s32 @!p0 $0xFFFFE000  }
0x154: {  	[spmem:s7] =	stream.indirect.scatter.add.f32 @!p0 [tilespmem:s20], [sflag:$0x4], $0x1, s14, s15, $0xb8;
	[tilespmem:$0x1EF00] =	vst v63  }
0x155: {  	_ =	swait.ge @!p0 [sflag:s13], $0x2000  }
0x156: {  	[sflag:s13] =	ssyncset.done @!p0 $0x0  }
0x157: {  	[sflag:s13] =	ssyncadd.s32 @!p0 $0xFFFFE000  }
0x158: {  	[spmem:s8] =	stream.indirect.scatter.add.f32 @!p0 [tilespmem:s21], [sflag:$0x4], $0x1, s14, s15, $0xb8;
	[tilespmem:$0x1EF00] =	vst v63  }
0x159: {  	_ =	swait.ge @!p0 [sflag:s13], $0x2000  }
0x15a: {  	[sflag:s13] =	ssyncset.done @!p0 $0x0  }
0x15b: {  	[sflag:s13] =	ssyncadd.s32 @!p0 $0xFFFFE000  }
0x15c: {  	[bflag:$0x0] =	sbarrier.arrive $0xFFFF  }
0x15d: {  	[tilespmem:s1], [sflag:$0x4] =	stream.linear.gather [spmem:s22], $0x1900, $0x38;
	[tilespmem:$0x1EF00] =	vst v63  }
0x15e: {  	_ =	swait.ge [sflag:s6], $0x1900  }
0x15f: {  	[sflag:s6] =	ssyncset.done $0x0  }
0x160: {  	s28 =	rddreg [dreg:$0x15];
	[sflag:s6] =	ssyncadd.s32 $0xFFFFE700  }
0x161: {  	[hbm4b:s28+s9] =	stream.linear.scatter [tilespmem:s1], [sflag:$0x4], $0x1900, $0x38;
	[tilespmem:$0x1EF00] =	vst v63  }
0x162: {  	_ =	swait.ge [sflag:s6], $0x1900  }
0x163: {  	[sflag:s6] =	ssyncset.done $0x0  }
0x164: {  	[sflag:s6] =	ssyncadd.s32 $0xFFFFE700  }
0x165: {  	[tilespmem:s1], [sflag:$0x4] =	stream.linear.gather [spmem:s23], $0x1900, $0x38;
	[tilespmem:$0x1EF00] =	vst v63  }
0x166: {  	_ =	swait.ge [sflag:s6], $0x1900  }
0x167: {  	[sflag:s6] =	ssyncset.done $0x0  }
0x168: {  	s29 =	rddreg [dreg:$0x16];
	[sflag:s6] =	ssyncadd.s32 $0xFFFFE700  }
0x169: {  	[hbm4b:s29+s9] =	stream.linear.scatter [tilespmem:s1], [sflag:$0x4], $0x1900, $0x38;
	[tilespmem:$0x1EF00] =	vst v63  }
0x16a: {  	_ =	swait.ge [sflag:s6], $0x1900  }
0x16b: {  	[sflag:s6] =	ssyncset.done $0x0  }
0x16c: {  	[sflag:s6] =	ssyncadd.s32 $0xFFFFE700  }
0x16d: {  	[tilespmem:s1], [sflag:$0x4] =	stream.linear.gather [spmem:s25], $0x1900, $0x38;
	[tilespmem:$0x1EF00] =	vst v63  }
0x16e: {  	_ =	swait.ge [sflag:s6], $0x1900  }
0x16f: {  	[sflag:s6] =	ssyncset.done $0x0  }
0x170: {  	s30 =	rddreg [dreg:$0x17];
	[sflag:s6] =	ssyncadd.s32 $0xFFFFE700  }
0x171: {  	[hbm4b:s30+s9] =	stream.linear.scatter [tilespmem:s1], [sflag:$0x4], $0x1900, $0x38;
	[tilespmem:$0x1EF00] =	vst v63  }
0x172: {  	_ =	swait.ge [sflag:s6], $0x1900  }
0x173: {  	s11 =	sadd.s32 $0x1, s11;
	s31 =	rddreg [dreg:$0x18]  }
0x174: {  	p1 =	sne.s32 s11, s31  }
.Ltmp1:
0x175: {  	_ = 	snop;
	(pc) =	sbr.rel @p1 .LBB2_1-.Ltmp1, $3  }
0x176: {  	_ =	sdelay $0x1  }
0x177: {  	[sflag:s6] =	ssyncset.done $0x0  }
0x178: {  	[sflag:s6] =	ssyncadd.s32 $0xFFFFE700  }
0x179: {  	_ =	sfence.sel $0x180000  }
0x17a: {  	[bflag:$0x0] =	sbarrier.arrive $0xFFFF  }
0x17b: {  	_ =	strace $0x9000004A  }
0x17c: {  	s0 =	stileid.u32;
	[bflag:$0x2] =	sbarrier.arrive $0xFFFF  }
0x17d: {  	p0 =	sne.s32 s0, $0x0;
	s0 =	rddreg [dreg:$0x8]  }
0x17e: {  	s0 =	sadd.s32 @!p0 $0x100000, s0  }
0x17f: {  	[sflag:s0] =	ssyncadd.tile.s32 @!p0 $0x1;
	_ =	shalt  }
.Lfunc_end2:
_tile_overlayer_lowered:
.L_overlay_start_2:
0x180: {  	(tag) =	ssettag $0x2  }
0x181: {  	s0 =	rddreg [dreg:$0x0];
	s2 =	stileid.u32  }
0x182: {  	s1 =	rddreg [dreg:$0x1];
	p0 =	sne.s32 s2, $0x0  }
0x183: {  	s3 =	rddreg [dreg:$0x2];
	[bflag:$0x3] =	sbarrier.arrive $0xFFFF;
	s2 =	simm.s32 @!p0 $0x1C04  }
0x184: {  	[timem:s3], [sflag:s2] =	dma.local @!p0 [hbm:s0], s1  }
0x185: {  	s0 =	simm.s32 @!p0 $0x4  }
0x186: {  	_ =	swait.ge @!p0 [sflag:s0], s1  }
0x187: {  	s1 =	ssub.s32 @!p0 $0x0, s1;
	[sflag:s0] =	ssyncset.done @!p0 $0x0  }
0x188: {  	[sflag:s0] =	ssyncadd.s32 @!p0 s1  }
0x189: {  	[bflag:$0x3] =	sbarrier.arrive $0xFFFF  }
0x18a: {  	_ =	shalt  }

// kernel: kernel.14.cloned.1.call-start
scs
__scs_entry_jumppad:
0x0: {  	(pc) =	sbr.rel $0x88, $3  }
0x1: {  	(tag) =	ssettag $0x0;
	lr =	simm.s32 $0x1  }
0x2: {  	[smem:$0x3F9B] =	sst lr;
	_ =	strace $0xD0000000  }
0x3: {  	_ = 	snop  }
0x4: {  	_ = 	snop  }
0x5: {  	_ = 	snop  }
0x6: {  	_ = 	snop  }
0x7: {  	_ = 	snop  }
__scs_overlays_trampoline_lowered:
0x8: {  	[smem:$0x3FAA] =	sst s0  }
0x9: {  	[smem:$0x3FAB] =	sst s1  }
0xa: {  	[smem:$0x3FAC] =	sst s2  }
0xb: {  	[smem:$0x3FAD] =	sst s3  }
0xc: {  	[smem:$0x3FAE] =	sst s4  }
0xd: {  	[smem:$0x3FAF] =	sst s5  }
0xe: {  	[smem:$0x3FB0] =	sst s6  }
0xf: {  	[smem:$0x3FB1] =	sst s7  }
0x10: {  	[smem:$0x3FB2] =	sst s8  }
0x11: {  	[smem:$0x3FB3] =	sst s9;
	s0 =	simm.s32 @!p0 $0x0  }
0x12: {  	s1 =	sld [smem:$0x3F99];
	s0 =	simm.s32 @p0 $0x1  }
0x13: {  	[smem:$0x3FB4] =	sst s0;
	s0 =	simm.s32 @!p1 $0x0  }
0x14: {  	s2 =	sld [smem:$0x3F98];
	s0 =	simm.s32 @p1 $0x1  }
0x15: {  	[smem:$0x3FB5] =	sst s0;
	s0 =	simm.s32 @!p2 $0x0  }
0x16: {  	s3 =	sld [smem:$0x3FDB];
	s0 =	simm.s32 @p2 $0x1  }
0x17: {  	s4 =	simm.s32 $0x1BF5;
	[smem:$0x3FB7] =	sst s0  }
0x18: {  	s0 =	sld [smem:$0x3F9A];
	_ =	swait.ge [sflag:s4], $0x0  }
0x19: {  	s7 =	sld [smem:$0x3F9B]  }
0x1a: {  	s8 =	sadd.s32 $0xFFFFE003, lr  }
0x1b: {  	s9 =	sadd.s32 $0xFFFFFEF7, lr;
	s5 =	simm.s32 $0xFFFFFFFF;
	p2 =	slt.u32 s8, $0xFFFFF086  }
0x1c: {  	p1 =	slt.u32 s9, $0xF7A;
	s5 =	simm.s32 @!p2 $0x0  }
0x1d: {  	s5 =	simm.s32 @p1 $0x1;
	p0 =	seq.s32 s7, s2  }
0x1e: {  	s7 =	smul.u32 @!p0 $0xF7A, s2;
	p2 =	seq.s32 @!p0 s5, $0x0  }
0x1f: {  	s9 =	smul.u32 $0xF7A, s1;
	s8 =	simm.s32 @!p0 $0x1BF5;
	p2 =	por !p2, p0  }
0x20: {  	[sflag:s8] =	ssyncset.s32 @!p0 $0xFFFFF086;
	s6 =	sadd.s32 @!p0 s3, s7;
	s7 =	simm.s32 @!p0 $0x108  }
0x21: {  	s3 =	sadd.s32 s3, s9;
	s6 =	sadd.s32 @!p0 $0x88, s6;
	s7 =	simm.s32 @p2 $0x1082  }
0x22: {  	[simem:s7], [sflag:s8] =	dma.local @!p0 [hbm:s6], $0xF7A  }
0x23: {  	s9 =	sor.u32 $0xD0000000, s2;
	s6 =	simm.s32 $0x108;
	_ =	swait.ge @!p0 [sflag:s8], $0x0  }
0x24: {  	s3 =	sadd.s32 $0x88, s3;
	s6 =	simm.s32 @!p1 $0x1082;
	[sflag:s4] =	ssyncset.s32 $0xFFFFF086  }
0x25: {  	[simem:s6], [sflag:s4] =	dma.local [hbm:s3], $0xF7A  }
0x26: {  	[smem:$0x3F9B] =	sst s1;
	(tag) =	ssettag s2;
	_ =	strace s9  }
0x27: {  	s1 =	sld [smem:$0x3FAB]  }
0x28: {  	s2 =	sld [smem:$0x3FAC]  }
0x29: {  	s4 =	sld [smem:$0x3FAE]  }
0x2a: {  	p0 =	seq.s32 s5, $0x0;
	s5 =	sld [smem:$0x3FAF]  }
0x2b: {  	s6 =	sld [smem:$0x3FB0]  }
0x2c: {  	s7 =	sld [smem:$0x3FB1]  }
0x2d: {  	s3 =	simm.s32 $0x108;
	s8 =	sld [smem:$0x3FB2]  }
0x2e: {  	s3 =	simm.s32 @!p0 $0x1082;
	s9 =	sld [smem:$0x3FB3]  }
0x2f: {  	lr =	sadd.s32 s0, s3;
	s0 =	sld [smem:$0x3FAA]  }
0x30: {  	s3 =	sld [smem:$0x3FAD]  }
0x31: {  	[smem:$0x3FB6] =	sst s10  }
0x32: {  	s10 =	sld [smem:$0x3FB4];
	_ =	sdelay $0x3  }
0x33: {  	p0 =	seq.s32 s10, $0x1;
	s10 =	sld [smem:$0x3FB6];
	_ =	sdelay $0x3  }
0x34: {  	[smem:$0x3FB6] =	sst s10  }
0x35: {  	s10 =	sld [smem:$0x3FB5];
	_ =	sdelay $0x3  }
0x36: {  	p1 =	seq.s32 s10, $0x1;
	s10 =	sld [smem:$0x3FB6];
	_ =	sdelay $0x3  }
0x37: {  	[smem:$0x3FB6] =	sst s10  }
0x38: {  	s10 =	sld [smem:$0x3FB7]  }
0x39: {  	_ = 	snop;
	(pc) =	sbr.ind lr, $3  }
0x3a: {  	_ = 	snop  }
0x3b: {  	_ = 	snop  }
0x3c: {  	p2 =	seq.s32 s10, $0x1;
	s10 =	sld [smem:$0x3FB6]  }
0x3d: {  	_ =	shalt  }
0x3e: {  	_ =	shalt  }
0x3f: {  	_ =	shalt  }
0x40: {  	_ =	shalt  }
0x41: {  	_ =	shalt  }
0x42: {  	_ =	shalt  }
0x43: {  	_ =	shalt  }
0x44: {  	_ =	shalt  }
0x45: {  	_ =	shalt  }
0x46: {  	_ =	shalt  }
0x47: {  	_ =	shalt  }
0x48: {  	_ =	shalt  }
0x49: {  	_ =	shalt  }
0x4a: {  	_ =	shalt  }
0x4b: {  	_ =	shalt  }
0x4c: {  	_ =	shalt  }
0x4d: {  	_ =	shalt  }
0x4e: {  	_ =	shalt  }
0x4f: {  	_ =	shalt  }
0x50: {  	_ =	shalt  }
0x51: {  	_ =	shalt  }
0x52: {  	_ =	shalt  }
0x53: {  	_ =	shalt  }
0x54: {  	_ =	shalt  }
0x55: {  	_ =	shalt  }
0x56: {  	_ =	shalt  }
0x57: {  	_ =	shalt  }
0x58: {  	_ =	shalt  }
0x59: {  	_ =	shalt  }
0x5a: {  	_ =	shalt  }
0x5b: {  	_ =	shalt  }
0x5c: {  	_ =	shalt  }
0x5d: {  	_ =	shalt  }
0x5e: {  	_ =	shalt  }
0x5f: {  	_ =	shalt  }
0x60: {  	_ =	shalt  }
0x61: {  	_ =	shalt  }
0x62: {  	_ =	shalt  }
0x63: {  	_ =	shalt  }
0x64: {  	_ =	shalt  }
0x65: {  	_ =	shalt  }
0x66: {  	_ =	shalt  }
0x67: {  	_ =	shalt  }
0x68: {  	_ =	shalt  }
0x69: {  	_ =	shalt  }
0x6a: {  	_ =	shalt  }
0x6b: {  	_ =	shalt  }
0x6c: {  	_ =	shalt  }
0x6d: {  	_ =	shalt  }
0x6e: {  	_ =	shalt  }
0x6f: {  	_ =	shalt  }
0x70: {  	_ =	shalt  }
0x71: {  	_ =	shalt  }
0x72: {  	_ =	shalt  }
0x73: {  	_ =	shalt  }
0x74: {  	_ =	shalt  }
0x75: {  	_ =	shalt  }
0x76: {  	_ =	shalt  }
0x77: {  	_ =	shalt  }
0x78: {  	_ =	shalt  }
0x79: {  	_ =	shalt  }
0x7a: {  	_ =	shalt  }
0x7b: {  	_ =	shalt  }
0x7c: {  	_ =	shalt  }
0x7d: {  	_ =	shalt  }
0x7e: {  	_ =	shalt  }
0x7f: {  	_ =	shalt  }
0x80: {  	_ =	shalt  }
0x81: {  	_ =	shalt  }
0x82: {  	_ =	shalt  }
0x83: {  	_ =	shalt  }
0x84: {  	_ =	shalt  }
0x85: {  	_ =	shalt  }
0x86: {  	_ =	shalt  }
0x87: {  	_ =	shalt  }
.Lfunc_end0:
.L_simem_size_0:
called_computation.2_lowered:
.L_overlay_start_0:
0x88: {  	s2 =	sld [smem:$0x3FD9]  }
0x89: {  	s3 =	sld [smem:$0x3FFE];
	_ =	sdelay $0x1  }
0x8a: {  	s1 =	srdreg.scid  }
0x8b: {  	s0 =	sand.u32 $0x1, s1  }
0x8c: {  	s17 =	sshll.u32 s0, $0xA;
	s2 =	sadd.s32 s3, s2  }
0x8d: {  	s2 =	sadd.s32 s2, s17  }
0x8e: {  	[smem:$0x3FC2] =	sst s2  }
0x8f: {  	_ = 	snop  }
0x90: {  	s2 =	sld [smem:$0x3FD0];
	(tm) =	ssettm $0x1  }
0x91: {  	s18 =	sld [smem:$0x3FFB];
	_ =	sdelay $0x3  }
0x92: {  	_ =	strace s18  }
0x93: {  	s3 =	sld [smem:$0x3FFC];
	_ =	sdelay $0x3  }
0x94: {  	_ =	strace s3  }
0x95: {  	s3 =	sld [smem:$0x3FFD];
	_ =	sdelay $0x3  }
0x96: {  	_ =	strace s3  }
0x97: {  	_ =	strace $0x8FFFFFFF  }
0x98: {  	s19 =	sld [smem:$0x3FDB];
	_ =	sdelay $0x1  }
0x99: {  	s4 =	simm.s32 $_scs_section_size  }
0x9a: {  	s5 =	simm.s32 $_size__tile_overlayer_lowered;
	s6 =	simm.s32 $_tile_overlayer_lowered  }
0x9b: {  	s22 =	simm.s32 $0x1BFF;
	s21 =	sshll.u32 s6, $0x1;
	s3 =	sadd.s32 s4, s19  }
0x9c: {  	s7 =	simm.s32 $0x0;
	s20 =	sshll.u32 s5, $0x1;
	s5 =	sadd.s32 s21, s3  }
0x9d: {  	[timem:s7], [sflag:s22] =	dma.local [hbm:s5], s20  }
0x9e: {  	_ =	swait.ge [sflag:s22], s20  }
0x9f: {  	s4 =	ssub.s32 $0x0, s20;
	[sflag:s22] =	ssyncset.done $0x0  }
0xa0: {  	[sflag:s22] =	ssyncadd.s32 s4;
	_ =	sdelay $0x1  }
0xa1: {  	s23 =	simm.s32 $0x1B8B  }
0xa2: {  	_ =	swait.ge [sflag:s23], $0x1  }
0xa3: {  	[sflag:s23] =	ssyncset.done $0x0  }
0xa4: {  	s25 =	simm.s32 $0x1B8E;
	s24 =	sld [smem:$0x3FFE];
	[sflag:s23] =	ssyncadd.s32 $0xFFFFFFFF  }
0xa5: {  	s26 =	simm.s32 $execute0_lowered;
	[smem:$0x3FD2] =	sst s25  }
0xa6: {  	s5 =	sshll.u32 s26, $0x1;
	_ =	strace $0x8000004C;
	[dreg:$0x1] =	wrdreg $0xFFFFFFFF  }
0xa7: {  	s28 =	simm.s32 $_size_execute0_lowered;
	s3 =	sadd.s32 s3, s5;
	[dreg:$0x0] =	wrdreg $0x0  }
0xa8: {  	s5 =	sshll.u32 s28, $0x1;
	[dreg:$0x2] =	wrdreg s3  }
0xa9: {  	[dreg:$0x3] =	wrdreg s5  }
0xaa: {  	[dreg:$0x4] =	wrdreg $0xC0  }
0xab: {  	_ =	task [dreg:s7], $0x5FFFF  }
0xac: {  	[dreg:$0x1] =	wrdreg $0xFFFFFFFF  }
0xad: {  	[dreg:$0x0] =	wrdreg $0x60  }
0xae: {  	[dreg:$0x2] =	wrdreg s24  }
0xaf: {  	[dreg:$0x3] =	wrdreg s2  }
0xb0: {  	[dreg:$0x4] =	wrdreg $0xD9000  }
0xb1: {  	[dreg:$0x5] =	wrdreg $0xF2000  }
0xb2: {  	[dreg:$0x6] =	wrdreg $0x9  }
0xb3: {  	_ =	task.clear_ibuf [dreg:s7], $0x7FFFF;
	_ =	strace $0x9000004C  }
0xb4: {  	s29 =	simm.s32 $0x9;
	_ =	strace $0x8000004E  }
0xb5: {  	_ =	swait.ge [sflag:s29], $0x1  }
0xb6: {  	[sflag:s29] =	ssyncadd.s32 $0xFFFFFFFF  }
0xb7: {  	_ =	strace $0x9000004E  }
0xb8: {  	_ =	sfence  }
0xb9: {  	s30 =	sld [smem:$0x0];
	_ =	sdelay $0x2  }
0xba: {  	s31 =	sshll.u32 s1, $0xD;
	s1 =	sshrl.u32 s1, $0x2  }
0xbb: {  	s3 =	sand.u32 $0x4000, s31;
	s1 =	sadd.s32 s1, s30  }
0xbc: {  	s0 =	sor.u32 s3, s0;
	s1 =	sshll.u32 s1, $0x11  }
0xbd: {  	s0 =	sor.u32 s1, s0  }
0xbe: {  	s0 =	sadd.s32 $0x8F2B, s0  }
0xbf: {  	[sflag:s0] =	ssyncadd.remote.s32 $0x1  }
0xc0: {  	_ =	sfence.sel $0xFFFF  }
0xc1: {  	[dreg:$0x0] =	wrdreg $0xFFFFFFFF;
	(pc) =	sbr.abs _section_cstart, $3  }
0xc2: {  	[dreg:$0x1] =	wrdreg $0xFFFFFFFF  }
0xc3: {  	_ =	task.clear_ibuf [dreg:s7], $0x2FFFF;
	_ =	strace $0x9FFFFFFF  }
0xc4: {  	(tm) =	ssettm $0x7FFFFFFF  }
0xc5: {  	_ =	shalt  }
tec
execute0_lowered:
.L_overlay_start_1:
0x0: {  	(tag) =	ssettag $0x1  }
0x1: {  	s0 =	rddreg [dreg:$0x0]  }
0x2: {  	s3 =	rddreg [dreg:$0x2]  }
0x3: {  	s4 =	rddreg [dreg:$0x3];
	s12 =	stileid.u32  }
0x4: {  	s1 =	srdreg.scid;
	s5 =	simm.s32 $0x0;
	s19 =	simm.s32 $0x8000  }
0x5: {  	s20 =	simm.s32 $0x4;
	s28 =	simm.s32 $0x3;
	s29 =	simm.s32 $0x2  }
0x6: {  	s30 =	simm.s32 $0x0;
	s2 =	smul.u32 $0x1900, s12;
	s1 =	sand.u32 $0x1, s1  }
0x7: {  	[smem:$0x7FF] =	sst s5;
	s15 =	sadd.s32 $0xC6600, s0;
	s17 =	sadd.s32 $0x3000, s0  }
0x8: {  	s24 =	sadd.s32 $0x189A00, s0;
	s31 =	sshll.u32 s12, $0xA;
	s6 =	smul.u32 $0x19000, s1  }
0x9: {  	_ =	strace $0x8000004D;
	s21 =	ssub.s32 $0x2, s1;
	s9 =	sshll.u32 s1, $0x4  }
0xa: {  	[dreg:$0x6] =	wrdreg s24;
	s26 =	sshll.u32 s1, $0xE;
	s24 =	simm.s32 $0x6000  }
0xb: {  	s7 =	sshrl.u32 s2, $0x3;
	s22 =	sshrl.u32 s21, $0x1;
	s25 =	sor.u32 s12, s9  }
0xc: {  	s9 =	sadd.s32 s2, s4;
	s1 =	sadd.s32 s26, s15;
	s6 =	sadd.s32 s2, s6  }
0xd: {  	s8 =	sadd.s32 s7, s0;
	s16 =	ssub.s32 s21, s22;
	s7 =	sadd.s32 s2, s3  }
0xe: {  	s11 =	sshll.u32 s25, $0xA;
	s18 =	sor.u32 $0x40, s25;
	s21 =	simm.s32 $0x4000  }
0xf: {  	s22 =	simm.s32 $0x2000;
	p0 =	slt.u32 s25, $0xD;
	p1 =	sne.s32 s25, $0x1F  }
0x10: {  	s25 =	simm.s32 $0xB900;
	s6 =	sshrl.u32 s6, $0x3;
	s23 =	sadd.s32 $0x18CE00, s8  }
.Ltmp0:
0x11: {  	s8 =	sadd.s32 $0x189C00, s8;
	s10 =	sadd.s32 s15, s11;
	(pc) =	sbr.rel .LBB2_1-.Ltmp0, $4  }
0x12: {  	s11 =	sadd.s32 s17, s11;
	s15 =	smax.u32 s16, $0x1;
	s16 =	sadd.s32 s31, s1  }
0x13: {  	s14 =	sadd.s32 s6, s0;
	[dreg:$0x5] =	wrdreg s23;
	s0 =	sadd.s32 $0xC6400, s0  }
0x14: {  	s23 =	simm.s32 $0x9900;
	[dreg:$0x7] =	wrdreg s0;
	s0 =	sadd.s32 s26, s17  }
0x15: {  	s14 =	sadd.s32 $0x190000, s14;
	s26 =	simm.s32 $0x1;
	s17 =	sadd.s32 s31, s0  }
.LBB2_6:
0x16: {  	_ =	swait.ge [sflag:s26], $0x2000  }
0x17: {  	[sflag:s26] =	ssyncset.done $0x0  }
0x18: {  	[sflag:s26] =	ssyncadd.s32 $0xFFFFE000  }
0x19: {  	[spmem:s4] =	stream.indirect.scatter.add.f32 [tilespmem:s23], [sflag:s0], $0x1, s21, s22, $0xb8;
	[tilespmem:$0x10B00] =	vst v63  }
0x1a: {  	_ =	swait.ge [sflag:s0], $0x2000  }
0x1b: {  	[sflag:s0] =	ssyncset.done $0x0  }
0x1c: {  	[sflag:s0] =	ssyncadd.s32 $0xFFFFE000  }
.LBB2_7:
0x1d: {  	[bflag:$0x0] =	sbarrier.arrive $0xFFFF  }
0x1e: {  	[tilespmem:s19], [sflag:$0x4] =	stream.linear.gather [spmem:s9], $0x1900, $0x38;
	[tilespmem:$0x10B00] =	vst v63  }
0x1f: {  	s30 =	sadd.s32 $0x1, s30;
	_ =	swait.ge [sflag:s20], $0x1900  }
0x20: {  	p2 =	sne.s32 s30, s15;
	[sflag:s20] =	ssyncset.done $0x0  }
.Ltmp1:
0x21: {  	[sflag:s20] =	ssyncadd.s32 $0xFFFFE700;
	(pc) =	sbr.rel @!p2 .LBB2_8-.Ltmp1, $4  }
0x22: {  	[hbm4b:s14+s5] =	stream.linear.scatter [tilespmem:s19], [sflag:$0x4], $0x1900, $0x38;
	[tilespmem:$0x10B00] =	vst v63  }
0x23: {  	_ =	swait.ge [sflag:s20], $0x1900  }
0x24: {  	[sflag:s20] =	ssyncset.done $0x0  }
0x25: {  	[sflag:s20] =	ssyncadd.s32 $0xFFFFE700  }
.LBB2_1:
0x26: {  	s0 =	rddreg [dreg:$0x5]  }
0x27: {  	[tilespmem:s19], [sflag:$0x4] =	stream.linear.gather [hbm4b:s0+s5], $0x1900, $0x38;
	[tilespmem:$0x10B00] =	vst v63  }
0x28: {  	_ =	swait.ge [sflag:s20], $0x1900  }
0x29: {  	[sflag:s20] =	ssyncset.done $0x0  }
0x2a: {  	[sflag:s20] =	ssyncadd.s32 $0xFFFFE700  }
0x2b: {  	[spmem:s7] =	stream.linear.scatter [tilespmem:s19], [sflag:$0x4], $0x1900, $0x38;
	[tilespmem:$0x10B00] =	vst v63  }
0x2c: {  	_ =	swait.ge [sflag:s20], $0x1900  }
0x2d: {  	[sflag:s20] =	ssyncset.done $0x0  }
0x2e: {  	[sflag:s20] =	ssyncadd.s32 $0xFFFFE700  }
0x2f: {  	[tilespmem:s19], [sflag:$0x4] =	stream.linear.gather [hbm4b:s8+s5], $0x1900, $0x38;
	[tilespmem:$0x10B00] =	vst v63  }
0x30: {  	_ =	swait.ge [sflag:s20], $0x1900  }
0x31: {  	[sflag:s20] =	ssyncset.done $0x0  }
0x32: {  	[sflag:s20] =	ssyncadd.s32 $0xFFFFE700  }
0x33: {  	[spmem:s9] =	stream.linear.scatter [tilespmem:s19], [sflag:$0x4], $0x1900, $0x38;
	[tilespmem:$0x10B00] =	vst v63  }
0x34: {  	_ =	swait.ge [sflag:s20], $0x1900  }
0x35: {  	[sflag:s20] =	ssyncset.done $0x0  }
0x36: {  	[sflag:s20] =	ssyncadd.s32 $0xFFFFE700  }
0x37: {  	[bflag:$0x0] =	sbarrier.arrive $0xFFFF  }
0x38: {  	[tilespmem:s5], [sflag:$0x4] =	stream.linear.gather [hbm4b:s10+s5], $0x2000, $0x38;
	[tilespmem:$0x10B00] =	vst v63  }
0x39: {  	_ =	swait.ge [sflag:s20], $0x2000  }
0x3a: {  	[sflag:s20] =	ssyncset.done $0x0  }
0x3b: {  	[sflag:s20] =	ssyncadd.s32 $0xFFFFE000  }
0x3c: {  	[tilespmem:s21], [sflag:$0x4] =	stream.linear.gather [hbm4b:s11+s5], $0x2000, $0x38;
	[tilespmem:$0x10B00] =	vst v63  }
0x3d: {  	_ =	swait.ge [sflag:s20], $0x2000  }
0x3e: {  	[sflag:s20] =	ssyncset.done $0x0  }
0x3f: {  	s12 =	sadd.s32 $0x0, s16;
	[sflag:s20] =	ssyncadd.s32 $0xFFFFE000  }
0x40: {  	[tilespmem:s23], [sflag:$0x1] =	stream.indirect.gather [spmem:s3], $0x1, s5, s22, $0xb8;
	[tilespmem:$0x10B00] =	vst v63  }
0x41: {  	s0 =	sadd.s32 $0x8000, s12  }
0x42: {  	[tilespmem:s22], [sflag:$0x4] =	stream.linear.gather [hbm4b:s0+s5], $0x2000, $0x38;
	[tilespmem:$0x10B00] =	vst v63  }
0x43: {  	_ =	swait.ge [sflag:s20], $0x2000  }
0x44: {  	s13 =	sadd.s32 $0x0, s17;
	[sflag:s20] =	ssyncset.done $0x0  }
0x45: {  	s0 =	sadd.s32 $0x8000, s13;
	[sflag:s20] =	ssyncadd.s32 $0xFFFFE000  }
0x46: {  	[tilespmem:s24], [sflag:$0x4] =	stream.linear.gather [hbm4b:s0+s5], $0x2000, $0x38;
	[tilespmem:$0x10B00] =	vst v63  }
0x47: {  	_ =	swait.ge [sflag:s20], $0x2000  }
0x48: {  	[sflag:s20] =	ssyncset.done $0x0  }
0x49: {  	[sflag:s20] =	ssyncadd.s32 $0xFFFFE000  }
0x4a: {  	[tilespmem:s25], [sflag:$0x2] =	stream.indirect.gather [spmem:s3], $0x1, s22, s22, $0xb8;
	[tilespmem:$0x10B00] =	vst v63  }
0x4b: {  	_ =	swait.ge [sflag:s26], $0x2000  }
0x4c: {  	[sflag:s26] =	ssyncset.done $0x0  }
0x4d: {  	[sflag:s26] =	ssyncadd.s32 $0xFFFFE000  }
0x4e: {  	[spmem:s4] =	stream.indirect.scatter.add.f32 [tilespmem:s23], [sflag:$0x3], $0x1, s21, s22, $0xb8;
	[tilespmem:$0x10B00] =	vst v63  }
0x4f: {  	p2 =	sgt.u32 s18, $0x30C;
	_ =	swait.ge [sflag:s28], $0x2000  }
0x50: {  	s1 =	simm.s32 @!p2 $0x4;
	s0 =	sadd.s32 @!p2 $0x0, s16;
	[sflag:s28] =	ssyncset.done $0x0  }
0x51: {  	s2 =	simm.s32 @!p2 $0x0;
	s0 =	sadd.s32 @!p2 $0x10000, s0;
	[sflag:s28] =	ssyncadd.s32 $0xFFFFE000  }
0x52: {  	[tilespmem:s2], [sflag:$0x4] =	stream.linear.gather @!p2 [hbm4b:s0+s2], $0x2000, $0x38;
	[tilespmem:$0x10B00] =	vst v63  }
0x53: {  	_ =	swait.ge @!p2 [sflag:s1], $0x2000  }
0x54: {  	s0 =	sadd.s32 @!p2 $0x0, s17;
	[sflag:s1] =	ssyncset.done @!p2 $0x0  }
0x55: {  	s31 =	simm.s32 @!p2 $0x4000;
	s0 =	sadd.s32 @!p2 $0x10000, s0;
	[sflag:s1] =	ssyncadd.s32 @!p2 $0xFFFFE000  }
0x56: {  	[tilespmem:s31], [sflag:$0x4] =	stream.linear.gather @!p2 [hbm4b:s0+s2], $0x2000, $0x38;
	[tilespmem:$0x10B00] =	vst v63  }
0x57: {  	_ =	swait.ge @!p2 [sflag:s1], $0x2000  }
0x58: {  	[sflag:s1] =	ssyncset.done @!p2 $0x0  }
0x59: {  	s0 =	simm.s32 @!p2 $0x2000;
	[sflag:s1] =	ssyncadd.s32 @!p2 $0xFFFFE000;
	s1 =	simm.s32 @!p2 $0x9900  }
0x5a: {  	[tilespmem:s1], [sflag:$0x1] =	stream.indirect.gather @!p2 [spmem:s3], $0x1, s2, s0, $0xb8;
	[tilespmem:$0x10B00] =	vst v63  }
0x5b: {  	_ =	swait.ge [sflag:s29], $0x2000  }
0x5c: {  	[sflag:s29] =	ssyncset.done $0x0  }
0x5d: {  	[sflag:s29] =	ssyncadd.s32 $0xFFFFE000  }
0x5e: {  	[spmem:s4] =	stream.indirect.scatter.add.f32 [tilespmem:s25], [sflag:$0x3], $0x1, s24, s22, $0xb8;
	[tilespmem:$0x10B00] =	vst v63  }
0x5f: {  	s31 =	simm.s32 $0x10000;
	s1 =	simm.s32 $0x20000;
	_ =	swait.ge [sflag:s28], $0x2000  }
0x60: {  	s2 =	sadd.s32 $0x10000, s16;
	s0 =	sadd.s32 $0x40, s18;
	[sflag:s28] =	ssyncset.done $0x0  }
.LBB2_2:
0x61: {  	s2 =	sadd.s32 $0x8000, s2  }
0x62: {  	[sflag:s28] =	ssyncadd.s32 $0xFFFFE000;
	s12 =	smov.u32 s1;
	s1 =	sadd.s32 $0x10000, s1  }
0x63: {  	[tilespmem:s22], [sflag:$0x4] =	stream.linear.gather [hbm4b:s2+s5], $0x2000, $0x38;
	[tilespmem:$0x10B00] =	vst v63  }
0x64: {  	p2 =	sne.s32 s1, $0xC0000;
	_ =	swait.ge [sflag:s20], $0x2000  }
0x65: {  	s2 =	sadd.s32 s31, s17;
	[sflag:s20] =	ssyncset.done $0x0  }
0x66: {  	s2 =	sadd.s32 $0x8000, s2;
	[sflag:s20] =	ssyncadd.s32 $0xFFFFE000  }
0x67: {  	[tilespmem:s24], [sflag:$0x4] =	stream.linear.gather [hbm4b:s2+s5], $0x2000, $0x38;
	[tilespmem:$0x10B00] =	vst v63  }
0x68: {  	_ =	swait.ge [sflag:s20], $0x2000  }
0x69: {  	[sflag:s20] =	ssyncset.done $0x0  }
0x6a: {  	[sflag:s20] =	ssyncadd.s32 $0xFFFFE000  }
0x6b: {  	[tilespmem:s25], [sflag:$0x2] =	stream.indirect.gather [spmem:s3], $0x1, s22, s22, $0xb8;
	[tilespmem:$0x10B00] =	vst v63  }
0x6c: {  	_ =	swait.ge [sflag:s26], $0x2000  }
0x6d: {  	[sflag:s26] =	ssyncset.done $0x0  }
0x6e: {  	[sflag:s26] =	ssyncadd.s32 $0xFFFFE000  }
0x6f: {  	[spmem:s4] =	stream.indirect.scatter.add.f32 [tilespmem:s23], [sflag:$0x3], $0x1, s21, s22, $0xb8;
	[tilespmem:$0x10B00] =	vst v63  }
0x70: {  	p3 =	sgt.u32 s0, $0x30C;
	_ =	swait.ge [sflag:s28], $0x2000  }
0x71: {  	s13 =	simm.s32 @!p3 $0x4;
	s2 =	sadd.s32 @!p3 s31, s16;
	[sflag:s28] =	ssyncset.done $0x0  }
0x72: {  	s6 =	simm.s32 @!p3 $0x0;
	s2 =	sadd.s32 @!p3 $0x10000, s2;
	[sflag:s28] =	ssyncadd.s32 $0xFFFFE000  }
0x73: {  	[tilespmem:s6], [sflag:$0x4] =	stream.linear.gather @!p3 [hbm4b:s2+s6], $0x2000, $0x38;
	[tilespmem:$0x10B00] =	vst v63  }
0x74: {  	s2 =	sadd.s32 @!p3 s31, s17;
	s31 =	smov.u32 s12;
	_ =	swait.ge @!p3 [sflag:s13], $0x2000  }
0x75: {  	s2 =	sadd.s32 @!p3 $0x10000, s2;
	[sflag:s13] =	ssyncset.done @!p3 $0x0  }
0x76: {  	s12 =	simm.s32 @!p3 $0x4000;
	[sflag:s13] =	ssyncadd.s32 @!p3 $0xFFFFE000  }
0x77: {  	[tilespmem:s12], [sflag:$0x4] =	stream.linear.gather @!p3 [hbm4b:s2+s6], $0x2000, $0x38;
	[tilespmem:$0x10B00] =	vst v63  }
0x78: {  	_ =	swait.ge @!p3 [sflag:s13], $0x2000  }
0x79: {  	[sflag:s13] =	ssyncset.done @!p3 $0x0  }
0x7a: {  	s2 =	simm.s32 @!p3 $0x2000;
	s12 =	simm.s32 @!p3 $0x9900;
	[sflag:s13] =	ssyncadd.s32 @!p3 $0xFFFFE000  }
0x7b: {  	[tilespmem:s12], [sflag:$0x1] =	stream.indirect.gather @!p3 [spmem:s3], $0x1, s6, s2, $0xb8;
	[tilespmem:$0x10B00] =	vst v63  }
0x7c: {  	_ =	swait.ge [sflag:s29], $0x2000  }
.Ltmp2:
0x7d: {  	[sflag:s29] =	ssyncset.done $0x0;
	(pc) =	sbr.rel @p2 .LBB2_2-.Ltmp2, $4  }
0x7e: {  	[sflag:s29] =	ssyncadd.s32 $0xFFFFE000  }
0x7f: {  	[spmem:s4] =	stream.indirect.scatter.add.f32 [tilespmem:s25], [sflag:$0x3], $0x1, s24, s22, $0xb8;
	[tilespmem:$0x10B00] =	vst v63  }
0x80: {  	_ =	swait.ge [sflag:s28], $0x2000  }
0x81: {  	s0 =	sadd.s32 $0x40, s0;
	s2 =	sadd.s32 s31, s16;
	[sflag:s28] =	ssyncset.done $0x0  }
0x82: {  	s1 =	sadd.s32 $0x8000, s2;
	[sflag:s28] =	ssyncadd.s32 $0xFFFFE000  }
0x83: {  	[tilespmem:s22], [sflag:$0x4] =	stream.linear.gather [hbm4b:s1+s5], $0x2000, $0x38;
	[tilespmem:$0x10B00] =	vst v63  }
0x84: {  	_ =	swait.ge [sflag:s20], $0x2000  }
0x85: {  	s13 =	sadd.s32 s31, s17;
	[sflag:s20] =	ssyncset.done $0x0  }
0x86: {  	s1 =	sadd.s32 $0x8000, s13;
	[sflag:s20] =	ssyncadd.s32 $0xFFFFE000  }
0x87: {  	[tilespmem:s24], [sflag:$0x4] =	stream.linear.gather [hbm4b:s1+s5], $0x2000, $0x38;
	[tilespmem:$0x10B00] =	vst v63  }
0x88: {  	_ =	swait.ge [sflag:s20], $0x2000  }
0x89: {  	[sflag:s20] =	ssyncset.done $0x0  }
0x8a: {  	[sflag:s20] =	ssyncadd.s32 $0xFFFFE000  }
0x8b: {  	[tilespmem:s25], [sflag:$0x2] =	stream.indirect.gather [spmem:s3], $0x1, s22, s22, $0xb8;
	[tilespmem:$0x10B00] =	vst v63  }
0x8c: {  	_ =	swait.ge [sflag:s26], $0x2000  }
0x8d: {  	[sflag:s26] =	ssyncset.done $0x0  }
0x8e: {  	[sflag:s26] =	ssyncadd.s32 $0xFFFFE000  }
0x8f: {  	[spmem:s4] =	stream.indirect.scatter.add.f32 [tilespmem:s23], [sflag:$0x3], $0x1, s21, s22, $0xb8;
	[tilespmem:$0x10B00] =	vst v63  }
0x90: {  	p2 =	sgt.u32 s0, $0x30C;
	_ =	swait.ge [sflag:s28], $0x2000  }
0x91: {  	s0 =	sadd.s32 @!p2 s31, s16;
	s2 =	simm.s32 @!p2 $0x0;
	[sflag:s28] =	ssyncset.done $0x0  }
0x92: {  	s0 =	sadd.s32 @!p2 $0x10000, s0;
	s1 =	simm.s32 @!p2 $0x4;
	[sflag:s28] =	ssyncadd.s32 $0xFFFFE000  }
0x93: {  	[tilespmem:s2], [sflag:$0x4] =	stream.linear.gather @!p2 [hbm4b:s0+s2], $0x2000, $0x38;
	[tilespmem:$0x10B00] =	vst v63  }
0x94: {  	_ =	swait.ge @!p2 [sflag:s1], $0x2000  }
0x95: {  	s0 =	sadd.s32 @!p2 s31, s17;
	[sflag:s1] =	ssyncset.done @!p2 $0x0  }
0x96: {  	s6 =	simm.s32 @!p2 $0x4000;
	s0 =	sadd.s32 @!p2 $0x10000, s0;
	[sflag:s1] =	ssyncadd.s32 @!p2 $0xFFFFE000  }
0x97: {  	[tilespmem:s6], [sflag:$0x4] =	stream.linear.gather @!p2 [hbm4b:s0+s2], $0x2000, $0x38;
	[tilespmem:$0x10B00] =	vst v63  }
0x98: {  	_ =	swait.ge @!p2 [sflag:s1], $0x2000  }
0x99: {  	[sflag:s1] =	ssyncset.done @!p2 $0x0  }
0x9a: {  	s0 =	simm.s32 @!p2 $0x2000;
	[sflag:s1] =	ssyncadd.s32 @!p2 $0xFFFFE000;
	s1 =	simm.s32 @!p2 $0x9900  }
0x9b: {  	[tilespmem:s1], [sflag:$0x1] =	stream.indirect.gather @!p2 [spmem:s3], $0x1, s2, s0, $0xb8;
	[tilespmem:$0x10B00] =	vst v63  }
0x9c: {  	_ =	swait.ge [sflag:s29], $0x2000  }
0x9d: {  	[sflag:s29] =	ssyncset.done $0x0  }
.Ltmp3:
0x9e: {  	[sflag:s29] =	ssyncadd.s32 $0xFFFFE000;
	(pc) =	sbr.rel @p0 .LBB2_6-.Ltmp3, $4  }
0x9f: {  	[spmem:s4] =	stream.indirect.scatter.add.f32 [tilespmem:s25], [sflag:$0x3], $0x1, s24, s22, $0xb8;
	[tilespmem:$0x10B00] =	vst v63  }
0xa0: {  	_ =	swait.ge [sflag:s28], $0x2000  }
0xa1: {  	[sflag:s28] =	ssyncset.done $0x0  }
0xa2: {  	s0 =	simm.s32 $0x3;
	[sflag:s28] =	ssyncadd.s32 $0xFFFFE000  }
.Ltmp4:
0xa3: {  	(pc) =	sbr.rel @p1 .LBB2_7-.Ltmp4, $1  }
0xa4: {  	_ =	sdelay $0x3  }
0xa5: {  	s1 =	rddreg [dreg:$0x1];
	s0 =	simm.s32 $0x4  }
0xa6: {  	[tilespmem:s5], [sflag:$0x4] =	stream.linear.gather [hbm4b:s1+s5], $0x2000, $0x38;
	[tilespmem:$0x10B00] =	vst v63  }
0xa7: {  	_ =	swait.ge [sflag:s0], $0x2000  }
0xa8: {  	[sflag:s0] =	ssyncset.done $0x0  }
0xa9: {  	[sflag:s0] =	ssyncadd.s32 $0xFFFFE000  }
0xaa: {  	[tilespmem:s21], [sflag:$0x4] =	stream.linear.gather [hbm4b:s1+s5], $0x2000, $0x38;
	[tilespmem:$0x10B00] =	vst v63  }
0xab: {  	_ =	swait.ge [sflag:s0], $0x2000  }
0xac: {  	[sflag:s0] =	ssyncset.done $0x0  }
0xad: {  	s13 =	rddreg [dreg:$0x6];
	[sflag:s0] =	ssyncadd.s32 $0xFFFFE000  }
0xae: {  	[tilespmem:s5], [sflag:$0x4] =	stream.linear.gather [hbm4b:s13+s5], $0x800, $0x38;
	[tilespmem:$0x10B00] =	vst v63  }
0xaf: {  	_ =	swait.ge [sflag:s0], $0x800  }
0xb0: {  	[sflag:s0] =	ssyncset.done $0x0  }
0xb1: {  	s31 =	rddreg [dreg:$0x7];
	[sflag:s0] =	ssyncadd.s32 $0xFFFFF800  }
0xb2: {  	[tilespmem:s21], [sflag:$0x4] =	stream.linear.gather [hbm4b:s31+s5], $0x800, $0x38;
	[tilespmem:$0x10B00] =	vst v63  }
.Ltmp5:
0xb3: {  	_ = 	snop;
	(pc) =	sbr.rel .LBB2_6-.Ltmp5, $4  }
0xb4: {  	_ =	swait.ge [sflag:s0], $0x800  }
0xb5: {  	[sflag:s0] =	ssyncset.done $0x0  }
0xb6: {  	[sflag:s0] =	ssyncadd.s32 $0xFFFFF800  }
0xb7: {  	[tilespmem:s23], [sflag:$0x1] =	stream.indirect.gather [spmem:s3], $0x1, s5, s22, $0xb8;
	[tilespmem:$0x10B00] =	vst v63  }
.LBB2_8:
0xb8: {  	_ =	sfence.sel $0x180000  }
0xb9: {  	[bflag:$0x0] =	sbarrier.arrive $0xFFFF  }
0xba: {  	_ =	strace $0x9000004D  }
0xbb: {  	s0 =	stileid.u32;
	[bflag:$0x2] =	sbarrier.arrive $0xFFFF  }
0xbc: {  	p0 =	sne.s32 s0, $0x0;
	s0 =	rddreg [dreg:$0x4]  }
0xbd: {  	s0 =	sadd.s32 @!p0 $0x100000, s0  }
0xbe: {  	[sflag:s0] =	ssyncadd.tile.s32 @!p0 $0x1;
	_ =	shalt  }
.Lfunc_end2:
_tile_overlayer_lowered:
.L_overlay_start_2:
0xbf: {  	(tag) =	ssettag $0x2  }
0xc0: {  	s0 =	rddreg [dreg:$0x0];
	s2 =	stileid.u32  }
0xc1: {  	s1 =	rddreg [dreg:$0x1];
	p0 =	sne.s32 s2, $0x0  }
0xc2: {  	s3 =	rddreg [dreg:$0x2];
	[bflag:$0x3] =	sbarrier.arrive $0xFFFF;
	s2 =	simm.s32 @!p0 $0x1C04  }
0xc3: {  	[timem:s3], [sflag:s2] =	dma.local @!p0 [hbm:s0], s1  }
0xc4: {  	s0 =	simm.s32 @!p0 $0x4  }
0xc5: {  	_ =	swait.ge @!p0 [sflag:s0], s1  }
0xc6: {  	s1 =	ssub.s32 @!p0 $0x0, s1;
	[sflag:s0] =	ssyncset.done @!p0 $0x0  }
0xc7: {  	[sflag:s0] =	ssyncadd.s32 @!p0 s1  }
0xc8: {  	[bflag:$0x3] =	sbarrier.arrive $0xFFFF  }
0xc9: {  	_ =	shalt  }

// kernel: kernel.8.cloned.1.call-start
scs
__scs_entry_jumppad:
0x0: {  	(pc) =	sbr.rel $0x88, $3  }
0x1: {  	(tag) =	ssettag $0x0;
	lr =	simm.s32 $0x1  }
0x2: {  	[smem:$0x3F9B] =	sst lr;
	_ =	strace $0xD0000000  }
0x3: {  	_ = 	snop  }
0x4: {  	_ = 	snop  }
0x5: {  	_ = 	snop  }
0x6: {  	_ = 	snop  }
0x7: {  	_ = 	snop  }
__scs_overlays_trampoline_lowered:
0x8: {  	[smem:$0x3FAA] =	sst s0  }
0x9: {  	[smem:$0x3FAB] =	sst s1  }
0xa: {  	[smem:$0x3FAC] =	sst s2  }
0xb: {  	[smem:$0x3FAD] =	sst s3  }
0xc: {  	[smem:$0x3FAE] =	sst s4  }
0xd: {  	[smem:$0x3FAF] =	sst s5  }
0xe: {  	[smem:$0x3FB0] =	sst s6  }
0xf: {  	[smem:$0x3FB1] =	sst s7  }
0x10: {  	[smem:$0x3FB2] =	sst s8  }
0x11: {  	[smem:$0x3FB3] =	sst s9;
	s0 =	simm.s32 @!p0 $0x0  }
0x12: {  	s1 =	sld [smem:$0x3F99];
	s0 =	simm.s32 @p0 $0x1  }
0x13: {  	[smem:$0x3FB4] =	sst s0;
	s0 =	simm.s32 @!p1 $0x0  }
0x14: {  	s2 =	sld [smem:$0x3F98];
	s0 =	simm.s32 @p1 $0x1  }
0x15: {  	[smem:$0x3FB5] =	sst s0;
	s0 =	simm.s32 @!p2 $0x0  }
0x16: {  	s3 =	sld [smem:$0x3FDB];
	s0 =	simm.s32 @p2 $0x1  }
0x17: {  	s4 =	simm.s32 $0x1BF5;
	[smem:$0x3FB7] =	sst s0  }
0x18: {  	s0 =	sld [smem:$0x3F9A];
	_ =	swait.ge [sflag:s4], $0x0  }
0x19: {  	s7 =	sld [smem:$0x3F9B]  }
0x1a: {  	s8 =	sadd.s32 $0xFFFFE003, lr  }
0x1b: {  	s9 =	sadd.s32 $0xFFFFFEF7, lr;
	s5 =	simm.s32 $0xFFFFFFFF;
	p2 =	slt.u32 s8, $0xFFFFF086  }
0x1c: {  	p1 =	slt.u32 s9, $0xF7A;
	s5 =	simm.s32 @!p2 $0x0  }
0x1d: {  	s5 =	simm.s32 @p1 $0x1;
	p0 =	seq.s32 s7, s2  }
0x1e: {  	s7 =	smul.u32 @!p0 $0xF7A, s2;
	p2 =	seq.s32 @!p0 s5, $0x0  }
0x1f: {  	s9 =	smul.u32 $0xF7A, s1;
	s8 =	simm.s32 @!p0 $0x1BF5;
	p2 =	por !p2, p0  }
0x20: {  	[sflag:s8] =	ssyncset.s32 @!p0 $0xFFFFF086;
	s6 =	sadd.s32 @!p0 s3, s7;
	s7 =	simm.s32 @!p0 $0x108  }
0x21: {  	s3 =	sadd.s32 s3, s9;
	s6 =	sadd.s32 @!p0 $0x88, s6;
	s7 =	simm.s32 @p2 $0x1082  }
0x22: {  	[simem:s7], [sflag:s8] =	dma.local @!p0 [hbm:s6], $0xF7A  }
0x23: {  	s9 =	sor.u32 $0xD0000000, s2;
	s6 =	simm.s32 $0x108;
	_ =	swait.ge @!p0 [sflag:s8], $0x0  }
0x24: {  	s3 =	sadd.s32 $0x88, s3;
	s6 =	simm.s32 @!p1 $0x1082;
	[sflag:s4] =	ssyncset.s32 $0xFFFFF086  }
0x25: {  	[simem:s6], [sflag:s4] =	dma.local [hbm:s3], $0xF7A  }
0x26: {  	[smem:$0x3F9B] =	sst s1;
	(tag) =	ssettag s2;
	_ =	strace s9  }
0x27: {  	s1 =	sld [smem:$0x3FAB]  }
0x28: {  	s2 =	sld [smem:$0x3FAC]  }
0x29: {  	s4 =	sld [smem:$0x3FAE]  }
0x2a: {  	p0 =	seq.s32 s5, $0x0;
	s5 =	sld [smem:$0x3FAF]  }
0x2b: {  	s6 =	sld [smem:$0x3FB0]  }
0x2c: {  	s7 =	sld [smem:$0x3FB1]  }
0x2d: {  	s3 =	simm.s32 $0x108;
	s8 =	sld [smem:$0x3FB2]  }
0x2e: {  	s3 =	simm.s32 @!p0 $0x1082;
	s9 =	sld [smem:$0x3FB3]  }
0x2f: {  	lr =	sadd.s32 s0, s3;
	s0 =	sld [smem:$0x3FAA]  }
0x30: {  	s3 =	sld [smem:$0x3FAD]  }
0x31: {  	[smem:$0x3FB6] =	sst s10  }
0x32: {  	s10 =	sld [smem:$0x3FB4];
	_ =	sdelay $0x3  }
0x33: {  	p0 =	seq.s32 s10, $0x1;
	s10 =	sld [smem:$0x3FB6];
	_ =	sdelay $0x3  }
0x34: {  	[smem:$0x3FB6] =	sst s10  }
0x35: {  	s10 =	sld [smem:$0x3FB5];
	_ =	sdelay $0x3  }
0x36: {  	p1 =	seq.s32 s10, $0x1;
	s10 =	sld [smem:$0x3FB6];
	_ =	sdelay $0x3  }
0x37: {  	[smem:$0x3FB6] =	sst s10  }
0x38: {  	s10 =	sld [smem:$0x3FB7]  }
0x39: {  	_ = 	snop;
	(pc) =	sbr.ind lr, $3  }
0x3a: {  	_ = 	snop  }
0x3b: {  	_ = 	snop  }
0x3c: {  	p2 =	seq.s32 s10, $0x1;
	s10 =	sld [smem:$0x3FB6]  }
0x3d: {  	_ =	shalt  }
0x3e: {  	_ =	shalt  }
0x3f: {  	_ =	shalt  }
0x40: {  	_ =	shalt  }
0x41: {  	_ =	shalt  }
0x42: {  	_ =	shalt  }
0x43: {  	_ =	shalt  }
0x44: {  	_ =	shalt  }
0x45: {  	_ =	shalt  }
0x46: {  	_ =	shalt  }
0x47: {  	_ =	shalt  }
0x48: {  	_ =	shalt  }
0x49: {  	_ =	shalt  }
0x4a: {  	_ =	shalt  }
0x4b: {  	_ =	shalt  }
0x4c: {  	_ =	shalt  }
0x4d: {  	_ =	shalt  }
0x4e: {  	_ =	shalt  }
0x4f: {  	_ =	shalt  }
0x50: {  	_ =	shalt  }
0x51: {  	_ =	shalt  }
0x52: {  	_ =	shalt  }
0x53: {  	_ =	shalt  }
0x54: {  	_ =	shalt  }
0x55: {  	_ =	shalt  }
0x56: {  	_ =	shalt  }
0x57: {  	_ =	shalt  }
0x58: {  	_ =	shalt  }
0x59: {  	_ =	shalt  }
0x5a: {  	_ =	shalt  }
0x5b: {  	_ =	shalt  }
0x5c: {  	_ =	shalt  }
0x5d: {  	_ =	shalt  }
0x5e: {  	_ =	shalt  }
0x5f: {  	_ =	shalt  }
0x60: {  	_ =	shalt  }
0x61: {  	_ =	shalt  }
0x62: {  	_ =	shalt  }
0x63: {  	_ =	shalt  }
0x64: {  	_ =	shalt  }
0x65: {  	_ =	shalt  }
0x66: {  	_ =	shalt  }
0x67: {  	_ =	shalt  }
0x68: {  	_ =	shalt  }
0x69: {  	_ =	shalt  }
0x6a: {  	_ =	shalt  }
0x6b: {  	_ =	shalt  }
0x6c: {  	_ =	shalt  }
0x6d: {  	_ =	shalt  }
0x6e: {  	_ =	shalt  }
0x6f: {  	_ =	shalt  }
0x70: {  	_ =	shalt  }
0x71: {  	_ =	shalt  }
0x72: {  	_ =	shalt  }
0x73: {  	_ =	shalt  }
0x74: {  	_ =	shalt  }
0x75: {  	_ =	shalt  }
0x76: {  	_ =	shalt  }
0x77: {  	_ =	shalt  }
0x78: {  	_ =	shalt  }
0x79: {  	_ =	shalt  }
0x7a: {  	_ =	shalt  }
0x7b: {  	_ =	shalt  }
0x7c: {  	_ =	shalt  }
0x7d: {  	_ =	shalt  }
0x7e: {  	_ =	shalt  }
0x7f: {  	_ =	shalt  }
0x80: {  	_ =	shalt  }
0x81: {  	_ =	shalt  }
0x82: {  	_ =	shalt  }
0x83: {  	_ =	shalt  }
0x84: {  	_ =	shalt  }
0x85: {  	_ =	shalt  }
0x86: {  	_ =	shalt  }
0x87: {  	_ =	shalt  }
.Lfunc_end0:
.L_simem_size_0:
called_computation_lowered:
.L_overlay_start_0:
0x88: {  	s2 =	sld [smem:$0x3FD9]  }
0x89: {  	s3 =	sld [smem:$0x3FFE];
	_ =	sdelay $0x1  }
0x8a: {  	s1 =	srdreg.scid  }
0x8b: {  	s0 =	sand.u32 $0x1, s1  }
0x8c: {  	s17 =	sshll.u32 s0, $0xA;
	s2 =	sadd.s32 s3, s2  }
0x8d: {  	s2 =	sadd.s32 s2, s17  }
0x8e: {  	[smem:$0x3FC2] =	sst s2  }
0x8f: {  	_ = 	snop  }
0x90: {  	s2 =	sld [smem:$0x3FD0];
	(tm) =	ssettm $0x1  }
0x91: {  	s18 =	sld [smem:$0x3FFB];
	_ =	sdelay $0x3  }
0x92: {  	_ =	strace s18  }
0x93: {  	s3 =	sld [smem:$0x3FFC];
	_ =	sdelay $0x3  }
0x94: {  	_ =	strace s3  }
0x95: {  	s3 =	sld [smem:$0x3FFD];
	_ =	sdelay $0x3  }
0x96: {  	_ =	strace s3  }
0x97: {  	_ =	strace $0x8FFFFFFF  }
0x98: {  	s19 =	sld [smem:$0x3FDB];
	_ =	sdelay $0x1  }
0x99: {  	s4 =	simm.s32 $_scs_section_size  }
0x9a: {  	s5 =	simm.s32 $_size__tile_overlayer_lowered;
	s6 =	simm.s32 $_tile_overlayer_lowered  }
0x9b: {  	s22 =	simm.s32 $0x1BFF;
	s21 =	sshll.u32 s6, $0x1;
	s3 =	sadd.s32 s4, s19  }
0x9c: {  	s7 =	simm.s32 $0x0;
	s20 =	sshll.u32 s5, $0x1;
	s5 =	sadd.s32 s21, s3  }
0x9d: {  	[timem:s7], [sflag:s22] =	dma.local [hbm:s5], s20  }
0x9e: {  	_ =	swait.ge [sflag:s22], s20  }
0x9f: {  	s4 =	ssub.s32 $0x0, s20;
	[sflag:s22] =	ssyncset.done $0x0  }
0xa0: {  	[sflag:s22] =	ssyncadd.s32 s4;
	_ =	sdelay $0x1  }
0xa1: {  	s23 =	simm.s32 $0x1B8B  }
0xa2: {  	_ =	swait.ge [sflag:s23], $0x1  }
0xa3: {  	[sflag:s23] =	ssyncset.done $0x0  }
0xa4: {  	s25 =	simm.s32 $0x1B8E;
	s24 =	sld [smem:$0x3FFE];
	[sflag:s23] =	ssyncadd.s32 $0xFFFFFFFF  }
0xa5: {  	s26 =	simm.s32 $execute0_lowered;
	[smem:$0x3FD2] =	sst s25  }
0xa6: {  	s5 =	sshll.u32 s26, $0x1;
	_ =	strace $0x80000046;
	[dreg:$0x1] =	wrdreg $0xFFFFFFFF  }
0xa7: {  	s28 =	simm.s32 $_size_execute0_lowered;
	s3 =	sadd.s32 s3, s5;
	[dreg:$0x0] =	wrdreg $0x0  }
0xa8: {  	s5 =	sshll.u32 s28, $0x1;
	[dreg:$0x2] =	wrdreg s3  }
0xa9: {  	[dreg:$0x3] =	wrdreg s5  }
0xaa: {  	[dreg:$0x4] =	wrdreg $0xC0  }
0xab: {  	_ =	task [dreg:s7], $0x5FFFF  }
0xac: {  	[dreg:$0x1] =	wrdreg $0xFFFFFFFF  }
0xad: {  	[dreg:$0x0] =	wrdreg $0x60  }
0xae: {  	[dreg:$0x2] =	wrdreg s24  }
0xaf: {  	[dreg:$0x3] =	wrdreg s2  }
0xb0: {  	[dreg:$0x4] =	wrdreg $0x59000  }
0xb1: {  	[dreg:$0x5] =	wrdreg $0x9  }
0xb2: {  	_ =	task.clear_ibuf [dreg:s7], $0x6FFFF;
	_ =	strace $0x90000046  }
0xb3: {  	s29 =	simm.s32 $0x9;
	_ =	strace $0x80000048  }
0xb4: {  	_ =	swait.ge [sflag:s29], $0x1  }
0xb5: {  	[sflag:s29] =	ssyncadd.s32 $0xFFFFFFFF  }
0xb6: {  	_ =	strace $0x90000048  }
0xb7: {  	_ =	sfence  }
0xb8: {  	s30 =	sld [smem:$0x0];
	_ =	sdelay $0x2  }
0xb9: {  	s31 =	sshll.u32 s1, $0xD;
	s1 =	sshrl.u32 s1, $0x2  }
0xba: {  	s3 =	sand.u32 $0x4000, s31;
	s1 =	sadd.s32 s1, s30  }
0xbb: {  	s0 =	sor.u32 s3, s0;
	s1 =	sshll.u32 s1, $0x11  }
0xbc: {  	s0 =	sor.u32 s1, s0  }
0xbd: {  	s0 =	sadd.s32 $0x8F2B, s0  }
0xbe: {  	[sflag:s0] =	ssyncadd.remote.s32 $0x1  }
0xbf: {  	_ =	sfence.sel $0xFFFF  }
0xc0: {  	[dreg:$0x0] =	wrdreg $0xFFFFFFFF;
	(pc) =	sbr.abs _section_cstart, $3  }
0xc1: {  	[dreg:$0x1] =	wrdreg $0xFFFFFFFF  }
0xc2: {  	_ =	task.clear_ibuf [dreg:s7], $0x2FFFF;
	_ =	strace $0x9FFFFFFF  }
0xc3: {  	(tm) =	ssettm $0x7FFFFFFF  }
tec
execute0_lowered:
.L_overlay_start_1:
0x0: {  	(tag) =	ssettag $0x1  }
0x1: {  	s9 =	rddreg [dreg:$0x0]  }
0x2: {  	s2 =	rddreg [dreg:$0x1]  }
0x3: {  	s3 =	rddreg [dreg:$0x2]  }
0x4: {  	s0 =	rddreg [dreg:$0x3];
	s5 =	srdreg.scid  }
0x5: {  	s1 =	stileid.u32;
	s4 =	simm.s32 $0x0;
	s15 =	simm.s32 $0x2000  }
0x6: {  	s16 =	simm.s32 $0x0;
	s6 =	sand.u32 $0x1, s5;
	s8 =	smul.u32 $0x1900, s1  }
0x7: {  	[smem:$0x7FF] =	sst s4;
	s14 =	sshll.u32 s1, $0xA;
	s5 =	sshll.u32 s6, $0xE  }
0x8: {  	s7 =	smul.u32 $0x19000, s6;
	_ =	strace $0x80000047;
	s11 =	ssub.s32 $0x2, s6  }
0x9: {  	s6 =	sshll.u32 s6, $0x4;
	s12 =	sadd.s32 s5, s9;
	s5 =	sadd.s32 $0x18CE00, s9  }
0xa: {  	s10 =	sshrl.u32 s8, $0x3;
	s31 =	sshrl.u32 s11, $0x1;
	s6 =	sor.u32 s1, s6  }
0xb: {  	s7 =	sadd.s32 s8, s7;
	s10 =	sadd.s32 s10, s9;
	s11 =	ssub.s32 s11, s31  }
0xc: {  	s8 =	sadd.s32 s8, s3;
	s12 =	sadd.s32 s14, s12;
	s14 =	simm.s32 $0x1  }
0xd: {  	p0 =	sne.s32 s6, $0x1F;
	s7 =	sshrl.u32 s7, $0x3;
	s11 =	smax.u32 s11, $0x1  }
0xe: {  	s12 =	sadd.s32 $0x3000, s12;
	s13 =	sadd.s32 s7, s9;
	s7 =	sadd.s32 $0x189C00, s10  }
0xf: {  	s9 =	sadd.s32 $0xC6400, s9;
	s10 =	sadd.s32 $0x18D200, s13;
	s13 =	simm.s32 $0x4000  }
.LBB2_1:
0x10: {  	[tilespmem:s13], [sflag:$0x1] =	stream.linear.gather [hbm4b:s7+s4], $0x1900, $0x38;
	[tilespmem:$0x7200] =	vst v63  }
0x11: {  	_ =	swait.ge [sflag:s14], $0x1900  }
0x12: {  	[sflag:s14] =	ssyncset.done $0x0  }
0x13: {  	[sflag:s14] =	ssyncadd.s32 $0xFFFFE700  }
0x14: {  	[spmem:s8] =	stream.linear.scatter [tilespmem:s13], [sflag:$0x1], $0x1900, $0x38;
	[tilespmem:$0x7200] =	vst v63  }
0x15: {  	_ =	swait.ge [sflag:s14], $0x1900  }
0x16: {  	[sflag:s14] =	ssyncset.done $0x0  }
0x17: {  	[sflag:s14] =	ssyncadd.s32 $0xFFFFE700  }
0x18: {  	[tilespmem:s15], [sflag:$0x1] =	stream.linear.gather [hbm4b:s5+s4], $0x2000, $0x38;
	[tilespmem:$0x7200] =	vst v63  }
0x19: {  	_ =	swait.ge [sflag:s14], $0x2000  }
0x1a: {  	s17 =	sadd.s32 $0x0, s6;
	[sflag:s14] =	ssyncset.done $0x0  }
0x1b: {  	p1 =	sgt.u32 s17, $0x30C;
	[sflag:s14] =	ssyncadd.s32 $0xFFFFE000  }
0x1c: {  	s18 =	simm.s32 @!p1 $0x0;
	s19 =	simm.s32 @!p1 $0x2;
	[bflag:$0x0] =	sbarrier.arrive $0xFFFF  }
0x1d: {  	[tilespmem:s18], [sflag:$0x2] =	stream.linear.gather @!p1 [hbm4b:s12+s18], $0x2000, $0x38;
	[tilespmem:$0x7200] =	vst v63  }
0x1e: {  	_ =	swait.ge @!p1 [sflag:s19], $0x2000  }
0x1f: {  	s31 =	sadd.s32 $0x20, s6;
	[sflag:s19] =	ssyncset.done @!p1 $0x0  }
0x20: {  	s20 =	simm.s32 @!p1 $0x2000;
	[sflag:s19] =	ssyncadd.s32 @!p1 $0xFFFFE000;
	s19 =	simm.s32 @!p1 $0x1  }
0x21: {  	[spmem:s3] =	stream.indirect.scatter.add.f32 @!p1 [tilespmem:s20], [sflag:$0x1], $0x1, s18, s20, $0xb8;
	[tilespmem:$0x7200] =	vst v63  }
0x22: {  	s17 =	simm.s32 $0x40;
	p2 =	por p1, p1;
	_ =	swait.ge @!p1 [sflag:s19], $0x2000  }
0x23: {  	s18 =	sadd.s32 $0x8000, s12;
	p1 =	sgt.u32 s31, $0x30C;
	[sflag:s19] =	ssyncset.done @!p2 $0x0  }
.LBB2_2:
0x24: {  	s20 =	simm.s32 @!p1 $0x0;
	s21 =	simm.s32 @!p1 $0x2  }
0x25: {  	[sflag:s19] =	ssyncadd.s32 @!p2 $0xFFFFE000;
	s22 =	smov.u32 s17;
	s17 =	sadd.s32 $0x20, s17  }
0x26: {  	[tilespmem:s20], [sflag:$0x2] =	stream.linear.gather @!p1 [hbm4b:s18+s20], $0x2000, $0x38;
	[tilespmem:$0x7200] =	vst v63  }
0x27: {  	p3 =	sne.s32 s17, $0x320;
	_ =	swait.ge @!p1 [sflag:s21], $0x2000  }
.Ltmp0:
0x28: {  	[sflag:s21] =	ssyncset.done @!p1 $0x0;
	(pc) =	sbr.rel @p3 .LBB2_2-.Ltmp0, $4  }
0x29: {  	s19 =	simm.s32 @!p1 $0x1;
	[sflag:s21] =	ssyncadd.s32 @!p1 $0xFFFFE000;
	s21 =	simm.s32 @!p1 $0x2000  }
0x2a: {  	[spmem:s3] =	stream.indirect.scatter.add.f32 @!p1 [tilespmem:s21], [sflag:$0x1], $0x1, s20, s21, $0xb8;
	[tilespmem:$0x7200] =	vst v63  }
0x2b: {  	p2 =	por p1, p1;
	s20 =	sadd.s32 s22, s6;
	_ =	swait.ge @!p1 [sflag:s19], $0x2000  }
0x2c: {  	s18 =	sadd.s32 $0x8000, s18;
	p1 =	sgt.u32 s20, $0x30C;
	[sflag:s19] =	ssyncset.done @!p2 $0x0  }
0x2d: {  	s17 =	simm.s32 @!p1 $0x0;
	s20 =	simm.s32 @!p1 $0x2;
	[sflag:s19] =	ssyncadd.s32 @!p2 $0xFFFFE000  }
0x2e: {  	[tilespmem:s17], [sflag:$0x2] =	stream.linear.gather @!p1 [hbm4b:s18+s17], $0x2000, $0x38;
	[tilespmem:$0x7200] =	vst v63  }
0x2f: {  	_ =	swait.ge @!p1 [sflag:s20], $0x2000  }
0x30: {  	[sflag:s20] =	ssyncset.done @!p1 $0x0  }
0x31: {  	s19 =	simm.s32 @!p1 $0x1;
	s18 =	simm.s32 @!p1 $0x2000;
	[sflag:s20] =	ssyncadd.s32 @!p1 $0xFFFFE000  }
0x32: {  	[spmem:s3] =	stream.indirect.scatter.add.f32 @!p1 [tilespmem:s18], [sflag:$0x1], $0x1, s17, s18, $0xb8;
	[tilespmem:$0x7200] =	vst v63  }
0x33: {  	_ =	swait.ge @!p1 [sflag:s19], $0x2000;
	p1 =	por p1, p1  }
0x34: {  	[sflag:s19] =	ssyncset.done @!p1 $0x0  }
0x35: {  	s17 =	simm.s32 @!p0 $0x0;
	s18 =	simm.s32 @!p0 $0x1;
	[sflag:s19] =	ssyncadd.s32 @!p1 $0xFFFFE000  }
0x36: {  	[tilespmem:s17], [sflag:$0x1] =	stream.linear.gather @!p0 [hbm4b:s2+s17], $0x2000, $0x38;
	[tilespmem:$0x7200] =	vst v63  }
0x37: {  	_ =	swait.ge @!p0 [sflag:s18], $0x2000  }
0x38: {  	[sflag:s18] =	ssyncset.done @!p0 $0x0  }
0x39: {  	[sflag:s18] =	ssyncadd.s32 @!p0 $0xFFFFE000  }
0x3a: {  	[tilespmem:s17], [sflag:$0x1] =	stream.linear.gather @!p0 [hbm4b:s9+s17], $0x800, $0x38;
	[tilespmem:$0x7200] =	vst v63  }
0x3b: {  	_ =	swait.ge @!p0 [sflag:s18], $0x800  }
0x3c: {  	[sflag:s18] =	ssyncset.done @!p0 $0x0  }
0x3d: {  	s19 =	simm.s32 @!p0 $0x2000;
	[sflag:s18] =	ssyncadd.s32 @!p0 $0xFFFFF800  }
0x3e: {  	[spmem:s3] =	stream.indirect.scatter.add.f32 @!p0 [tilespmem:s19], [sflag:$0x1], $0x1, s17, s19, $0xb8;
	[tilespmem:$0x7200] =	vst v63  }
0x3f: {  	_ =	swait.ge @!p0 [sflag:s18], $0x2000  }
0x40: {  	[sflag:s18] =	ssyncset.done @!p0 $0x0  }
0x41: {  	[sflag:s18] =	ssyncadd.s32 @!p0 $0xFFFFE000  }
0x42: {  	[bflag:$0x0] =	sbarrier.arrive $0xFFFF  }
0x43: {  	[tilespmem:s13], [sflag:$0x1] =	stream.linear.gather [spmem:s8], $0x1900, $0x38;
	[tilespmem:$0x7200] =	vst v63  }
0x44: {  	s16 =	sadd.s32 $0x1, s16;
	_ =	swait.ge [sflag:s14], $0x1900  }
0x45: {  	p1 =	sne.s32 s16, s11;
	[sflag:s14] =	ssyncset.done $0x0  }
.Ltmp1:
0x46: {  	[sflag:s14] =	ssyncadd.s32 $0xFFFFE700;
	(pc) =	sbr.rel @p1 .LBB2_1-.Ltmp1, $4  }
0x47: {  	[hbm4b:s10+s4] =	stream.linear.scatter [tilespmem:s13], [sflag:$0x1], $0x1900, $0x38;
	[tilespmem:$0x7200] =	vst v63  }
0x48: {  	_ =	swait.ge [sflag:s14], $0x1900  }
0x49: {  	[sflag:s14] =	ssyncset.done $0x0  }
0x4a: {  	[sflag:s14] =	ssyncadd.s32 $0xFFFFE700  }
0x4b: {  	_ =	sfence.sel $0x180000  }
0x4c: {  	[bflag:$0x0] =	sbarrier.arrive $0xFFFF  }
0x4d: {  	p0 =	sne.s32 s1, $0x0;
	_ =	strace $0x90000047  }
0x4e: {  	s0 =	sadd.s32 @!p0 $0x100000, s0;
	[bflag:$0x2] =	sbarrier.arrive $0xFFFF  }
0x4f: {  	[sflag:s0] =	ssyncadd.tile.s32 @!p0 $0x1;
	_ =	shalt  }
.Lfunc_end2:
_tile_overlayer_lowered:
.L_overlay_start_2:
0x50: {  	(tag) =	ssettag $0x2  }
0x51: {  	s0 =	rddreg [dreg:$0x0];
	s2 =	stileid.u32  }
0x52: {  	s1 =	rddreg [dreg:$0x1];
	p0 =	sne.s32 s2, $0x0  }
0x53: {  	s3 =	rddreg [dreg:$0x2];
	[bflag:$0x3] =	sbarrier.arrive $0xFFFF;
	s2 =	simm.s32 @!p0 $0x1C01  }
0x54: {  	[timem:s3], [sflag:s2] =	dma.local @!p0 [hbm:s0], s1  }
0x55: {  	s0 =	simm.s32 @!p0 $0x1  }
0x56: {  	_ =	swait.ge @!p0 [sflag:s0], s1  }
0x57: {  	s1 =	ssub.s32 @!p0 $0x0, s1;
	[sflag:s0] =	ssyncset.done @!p0 $0x0  }
0x58: {  	[sflag:s0] =	ssyncadd.s32 @!p0 s1  }
0x59: {  	[bflag:$0x3] =	sbarrier.arrive $0xFFFF  }
0x5a: {  	_ =	shalt  }

</sc_bundles>
